<compile_context>
chip_gen: v7x
topology: tpu7x:2x2x1
jax: 0.10.2.dev20260603
libtpu: 0.0.44.dev20260713+nightly
codegen_flags: <defaults>
</compile_context>

<pallas_src>
import jax
import jax.numpy as jnp
from jax import lax
from jax.experimental import pallas as pl
from jax.experimental.pallas import tpu as pltpu
from jax.experimental.pallas import tpu_sc as plsc

N = 10000
E = 320000
D_IN = 128
H = 128
OUT = 3
NUM_HE = 10000
NG = 64

_NC = 2
_NS = 16
_NW = _NC * _NS
_EPW = E // _NW
_CH = 128
_NCHK = 80
_EPWP = _CH * _NCHK
_PAD = _NW * _EPWP - E
_NP = 10240
_RPT = _NP // _NS

_mesh = plsc.VectorSubcoreMesh(core_axis_name="c", subcore_axis_name="s")


def _spmm_body(table, idxg, idxs, zeros, out, acc,
               idxs_v, g0, g1, rows0, rows1, semi0, semi1, semg0, semg1):
    c = lax.axis_index("c")
    s = lax.axis_index("s")
    wid = c * _NS + s
    pltpu.sync_copy(zeros, acc.at[pl.ds(s * _RPT, _RPT)])
    pltpu.sync_copy(idxs.at[wid], idxs_v)
    plsc.subcore_barrier()

    def fire_gidx(j, gb, sem):
        base = (wid * _NCHK + j) * _CH
        pltpu.async_copy(idxg.at[pl.ds(base, _CH)], gb.at[0], sem)

    def wait_gidx(j, gb, sem):
        base = (wid * _NCHK + j) * _CH
        pltpu.make_async_copy(idxg.at[pl.ds(base, _CH)], gb.at[0], sem).wait()

    def half(j, gb, rows_c, semg_c, semi_c, gb_n, rows_n, semg_n, semi_n,
             prefetch):
        wait_gidx(j + 1, gb_n, semi_n)
        pltpu.make_async_copy(table.at[gb.at[0]], rows_c, semg_c).wait()
        pltpu.async_copy(table.at[gb_n.at[0]], rows_n, semg_n)
        pltpu.sync_copy(rows_c, acc.at[idxs_v.at[j]], add=True)
        if prefetch:
            fire_gidx(j + 2, gb, semi_c)

    fire_gidx(0, g0, semi0)
    fire_gidx(1, g1, semi1)
    wait_gidx(0, g0, semi0)
    pltpu.async_copy(table.at[g0.at[0]], rows0, semg0)

    def body(k, carry):
        j0 = 2 * k
        half(j0, g0, rows0, semg0, semi0, g1, rows1, semg1, semi1, True)
        half(j0 + 1, g1, rows1, semg1, semi1, g0, rows0, semg0, semi0, True)
        return carry

    lax.fori_loop(0, _NCHK // 2 - 1, body, 0)
    jt = _NCHK - 2
    half(jt, g0, rows0, semg0, semi0, g1, rows1, semg1, semi1, False)
    pltpu.make_async_copy(table.at[g1.at[0]], rows1, semg1).wait()
    pltpu.sync_copy(rows1, acc.at[idxs_v.at[jt + 1]], add=True)

    plsc.subcore_barrier()
    base = c * _NP + s * _RPT
    pltpu.sync_copy(acc.at[pl.ds(s * _RPT, _RPT)], out.at[pl.ds(base, _RPT)])


def _sc_spmm(table, idxg, idxs, zeros):
    return pl.kernel(
        _spmm_body,
        out_type=jax.ShapeDtypeStruct((_NC * _NP, H), jnp.float32),
        mesh=_mesh,
        scratch_types=[
            pltpu.VMEM_SHARED((_NP, H), jnp.float32),
            pltpu.VMEM((_NCHK, _CH), jnp.int32),
            pltpu.VMEM((8, _CH), jnp.int32),
            pltpu.VMEM((8, _CH), jnp.int32),
            pltpu.VMEM((_CH, H), jnp.float32),
            pltpu.VMEM((_CH, H), jnp.float32),
            pltpu.SemaphoreType.DMA,
            pltpu.SemaphoreType.DMA,
            pltpu.SemaphoreType.DMA,
            pltpu.SemaphoreType.DMA,
        ],
    )(table, idxg, idxs, zeros)


def _degs_body(idxd, idxb, ones_h, zeros, outd, outb, acc, idxv, rows):
    c = lax.axis_index("c")
    s = lax.axis_index("s")
    wid = c * _NS + s
    base = c * _NP + s * _RPT

    def phase(idx_hbm, out_hbm):
        pltpu.sync_copy(zeros, acc.at[pl.ds(s * _RPT, _RPT)])
        pltpu.sync_copy(idx_hbm.at[wid], idxv)
        plsc.subcore_barrier()

        def lbody(j, carry):
            pltpu.sync_copy(rows, acc.at[idxv.at[j]], add=True)
            return carry

        lax.fori_loop(0, _NCHK, lbody, 0)
        plsc.subcore_barrier()
        pltpu.sync_copy(acc.at[pl.ds(s * _RPT, _RPT)],
                        out_hbm.at[pl.ds(base, _RPT)])

    pltpu.sync_copy(ones_h, rows)
    phase(idxd, outd)
    plsc.subcore_barrier()
    phase(idxb, outb)


def _sc_degrees(idxd, idxb, ones_h, zeros):
    return pl.kernel(
        _degs_body,
        out_type=(jax.ShapeDtypeStruct((_NC * _NP, H), jnp.float32),
                  jax.ShapeDtypeStruct((_NC * _NP, H), jnp.float32)),
        mesh=_mesh,
        scratch_types=[
            pltpu.VMEM_SHARED((_NP, H), jnp.float32),
            pltpu.VMEM((_NCHK, _CH), jnp.int32),
            pltpu.VMEM((_CH, H), jnp.float32),
        ],
    )(idxd, idxb, ones_h, zeros)


def _mm_body(x_ref, w_ref, o_ref):
    o_ref[...] = jnp.dot(x_ref[...], w_ref[...],
                         preferred_element_type=jnp.float32)


def _tc_matmul(x, w):
    m, _ = x.shape
    _, n = w.shape
    return pl.pallas_call(
        _mm_body,
        out_shape=jax.ShapeDtypeStruct((m, n), jnp.float32),
    )(x, w)


def _combine_scale_body(p_ref, deg_ref, o_ref):
    p = p_ref[0:N, :] + p_ref[_NP:_NP + N, :]
    d = deg_ref[0:N, 0:1] + deg_ref[_NP:_NP + N, 0:1]
    inv = jnp.where(d > 0, 1.0 / d, 0.0)
    o_ref[...] = p * inv


def _tc_combine_scale(p, deg):
    return pl.pallas_call(
        _combine_scale_body,
        out_shape=jax.ShapeDtypeStruct((N, H), jnp.float32),
    )(p, deg)


def _finish_mm_body(q_ref, deg_ref, b_ref, w_ref, o_ref):
    q = q_ref[0:N, :] + q_ref[_NP:_NP + N, :]
    d = deg_ref[0:N, 0:1] + deg_ref[_NP:_NP + N, 0:1]
    inv = jnp.where(d > 0, 1.0 / d, 0.0)
    h1 = jax.nn.relu(q * inv + b_ref[...])
    o_ref[...] = jnp.dot(h1, w_ref[...], preferred_element_type=jnp.float32)


def _tc_finish_mm(q, deg, b, w):
    return pl.pallas_call(
        _finish_mm_body,
        out_shape=jax.ShapeDtypeStruct((N, H), jnp.float32),
    )(q, deg, b, w)


def _tail_body(q_ref, deg_ref, b_ref, batch_ref, mw1_ref, mb1_ref,
               mw2_ref, mb2_ref, o_ref):
    q = q_ref[0:N, :] + q_ref[_NP:_NP + N, :]
    d = deg_ref[0:N, 0:1] + deg_ref[_NP:_NP + N, 0:1]
    inv = jnp.where(d > 0, 1.0 / d, 0.0)
    h2 = jax.nn.relu(q * inv + b_ref[...])
    groups = lax.broadcasted_iota(jnp.int32, (NG, N), 0)
    oh = (batch_ref[...] == groups).astype(jnp.float32)
    pooled = jnp.dot(oh, h2, preferred_element_type=jnp.float32)
    counts = jnp.sum(oh, axis=1, keepdims=True)
    pooled = pooled / jnp.maximum(counts, 1.0)
    z = jax.nn.relu(jnp.dot(pooled, mw1_ref[...],
                            preferred_element_type=jnp.float32) + mb1_ref[...])
    o_ref[...] = jnp.dot(z, mw2_ref[...],
                         preferred_element_type=jnp.float32) + mb2_ref[...]


def _tc_tail(q, deg, b, batch2d, mw1, mb1, mw2, mb2):
    return pl.pallas_call(
        _tail_body,
        out_shape=jax.ShapeDtypeStruct((NG, OUT), jnp.float32),
    )(q, deg, b, batch2d, mw1, mb1, mw2, mb2)


def kernel(x, edge_index, batch, W1, b1, W2, b2, Mw1, Mb1, Mw2, Mb2):
    src_flat = edge_index[0]
    he_flat = edge_index[1]
    pad_iota = jnp.arange(_PAD, dtype=jnp.int32)
    padg = pad_iota % N
    pads = N + pad_iota % (_NP - N)
    src_g = jnp.concatenate([src_flat, padg])
    src_s = jnp.concatenate([src_flat, pads]).reshape(_NW, _NCHK, _CH)
    he_g = jnp.concatenate([he_flat, padg])
    he_s = jnp.concatenate([he_flat, pads]).reshape(_NW, _NCHK, _CH)
    ones_chunk = jnp.ones((_CH, H), jnp.float32)
    zeros = jnp.zeros((_RPT, H), jnp.float32)
    batch2d = batch.reshape(1, N)
    b1r = b1.reshape(1, H)
    b2r = b2.reshape(1, H)
    mb1r = Mb1.reshape(1, H)
    mb2r = Mb2.reshape(1, OUT)

    degd_p, degb_p = _sc_degrees(src_s, he_s, ones_chunk, zeros)

    xw1 = _tc_matmul(x, W1)
    p1 = _sc_spmm(xw1, src_g, he_s, zeros)
    he1 = _tc_combine_scale(p1, degb_p)
    q1 = _sc_spmm(he1, he_g, src_s, zeros)
    xw2 = _tc_finish_mm(q1, degd_p, b1r, W2)
    p2 = _sc_spmm(xw2, src_g, he_s, zeros)
    he2 = _tc_combine_scale(p2, degb_p)
    q2 = _sc_spmm(he2, he_g, src_s, zeros)
    return _tc_tail(q2, degd_p, b2r, batch2d, Mw1, mb1r, Mw2, mb2r)

# --- scband reference (transcript-rebuilt; emitter-appended) ---
"""Pipeline reference for scband-hgconv-12644383719477 (READ-ONLY COPY).

The authoritative reference and input builder live on the scoring server;
editing this copy changes nothing except your own understanding.
"""

import jax, jax.numpy as jnp
import numpy as np

N = 10000
E = 320000
D_IN = 128
H = 128
OUT = 3
NUM_HE = 10000
NG = 64


def setup_inputs(seed: int = 0) -> dict:
    key = jax.random.key(seed)
    ks = jax.random.split(key, 12)
    x = jax.random.normal(ks[0], (N, D_IN), dtype=jnp.float32)
    edge_index = jax.random.randint(ks[1], (2, E), 0, N, dtype=jnp.int32)
    batch = jnp.sort(jax.random.randint(ks[2], (N,), 0, NG, dtype=jnp.int32))
    W1 = jax.random.normal(ks[3], (D_IN, H), dtype=jnp.float32) * 0.05
    b1 = jnp.zeros((H,), dtype=jnp.float32)
    W2 = jax.random.normal(ks[4], (H, H), dtype=jnp.float32) * 0.05
    b2 = jnp.zeros((H,), dtype=jnp.float32)
    Mw1 = jax.random.normal(ks[5], (H, H), dtype=jnp.float32) * 0.05
    Mb1 = jnp.zeros((H,), dtype=jnp.float32)
    Mw2 = jax.random.normal(ks[6], (H, OUT), dtype=jnp.float32) * 0.05
    Mb2 = jnp.zeros((OUT,), dtype=jnp.float32)
    return {"x": x, "edge_index": edge_index, "batch": batch,
            "W1": W1, "b1": b1, "W2": W2, "b2": b2,
            "Mw1": Mw1, "Mb1": Mb1, "Mw2": Mw2, "Mb2": Mb2}


def _hgconv(x, edge_index, W, b):
    # PyG HypergraphConv (no attention, unit hyperedge weights):
    # X' = D^{-1} H B^{-1} H^T X Theta + bias
    src = edge_index[0]   # node indices of incidence pairs
    he = edge_index[1]    # hyperedge indices of incidence pairs
    ones = jnp.ones((E,), dtype=jnp.float32)
    Ddeg = jax.ops.segment_sum(ones, src, num_segments=N)
    Dinv = jnp.where(Ddeg > 0, 1.0 / Ddeg, 0.0)
    Bdeg = jax.ops.segment_sum(ones, he, num_segments=NUM_HE)
    Binv = jnp.where(Bdeg > 0, 1.0 / Bdeg, 0.0)
    xw = x @ W
    # node -> hyperedge aggregation, normalized by B^{-1}
    he_feat = jax.ops.segment_sum(xw[src] * Binv[he][:, None], he, num_segments=NUM_HE)
    # hyperedge -> node aggregation, normalized by D^{-1}
    out = jax.ops.segment_sum(he_feat[he] * Dinv[src][:, None], src, num_segments=N)
    return out + b


def reference(x, edge_index, batch, W1, b1, W2, b2, Mw1, Mb1, Mw2, Mb2):
    h = jax.nn.relu(_hgconv(x, edge_index, W1, b1))
    # dropout is identity in eval mode
    h = jax.nn.relu(_hgconv(h, edge_index, W2, b2))
    counts = jax.ops.segment_sum(jnp.ones((N,), dtype=jnp.float32), batch, num_segments=NG)
    pooled = jax.ops.segment_sum(h, batch, num_segments=NG) / jnp.maximum(counts, 1.0)[:, None]
    out = jax.nn.relu(pooled @ Mw1 + Mb1) @ Mw2 + Mb2
    return out

if __name__ == "__main__":
    import jax
    _d = setup_inputs()
    print(jax.jit(kernel)(*tuple(_d.values())))

</pallas_src>

<mosaic_0001>
#map = affine_map<(d0, d1) -> (0, 0, 0)>
#map1 = affine_map<(d0, d1) -> (0, 0)>
module attributes {stable_mosaic.version = 14 : i64} {
  func.func @_degs_body(%arg0: i32, %arg1: i32, %arg2: memref<32x80x128xi32, #tpu.memory_space<hbm>>, %arg3: memref<32x80x128xi32, #tpu.memory_space<hbm>>, %arg4: memref<128x128xf32, #tpu.memory_space<hbm>>, %arg5: memref<640x128xf32, #tpu.memory_space<hbm>>, %arg6: memref<20480x128xf32, #tpu.memory_space<hbm>>, %arg7: memref<20480x128xf32, #tpu.memory_space<hbm>>, %arg8: memref<10240x128xf32, #tpu.memory_space<vmem_shared>>, %arg9: memref<80x128xi32, #tpu.memory_space<vmem>>, %arg10: memref<128x128xf32, #tpu.memory_space<vmem>>) attributes {dimension_semantics = [#tpu.dimension_semantics<core_parallel>, #tpu.dimension_semantics<subcore_parallel>], iteration_bounds = array<i64: 2, 16>, scalar_prefetch = 0 : i64, scratch_operands = 3 : i64, tpu.core_type = #tpu.core_type<sc_vector_subcore>, window_params = [{transform_indices = #map}, {transform_indices = #map}, {transform_indices = #map1}, {transform_indices = #map1}, {transform_indices = #map1}, {transform_indices = #map1}]} {
    %mul3A = arith.constant 16 : i32
    %mul3A_0 = arith.muli %arg0, %mul3A : i32
    %add3A = arith.addi %mul3A_0, %arg1 : i32
    %mul3A_1 = arith.constant 10240 : i32
    %mul3A_2 = arith.muli %arg0, %mul3A_1 : i32
    %mul3A_3 = arith.constant 640 : i32
    %mul3A_4 = arith.muli %arg1, %mul3A_3 : i32
    %add3A_5 = arith.addi %mul3A_2, %mul3A_4 : i32
    "tpu.region"() ({
      %run_scoped3A = tpu.sem_alloc : memref<!tpu.dma_semaphore, #tpu.memory_space<semaphore_mem>>
      tpu.enqueue_dma source(%arg4 : memref<128x128xf32, #tpu.memory_space<hbm>>) target(%arg10 : memref<128x128xf32, #tpu.memory_space<vmem>>) target_semaphore(%run_scoped3A : memref<!tpu.dma_semaphore, #tpu.memory_space<semaphore_mem>>)
      tpu.wait_dma2 semaphore(%run_scoped3A : memref<!tpu.dma_semaphore, #tpu.memory_space<semaphore_mem>>) src(%arg4 : memref<128x128xf32, #tpu.memory_space<hbm>>) dst(%arg10 : memref<128x128xf32, #tpu.memory_space<vmem>>)
      tpu.yield
    }) : () -> ()
    %mul3A_6 = arith.constant 640 : i32
    %mul3A_7 = arith.muli %arg1, %mul3A_6 : i32
    "tpu.region"() ({
      %run_scoped3A = tpu.sem_alloc : memref<!tpu.dma_semaphore, #tpu.memory_space<semaphore_mem>>
      %dma_start3A = arith.constant 0 : i32
      %dma_start3A_29 = tpu.memref_slice %arg8[%mul3A_7, %dma_start3A] : memref<10240x128xf32, #tpu.memory_space<vmem_shared>> -> memref<640x128xf32, #tpu.memory_space<vmem_shared>>
      tpu.enqueue_dma source(%arg5 : memref<640x128xf32, #tpu.memory_space<hbm>>) target(%dma_start3A_29 : memref<640x128xf32, #tpu.memory_space<vmem_shared>>) target_semaphore(%run_scoped3A : memref<!tpu.dma_semaphore, #tpu.memory_space<semaphore_mem>>)
      %dma_wait3A = arith.constant 0 : i32
      %dma_wait3A_30 = tpu.memref_slice %arg8[%mul3A_7, %dma_wait3A] : memref<10240x128xf32, #tpu.memory_space<vmem_shared>> -> memref<640x128xf32, #tpu.memory_space<vmem_shared>>
      tpu.wait_dma2 semaphore(%run_scoped3A : memref<!tpu.dma_semaphore, #tpu.memory_space<semaphore_mem>>) src(%arg5 : memref<640x128xf32, #tpu.memory_space<hbm>>) dst(%dma_wait3A_30 : memref<640x128xf32, #tpu.memory_space<vmem_shared>>)
      tpu.yield
    }) : () -> ()
    "tpu.region"() ({
      %run_scoped3A = tpu.sem_alloc : memref<!tpu.dma_semaphore, #tpu.memory_space<semaphore_mem>>
      %dma_start3A = arith.constant 0 : i32
      %dma_start3A_29 = arith.constant 0 : i32
      %dma_start3A_30 = tpu.memref_slice %arg2[%add3A, %dma_start3A, %dma_start3A_29] : memref<32x80x128xi32, #tpu.memory_space<hbm>> -> memref<1x80x128xi32, #tpu.memory_space<hbm>>
      %dma_start3A_31 = tpu.memref_squeeze %dma_start3A_30 : memref<1x80x128xi32, #tpu.memory_space<hbm>> -> memref<80x128xi32, #tpu.memory_space<hbm>>
      %dma_start3A_32 = arith.constant 0 : i32
      %dma_start3A_33 = arith.constant 0 : i32
      %dma_start3A_34 = tpu.memref_slice %arg2[%add3A, %dma_start3A_32, %dma_start3A_33] : memref<32x80x128xi32, #tpu.memory_space<hbm>> -> memref<1x80x128xi32, #tpu.memory_space<hbm>>
      %dma_start3A_35 = tpu.memref_squeeze %dma_start3A_34 : memref<1x80x128xi32, #tpu.memory_space<hbm>> -> memref<80x128xi32, #tpu.memory_space<hbm>>
      tpu.enqueue_dma source(%dma_start3A_35 : memref<80x128xi32, #tpu.memory_space<hbm>>) target(%arg9 : memref<80x128xi32, #tpu.memory_space<vmem>>) target_semaphore(%run_scoped3A : memref<!tpu.dma_semaphore, #tpu.memory_space<semaphore_mem>>)
      %dma_wait3A = arith.constant 0 : i32
      %dma_wait3A_36 = arith.constant 0 : i32
      %dma_wait3A_37 = tpu.memref_slice %arg2[%add3A, %dma_wait3A, %dma_wait3A_36] : memref<32x80x128xi32, #tpu.memory_space<hbm>> -> memref<1x80x128xi32, #tpu.memory_space<hbm>>
      %dma_wait3A_38 = tpu.memref_squeeze %dma_wait3A_37 : memref<1x80x128xi32, #tpu.memory_space<hbm>> -> memref<80x128xi32, #tpu.memory_space<hbm>>
      %dma_wait3A_39 = arith.constant 0 : i32
      %dma_wait3A_40 = arith.constant 0 : i32
      %dma_wait3A_41 = tpu.memref_slice %arg2[%add3A, %dma_wait3A_39, %dma_wait3A_40] : memref<32x80x128xi32, #tpu.memory_space<hbm>> -> memref<1x80x128xi32, #tpu.memory_space<hbm>>
      %dma_wait3A_42 = tpu.memref_squeeze %dma_wait3A_41 : memref<1x80x128xi32, #tpu.memory_space<hbm>> -> memref<80x128xi32, #tpu.memory_space<hbm>>
      tpu.wait_dma2 semaphore(%run_scoped3A : memref<!tpu.dma_semaphore, #tpu.memory_space<semaphore_mem>>) src(%dma_wait3A_42 : memref<80x128xi32, #tpu.memory_space<hbm>>) dst(%arg9 : memref<80x128xi32, #tpu.memory_space<vmem>>)
      tpu.yield
    }) : () -> ()
    %barrier3A = arith.constant 0 : index
    tpu.barrier barrier_id(%barrier3A)
    %scan3A = arith.constant 0 : i32
    %scan3A_8 = arith.constant 0 : i32
    %scan3A_9 = arith.constant 80 : i32
    %scan3A_10 = arith.addi %scan3A_8, %scan3A_9 : i32
    %scan3A_11 = arith.constant 1 : i32
    scf.for %scan3A_29 = %scan3A_8 to %scan3A_10 step %scan3A_11  : i32 {
      "tpu.region"() ({
        %run_scoped3A = tpu.sem_alloc : memref<!tpu.dma_semaphore, #tpu.memory_space<semaphore_mem>>
        %dma_start3A = arith.constant 0 : i32
        %dma_start3A_30 = tpu.memref_slice %arg9[%scan3A_29, %dma_start3A] : memref<80x128xi32, #tpu.memory_space<vmem>> -> memref<1x128xi32, #tpu.memory_space<vmem>>
        %dma_start3A_31 = tpu.memref_squeeze %dma_start3A_30 : memref<1x128xi32, #tpu.memory_space<vmem>> -> memref<128xi32, #tpu.memory_space<vmem>>
        %dma_start3A_32 = arith.constant 0 : i32
        %dma_start3A_33 = arith.constant 0 : i32
        %dma_start3A_34 = tpu.memref_slice %arg8[%dma_start3A_32, %dma_start3A_33] : memref<10240x128xf32, #tpu.memory_space<vmem_shared>> -> memref<10240x128xf32, #tpu.memory_space<vmem_shared>>
        tpu.enqueue_indirect_dma source(%arg10 : memref<128x128xf32, #tpu.memory_space<vmem>>) target(%dma_start3A_34 : memref<10240x128xf32, #tpu.memory_space<vmem_shared>>) offsets(%dma_start3A_31 : memref<128xi32, #tpu.memory_space<vmem>>) semaphore(%run_scoped3A : memref<!tpu.dma_semaphore, #tpu.memory_space<semaphore_mem>>) {add = true}
        %dma_wait3A = arith.constant 0 : i32
        %dma_wait3A_35 = tpu.memref_slice %arg9[%scan3A_29, %dma_wait3A] : memref<80x128xi32, #tpu.memory_space<vmem>> -> memref<1x128xi32, #tpu.memory_space<vmem>>
        %dma_wait3A_36 = tpu.memref_squeeze %dma_wait3A_35 : memref<1x128xi32, #tpu.memory_space<vmem>> -> memref<128xi32, #tpu.memory_space<vmem>>
        %dma_wait3A_37 = arith.constant 0 : i32
        %dma_wait3A_38 = arith.constant 0 : i32
        %dma_wait3A_39 = tpu.memref_slice %arg8[%dma_wait3A_37, %dma_wait3A_38] : memref<10240x128xf32, #tpu.memory_space<vmem_shared>> -> memref<10240x128xf32, #tpu.memory_space<vmem_shared>>
        tpu.wait_indirect_dma semaphore(%run_scoped3A : memref<!tpu.dma_semaphore, #tpu.memory_space<semaphore_mem>>) src(%arg10 : memref<128x128xf32, #tpu.memory_space<vmem>>) dst(%dma_wait3A_39 : memref<10240x128xf32, #tpu.memory_space<vmem_shared>>)
        tpu.yield
      }) : () -> ()
    }
    %scan3A_12 = arith.constant 80 : i32
    %barrier3A_13 = arith.constant 0 : index
    tpu.barrier barrier_id(%barrier3A_13)
    %mul3A_14 = arith.constant 640 : i32
    %mul3A_15 = arith.muli %arg1, %mul3A_14 : i32
    "tpu.region"() ({
      %run_scoped3A = tpu.sem_alloc : memref<!tpu.dma_semaphore, #tpu.memory_space<semaphore_mem>>
      %dma_start3A = arith.constant 0 : i32
      %dma_start3A_29 = tpu.memref_slice %arg6[%add3A_5, %dma_start3A] : memref<20480x128xf32, #tpu.memory_space<hbm>> -> memref<640x128xf32, #tpu.memory_space<hbm>>
      %dma_start3A_30 = arith.constant 0 : i32
      %dma_start3A_31 = tpu.memref_slice %arg8[%mul3A_15, %dma_start3A_30] : memref<10240x128xf32, #tpu.memory_space<vmem_shared>> -> memref<640x128xf32, #tpu.memory_space<vmem_shared>>
      tpu.enqueue_dma source(%dma_start3A_31 : memref<640x128xf32, #tpu.memory_space<vmem_shared>>) target(%dma_start3A_29 : memref<640x128xf32, #tpu.memory_space<hbm>>) target_semaphore(%run_scoped3A : memref<!tpu.dma_semaphore, #tpu.memory_space<semaphore_mem>>)
      %dma_wait3A = arith.constant 0 : i32
      %dma_wait3A_32 = tpu.memref_slice %arg6[%add3A_5, %dma_wait3A] : memref<20480x128xf32, #tpu.memory_space<hbm>> -> memref<640x128xf32, #tpu.memory_space<hbm>>
      %dma_wait3A_33 = arith.constant 0 : i32
      %dma_wait3A_34 = tpu.memref_slice %arg8[%mul3A_15, %dma_wait3A_33] : memref<10240x128xf32, #tpu.memory_space<vmem_shared>> -> memref<640x128xf32, #tpu.memory_space<vmem_shared>>
      tpu.wait_dma2 semaphore(%run_scoped3A : memref<!tpu.dma_semaphore, #tpu.memory_space<semaphore_mem>>) src(%dma_wait3A_34 : memref<640x128xf32, #tpu.memory_space<vmem_shared>>) dst(%dma_wait3A_32 : memref<640x128xf32, #tpu.memory_space<hbm>>)
      tpu.yield
    }) : () -> ()
    %barrier3A_16 = arith.constant 0 : index
    tpu.barrier barrier_id(%barrier3A_16)
    %mul3A_17 = arith.constant 640 : i32
    %mul3A_18 = arith.muli %arg1, %mul3A_17 : i32
    "tpu.region"() ({
      %run_scoped3A = tpu.sem_alloc : memref<!tpu.dma_semaphore, #tpu.memory_space<semaphore_mem>>
      %dma_start3A = arith.constant 0 : i32
      %dma_start3A_29 = tpu.memref_slice %arg8[%mul3A_18, %dma_start3A] : memref<10240x128xf32, #tpu.memory_space<vmem_shared>> -> memref<640x128xf32, #tpu.memory_space<vmem_shared>>
      tpu.enqueue_dma source(%arg5 : memref<640x128xf32, #tpu.memory_space<hbm>>) target(%dma_start3A_29 : memref<640x128xf32, #tpu.memory_space<vmem_shared>>) target_semaphore(%run_scoped3A : memref<!tpu.dma_semaphore, #tpu.memory_space<semaphore_mem>>)
      %dma_wait3A = arith.constant 0 : i32
      %dma_wait3A_30 = tpu.memref_slice %arg8[%mul3A_18, %dma_wait3A] : memref<10240x128xf32, #tpu.memory_space<vmem_shared>> -> memref<640x128xf32, #tpu.memory_space<vmem_shared>>
      tpu.wait_dma2 semaphore(%run_scoped3A : memref<!tpu.dma_semaphore, #tpu.memory_space<semaphore_mem>>) src(%arg5 : memref<640x128xf32, #tpu.memory_space<hbm>>) dst(%dma_wait3A_30 : memref<640x128xf32, #tpu.memory_space<vmem_shared>>)
      tpu.yield
    }) : () -> ()
    "tpu.region"() ({
      %run_scoped3A = tpu.sem_alloc : memref<!tpu.dma_semaphore, #tpu.memory_space<semaphore_mem>>
      %dma_start3A = arith.constant 0 : i32
      %dma_start3A_29 = arith.constant 0 : i32
      %dma_start3A_30 = tpu.memref_slice %arg3[%add3A, %dma_start3A, %dma_start3A_29] : memref<32x80x128xi32, #tpu.memory_space<hbm>> -> memref<1x80x128xi32, #tpu.memory_space<hbm>>
      %dma_start3A_31 = tpu.memref_squeeze %dma_start3A_30 : memref<1x80x128xi32, #tpu.memory_space<hbm>> -> memref<80x128xi32, #tpu.memory_space<hbm>>
      %dma_start3A_32 = arith.constant 0 : i32
      %dma_start3A_33 = arith.constant 0 : i32
      %dma_start3A_34 = tpu.memref_slice %arg3[%add3A, %dma_start3A_32, %dma_start3A_33] : memref<32x80x128xi32, #tpu.memory_space<hbm>> -> memref<1x80x128xi32, #tpu.memory_space<hbm>>
      %dma_start3A_35 = tpu.memref_squeeze %dma_start3A_34 : memref<1x80x128xi32, #tpu.memory_space<hbm>> -> memref<80x128xi32, #tpu.memory_space<hbm>>
      tpu.enqueue_dma source(%dma_start3A_35 : memref<80x128xi32, #tpu.memory_space<hbm>>) target(%arg9 : memref<80x128xi32, #tpu.memory_space<vmem>>) target_semaphore(%run_scoped3A : memref<!tpu.dma_semaphore, #tpu.memory_space<semaphore_mem>>)
      %dma_wait3A = arith.constant 0 : i32
      %dma_wait3A_36 = arith.constant 0 : i32
      %dma_wait3A_37 = tpu.memref_slice %arg3[%add3A, %dma_wait3A, %dma_wait3A_36] : memref<32x80x128xi32, #tpu.memory_space<hbm>> -> memref<1x80x128xi32, #tpu.memory_space<hbm>>
      %dma_wait3A_38 = tpu.memref_squeeze %dma_wait3A_37 : memref<1x80x128xi32, #tpu.memory_space<hbm>> -> memref<80x128xi32, #tpu.memory_space<hbm>>
      %dma_wait3A_39 = arith.constant 0 : i32
      %dma_wait3A_40 = arith.constant 0 : i32
      %dma_wait3A_41 = tpu.memref_slice %arg3[%add3A, %dma_wait3A_39, %dma_wait3A_40] : memref<32x80x128xi32, #tpu.memory_space<hbm>> -> memref<1x80x128xi32, #tpu.memory_space<hbm>>
      %dma_wait3A_42 = tpu.memref_squeeze %dma_wait3A_41 : memref<1x80x128xi32, #tpu.memory_space<hbm>> -> memref<80x128xi32, #tpu.memory_space<hbm>>
      tpu.wait_dma2 semaphore(%run_scoped3A : memref<!tpu.dma_semaphore, #tpu.memory_space<semaphore_mem>>) src(%dma_wait3A_42 : memref<80x128xi32, #tpu.memory_space<hbm>>) dst(%arg9 : memref<80x128xi32, #tpu.memory_space<vmem>>)
      tpu.yield
    }) : () -> ()
    %barrier3A_19 = arith.constant 0 : index
    tpu.barrier barrier_id(%barrier3A_19)
    %scan3A_20 = arith.constant 0 : i32
    %scan3A_21 = arith.constant 0 : i32
    %scan3A_22 = arith.constant 80 : i32
    %scan3A_23 = arith.addi %scan3A_21, %scan3A_22 : i32
    %scan3A_24 = arith.constant 1 : i32
    scf.for %scan3A_29 = %scan3A_21 to %scan3A_23 step %scan3A_24  : i32 {
      "tpu.region"() ({
        %run_scoped3A = tpu.sem_alloc : memref<!tpu.dma_semaphore, #tpu.memory_space<semaphore_mem>>
        %dma_start3A = arith.constant 0 : i32
        %dma_start3A_30 = tpu.memref_slice %arg9[%scan3A_29, %dma_start3A] : memref<80x128xi32, #tpu.memory_space<vmem>> -> memref<1x128xi32, #tpu.memory_space<vmem>>
        %dma_start3A_31 = tpu.memref_squeeze %dma_start3A_30 : memref<1x128xi32, #tpu.memory_space<vmem>> -> memref<128xi32, #tpu.memory_space<vmem>>
        %dma_start3A_32 = arith.constant 0 : i32
        %dma_start3A_33 = arith.constant 0 : i32
        %dma_start3A_34 = tpu.memref_slice %arg8[%dma_start3A_32, %dma_start3A_33] : memref<10240x128xf32, #tpu.memory_space<vmem_shared>> -> memref<10240x128xf32, #tpu.memory_space<vmem_shared>>
        tpu.enqueue_indirect_dma source(%arg10 : memref<128x128xf32, #tpu.memory_space<vmem>>) target(%dma_start3A_34 : memref<10240x128xf32, #tpu.memory_space<vmem_shared>>) offsets(%dma_start3A_31 : memref<128xi32, #tpu.memory_space<vmem>>) semaphore(%run_scoped3A : memref<!tpu.dma_semaphore, #tpu.memory_space<semaphore_mem>>) {add = true}
        %dma_wait3A = arith.constant 0 : i32
        %dma_wait3A_35 = tpu.memref_slice %arg9[%scan3A_29, %dma_wait3A] : memref<80x128xi32, #tpu.memory_space<vmem>> -> memref<1x128xi32, #tpu.memory_space<vmem>>
        %dma_wait3A_36 = tpu.memref_squeeze %dma_wait3A_35 : memref<1x128xi32, #tpu.memory_space<vmem>> -> memref<128xi32, #tpu.memory_space<vmem>>
        %dma_wait3A_37 = arith.constant 0 : i32
        %dma_wait3A_38 = arith.constant 0 : i32
        %dma_wait3A_39 = tpu.memref_slice %arg8[%dma_wait3A_37, %dma_wait3A_38] : memref<10240x128xf32, #tpu.memory_space<vmem_shared>> -> memref<10240x128xf32, #tpu.memory_space<vmem_shared>>
        tpu.wait_indirect_dma semaphore(%run_scoped3A : memref<!tpu.dma_semaphore, #tpu.memory_space<semaphore_mem>>) src(%arg10 : memref<128x128xf32, #tpu.memory_space<vmem>>) dst(%dma_wait3A_39 : memref<10240x128xf32, #tpu.memory_space<vmem_shared>>)
        tpu.yield
      }) : () -> ()
    }
    %scan3A_25 = arith.constant 80 : i32
    %barrier3A_26 = arith.constant 0 : index
    tpu.barrier barrier_id(%barrier3A_26)
    %mul3A_27 = arith.constant 640 : i32
    %mul3A_28 = arith.muli %arg1, %mul3A_27 : i32
    "tpu.region"() ({
      %run_scoped3A = tpu.sem_alloc : memref<!tpu.dma_semaphore, #tpu.memory_space<semaphore_mem>>
      %dma_start3A = arith.constant 0 : i32
      %dma_start3A_29 = tpu.memref_slice %arg7[%add3A_5, %dma_start3A] : memref<20480x128xf32, #tpu.memory_space<hbm>> -> memref<640x128xf32, #tpu.memory_space<hbm>>
      %dma_start3A_30 = arith.constant 0 : i32
      %dma_start3A_31 = tpu.memref_slice %arg8[%mul3A_28, %dma_start3A_30] : memref<10240x128xf32, #tpu.memory_space<vmem_shared>> -> memref<640x128xf32, #tpu.memory_space<vmem_shared>>
      tpu.enqueue_dma source(%dma_start3A_31 : memref<640x128xf32, #tpu.memory_space<vmem_shared>>) target(%dma_start3A_29 : memref<640x128xf32, #tpu.memory_space<hbm>>) target_semaphore(%run_scoped3A : memref<!tpu.dma_semaphore, #tpu.memory_space<semaphore_mem>>)
      %dma_wait3A = arith.constant 0 : i32
      %dma_wait3A_32 = tpu.memref_slice %arg7[%add3A_5, %dma_wait3A] : memref<20480x128xf32, #tpu.memory_space<hbm>> -> memref<640x128xf32, #tpu.memory_space<hbm>>
      %dma_wait3A_33 = arith.constant 0 : i32
      %dma_wait3A_34 = tpu.memref_slice %arg8[%mul3A_28, %dma_wait3A_33] : memref<10240x128xf32, #tpu.memory_space<vmem_shared>> -> memref<640x128xf32, #tpu.memory_space<vmem_shared>>
      tpu.wait_dma2 semaphore(%run_scoped3A : memref<!tpu.dma_semaphore, #tpu.memory_space<semaphore_mem>>) src(%dma_wait3A_34 : memref<640x128xf32, #tpu.memory_space<vmem_shared>>) dst(%dma_wait3A_32 : memref<640x128xf32, #tpu.memory_space<hbm>>)
      tpu.yield
    }) : () -> ()
    return
  }
}

#map = affine_map<(d0, d1) -> (0, 0)>
#map1 = affine_map<(d0, d1) -> (0)>
#map2 = affine_map<(d0, d1) -> (0, 0, 0)>
module attributes {stable_mosaic.version = 14 : i64} {
  func.func @_spmm_body(%arg0: i32, %arg1: i32, %arg2: memref<10000x128xf32, #tpu.memory_space<hbm>>, %arg3: memref<327680xi32, #tpu.memory_space<hbm>>, %arg4: memref<32x80x128xi32, #tpu.memory_space<hbm>>, %arg5: memref<640x128xf32, #tpu.memory_space<hbm>>, %arg6: memref<20480x128xf32, #tpu.memory_space<hbm>>, %arg7: memref<10240x128xf32, #tpu.memory_space<vmem_shared>>, %arg8: memref<80x128xi32, #tpu.memory_space<vmem>>, %arg9: memref<8x128xi32, #tpu.memory_space<vmem>>, %arg10: memref<8x128xi32, #tpu.memory_space<vmem>>, %arg11: memref<128x128xf32, #tpu.memory_space<vmem>>, %arg12: memref<128x128xf32, #tpu.memory_space<vmem>>, %arg13: memref<!tpu.dma_semaphore, #tpu.memory_space<semaphore_mem>>, %arg14: memref<!tpu.dma_semaphore, #tpu.memory_space<semaphore_mem>>, %arg15: memref<!tpu.dma_semaphore, #tpu.memory_space<semaphore_mem>>, %arg16: memref<!tpu.dma_semaphore, #tpu.memory_space<semaphore_mem>>) attributes {dimension_semantics = [#tpu.dimension_semantics<core_parallel>, #tpu.dimension_semantics<subcore_parallel>], iteration_bounds = array<i64: 2, 16>, scalar_prefetch = 0 : i64, scratch_operands = 10 : i64, tpu.core_type = #tpu.core_type<sc_vector_subcore>, window_params = [{transform_indices = #map}, {transform_indices = #map1}, {transform_indices = #map2}, {transform_indices = #map}, {transform_indices = #map}]} {
    %mul3A = arith.constant 16 : i32
    %mul3A_0 = arith.muli %arg0, %mul3A : i32
    %add3A = arith.addi %mul3A_0, %arg1 : i32
    %mul3A_1 = arith.constant 640 : i32
    %mul3A_2 = arith.muli %arg1, %mul3A_1 : i32
    "tpu.region"() ({
      %run_scoped3A_103 = tpu.sem_alloc : memref<!tpu.dma_semaphore, #tpu.memory_space<semaphore_mem>>
      %dma_start3A_104 = arith.constant 0 : i32
      %dma_start3A_105 = tpu.memref_slice %arg7[%mul3A_2, %dma_start3A_104] : memref<10240x128xf32, #tpu.memory_space<vmem_shared>> -> memref<640x128xf32, #tpu.memory_space<vmem_shared>>
      tpu.enqueue_dma source(%arg5 : memref<640x128xf32, #tpu.memory_space<hbm>>) target(%dma_start3A_105 : memref<640x128xf32, #tpu.memory_space<vmem_shared>>) target_semaphore(%run_scoped3A_103 : memref<!tpu.dma_semaphore, #tpu.memory_space<semaphore_mem>>)
      %dma_wait3A_106 = arith.constant 0 : i32
      %dma_wait3A_107 = tpu.memref_slice %arg7[%mul3A_2, %dma_wait3A_106] : memref<10240x128xf32, #tpu.memory_space<vmem_shared>> -> memref<640x128xf32, #tpu.memory_space<vmem_shared>>
      tpu.wait_dma2 semaphore(%run_scoped3A_103 : memref<!tpu.dma_semaphore, #tpu.memory_space<semaphore_mem>>) src(%arg5 : memref<640x128xf32, #tpu.memory_space<hbm>>) dst(%dma_wait3A_107 : memref<640x128xf32, #tpu.memory_space<vmem_shared>>)
      tpu.yield
    }) : () -> ()
    "tpu.region"() ({
      %run_scoped3A_103 = tpu.sem_alloc : memref<!tpu.dma_semaphore, #tpu.memory_space<semaphore_mem>>
      %dma_start3A_104 = arith.constant 0 : i32
      %dma_start3A_105 = arith.constant 0 : i32
      %dma_start3A_106 = tpu.memref_slice %arg4[%add3A, %dma_start3A_104, %dma_start3A_105] : memref<32x80x128xi32, #tpu.memory_space<hbm>> -> memref<1x80x128xi32, #tpu.memory_space<hbm>>
      %dma_start3A_107 = tpu.memref_squeeze %dma_start3A_106 : memref<1x80x128xi32, #tpu.memory_space<hbm>> -> memref<80x128xi32, #tpu.memory_space<hbm>>
      %dma_start3A_108 = arith.constant 0 : i32
      %dma_start3A_109 = arith.constant 0 : i32
      %dma_start3A_110 = tpu.memref_slice %arg4[%add3A, %dma_start3A_108, %dma_start3A_109] : memref<32x80x128xi32, #tpu.memory_space<hbm>> -> memref<1x80x128xi32, #tpu.memory_space<hbm>>
      %dma_start3A_111 = tpu.memref_squeeze %dma_start3A_110 : memref<1x80x128xi32, #tpu.memory_space<hbm>> -> memref<80x128xi32, #tpu.memory_space<hbm>>
      tpu.enqueue_dma source(%dma_start3A_111 : memref<80x128xi32, #tpu.memory_space<hbm>>) target(%arg8 : memref<80x128xi32, #tpu.memory_space<vmem>>) target_semaphore(%run_scoped3A_103 : memref<!tpu.dma_semaphore, #tpu.memory_space<semaphore_mem>>)
      %dma_wait3A_112 = arith.constant 0 : i32
      %dma_wait3A_113 = arith.constant 0 : i32
      %dma_wait3A_114 = tpu.memref_slice %arg4[%add3A, %dma_wait3A_112, %dma_wait3A_113] : memref<32x80x128xi32, #tpu.memory_space<hbm>> -> memref<1x80x128xi32, #tpu.memory_space<hbm>>
      %dma_wait3A_115 = tpu.memref_squeeze %dma_wait3A_114 : memref<1x80x128xi32, #tpu.memory_space<hbm>> -> memref<80x128xi32, #tpu.memory_space<hbm>>
      %dma_wait3A_116 = arith.constant 0 : i32
      %dma_wait3A_117 = arith.constant 0 : i32
      %dma_wait3A_118 = tpu.memref_slice %arg4[%add3A, %dma_wait3A_116, %dma_wait3A_117] : memref<32x80x128xi32, #tpu.memory_space<hbm>> -> memref<1x80x128xi32, #tpu.memory_space<hbm>>
      %dma_wait3A_119 = tpu.memref_squeeze %dma_wait3A_118 : memref<1x80x128xi32, #tpu.memory_space<hbm>> -> memref<80x128xi32, #tpu.memory_space<hbm>>
      tpu.wait_dma2 semaphore(%run_scoped3A_103 : memref<!tpu.dma_semaphore, #tpu.memory_space<semaphore_mem>>) src(%dma_wait3A_119 : memref<80x128xi32, #tpu.memory_space<hbm>>) dst(%arg8 : memref<80x128xi32, #tpu.memory_space<vmem>>)
      tpu.yield
    }) : () -> ()
    %barrier3A = arith.constant 0 : index
    tpu.barrier barrier_id(%barrier3A)
    %mul3A_3 = arith.constant 80 : i32
    %mul3A_4 = arith.muli %add3A, %mul3A_3 : i32
    %add3A_5 = arith.constant 0 : i32
    %add3A_6 = arith.addi %mul3A_4, %add3A_5 : i32
    %mul3A_7 = arith.constant 128 : i32
    %mul3A_8 = arith.muli %add3A_6, %mul3A_7 : i32
    %dma_start3A = arith.constant 0 : i32
    %dma_start3A_9 = arith.constant 0 : i32
    %dma_start3A_10 = tpu.memref_slice %arg9[%dma_start3A, %dma_start3A_9] : memref<8x128xi32, #tpu.memory_space<vmem>> -> memref<1x128xi32, #tpu.memory_space<vmem>>
    %dma_start3A_11 = tpu.memref_squeeze %dma_start3A_10 : memref<1x128xi32, #tpu.memory_space<vmem>> -> memref<128xi32, #tpu.memory_space<vmem>>
    %dma_start3A_12 = tpu.memref_slice %arg3[%mul3A_8] : memref<327680xi32, #tpu.memory_space<hbm>> -> memref<128xi32, #tpu.memory_space<hbm>>
    %dma_start3A_13 = arith.constant 0 : i32
    %dma_start3A_14 = tpu.memref_slice %arg9[%dma_start3A, %dma_start3A_13] : memref<8x128xi32, #tpu.memory_space<vmem>> -> memref<1x128xi32, #tpu.memory_space<vmem>>
    %dma_start3A_15 = tpu.memref_squeeze %dma_start3A_14 : memref<1x128xi32, #tpu.memory_space<vmem>> -> memref<128xi32, #tpu.memory_space<vmem>>
    %dma_start3A_16 = tpu.memref_slice %arg3[%mul3A_8] : memref<327680xi32, #tpu.memory_space<hbm>> -> memref<128xi32, #tpu.memory_space<hbm>>
    tpu.enqueue_dma source(%dma_start3A_16 : memref<128xi32, #tpu.memory_space<hbm>>) target(%dma_start3A_15 : memref<128xi32, #tpu.memory_space<vmem>>) target_semaphore(%arg13 : memref<!tpu.dma_semaphore, #tpu.memory_space<semaphore_mem>>)
    %mul3A_17 = arith.constant 80 : i32
    %mul3A_18 = arith.muli %add3A, %mul3A_17 : i32
    %add3A_19 = arith.constant 1 : i32
    %add3A_20 = arith.addi %mul3A_18, %add3A_19 : i32
    %mul3A_21 = arith.constant 128 : i32
    %mul3A_22 = arith.muli %add3A_20, %mul3A_21 : i32
    %dma_start3A_23 = arith.constant 0 : i32
    %dma_start3A_24 = arith.constant 0 : i32
    %dma_start3A_25 = tpu.memref_slice %arg10[%dma_start3A_23, %dma_start3A_24] : memref<8x128xi32, #tpu.memory_space<vmem>> -> memref<1x128xi32, #tpu.memory_space<vmem>>
    %dma_start3A_26 = tpu.memref_squeeze %dma_start3A_25 : memref<1x128xi32, #tpu.memory_space<vmem>> -> memref<128xi32, #tpu.memory_space<vmem>>
    %dma_start3A_27 = tpu.memref_slice %arg3[%mul3A_22] : memref<327680xi32, #tpu.memory_space<hbm>> -> memref<128xi32, #tpu.memory_space<hbm>>
    %dma_start3A_28 = arith.constant 0 : i32
    %dma_start3A_29 = tpu.memref_slice %arg10[%dma_start3A_23, %dma_start3A_28] : memref<8x128xi32, #tpu.memory_space<vmem>> -> memref<1x128xi32, #tpu.memory_space<vmem>>
    %dma_start3A_30 = tpu.memref_squeeze %dma_start3A_29 : memref<1x128xi32, #tpu.memory_space<vmem>> -> memref<128xi32, #tpu.memory_space<vmem>>
    %dma_start3A_31 = tpu.memref_slice %arg3[%mul3A_22] : memref<327680xi32, #tpu.memory_space<hbm>> -> memref<128xi32, #tpu.memory_space<hbm>>
    tpu.enqueue_dma source(%dma_start3A_31 : memref<128xi32, #tpu.memory_space<hbm>>) target(%dma_start3A_30 : memref<128xi32, #tpu.memory_space<vmem>>) target_semaphore(%arg14 : memref<!tpu.dma_semaphore, #tpu.memory_space<semaphore_mem>>)
    %mul3A_32 = arith.constant 80 : i32
    %mul3A_33 = arith.muli %add3A, %mul3A_32 : i32
    %add3A_34 = arith.constant 0 : i32
    %add3A_35 = arith.addi %mul3A_33, %add3A_34 : i32
    %mul3A_36 = arith.constant 128 : i32
    %mul3A_37 = arith.muli %add3A_35, %mul3A_36 : i32
    %dma_wait3A = arith.constant 0 : i32
    %dma_wait3A_38 = arith.constant 0 : i32
    %dma_wait3A_39 = tpu.memref_slice %arg9[%dma_wait3A, %dma_wait3A_38] : memref<8x128xi32, #tpu.memory_space<vmem>> -> memref<1x128xi32, #tpu.memory_space<vmem>>
    %dma_wait3A_40 = tpu.memref_squeeze %dma_wait3A_39 : memref<1x128xi32, #tpu.memory_space<vmem>> -> memref<128xi32, #tpu.memory_space<vmem>>
    %dma_wait3A_41 = tpu.memref_slice %arg3[%mul3A_37] : memref<327680xi32, #tpu.memory_space<hbm>> -> memref<128xi32, #tpu.memory_space<hbm>>
    %dma_wait3A_42 = arith.constant 0 : i32
    %dma_wait3A_43 = tpu.memref_slice %arg9[%dma_wait3A, %dma_wait3A_42] : memref<8x128xi32, #tpu.memory_space<vmem>> -> memref<1x128xi32, #tpu.memory_space<vmem>>
    %dma_wait3A_44 = tpu.memref_squeeze %dma_wait3A_43 : memref<1x128xi32, #tpu.memory_space<vmem>> -> memref<128xi32, #tpu.memory_space<vmem>>
    %dma_wait3A_45 = tpu.memref_slice %arg3[%mul3A_37] : memref<327680xi32, #tpu.memory_space<hbm>> -> memref<128xi32, #tpu.memory_space<hbm>>
    tpu.wait_dma2 semaphore(%arg13 : memref<!tpu.dma_semaphore, #tpu.memory_space<semaphore_mem>>) src(%dma_wait3A_45 : memref<128xi32, #tpu.memory_space<hbm>>) dst(%dma_wait3A_44 : memref<128xi32, #tpu.memory_space<vmem>>)
    %dma_start3A_46 = arith.constant 0 : i32
    %dma_start3A_47 = arith.constant 0 : i32
    %dma_start3A_48 = tpu.memref_slice %arg9[%dma_start3A_46, %dma_start3A_47] : memref<8x128xi32, #tpu.memory_space<vmem>> -> memref<1x128xi32, #tpu.memory_space<vmem>>
    %dma_start3A_49 = tpu.memref_squeeze %dma_start3A_48 : memref<1x128xi32, #tpu.memory_space<vmem>> -> memref<128xi32, #tpu.memory_space<vmem>>
    %dma_start3A_50 = arith.constant 0 : i32
    %dma_start3A_51 = arith.constant 0 : i32
    %dma_start3A_52 = tpu.memref_slice %arg2[%dma_start3A_50, %dma_start3A_51] : memref<10000x128xf32, #tpu.memory_space<hbm>> -> memref<10000x128xf32, #tpu.memory_space<hbm>>
    tpu.enqueue_indirect_dma source(%dma_start3A_52 : memref<10000x128xf32, #tpu.memory_space<hbm>>) target(%arg11 : memref<128x128xf32, #tpu.memory_space<vmem>>) offsets(%dma_start3A_49 : memref<128xi32, #tpu.memory_space<vmem>>) semaphore(%arg15 : memref<!tpu.dma_semaphore, #tpu.memory_space<semaphore_mem>>)
    %scan3A = arith.constant 0 : i32
    %scan3A_53 = arith.constant 0 : i32
    %scan3A_54 = arith.constant 39 : i32
    %scan3A_55 = arith.addi %scan3A_53, %scan3A_54 : i32
    %scan3A_56 = arith.constant 1 : i32
    scf.for %scan3A_103 = %scan3A_53 to %scan3A_55 step %scan3A_56  : i32 {
      %mul3A_104 = arith.constant 2 : i32
      %mul3A_105 = arith.muli %mul3A_104, %scan3A_103 : i32
      %add3A_106 = arith.constant 1 : i32
      %add3A_107 = arith.addi %mul3A_105, %add3A_106 : i32
      %mul3A_108 = arith.constant 80 : i32
      %mul3A_109 = arith.muli %add3A, %mul3A_108 : i32
      %add3A_110 = arith.addi %mul3A_109, %add3A_107 : i32
      %mul3A_111 = arith.constant 128 : i32
      %mul3A_112 = arith.muli %add3A_110, %mul3A_111 : i32
      %dma_wait3A_113 = arith.constant 0 : i32
      %dma_wait3A_114 = arith.constant 0 : i32
      %dma_wait3A_115 = tpu.memref_slice %arg10[%dma_wait3A_113, %dma_wait3A_114] : memref<8x128xi32, #tpu.memory_space<vmem>> -> memref<1x128xi32, #tpu.memory_space<vmem>>
      %dma_wait3A_116 = tpu.memref_squeeze %dma_wait3A_115 : memref<1x128xi32, #tpu.memory_space<vmem>> -> memref<128xi32, #tpu.memory_space<vmem>>
      %dma_wait3A_117 = tpu.memref_slice %arg3[%mul3A_112] : memref<327680xi32, #tpu.memory_space<hbm>> -> memref<128xi32, #tpu.memory_space<hbm>>
      %dma_wait3A_118 = arith.constant 0 : i32
      %dma_wait3A_119 = tpu.memref_slice %arg10[%dma_wait3A_113, %dma_wait3A_118] : memref<8x128xi32, #tpu.memory_space<vmem>> -> memref<1x128xi32, #tpu.memory_space<vmem>>
      %dma_wait3A_120 = tpu.memref_squeeze %dma_wait3A_119 : memref<1x128xi32, #tpu.memory_space<vmem>> -> memref<128xi32, #tpu.memory_space<vmem>>
      %dma_wait3A_121 = tpu.memref_slice %arg3[%mul3A_112] : memref<327680xi32, #tpu.memory_space<hbm>> -> memref<128xi32, #tpu.memory_space<hbm>>
      tpu.wait_dma2 semaphore(%arg14 : memref<!tpu.dma_semaphore, #tpu.memory_space<semaphore_mem>>) src(%dma_wait3A_121 : memref<128xi32, #tpu.memory_space<hbm>>) dst(%dma_wait3A_120 : memref<128xi32, #tpu.memory_space<vmem>>)
      %dma_wait3A_122 = arith.constant 0 : i32
      %dma_wait3A_123 = arith.constant 0 : i32
      %dma_wait3A_124 = tpu.memref_slice %arg9[%dma_wait3A_122, %dma_wait3A_123] : memref<8x128xi32, #tpu.memory_space<vmem>> -> memref<1x128xi32, #tpu.memory_space<vmem>>
      %dma_wait3A_125 = tpu.memref_squeeze %dma_wait3A_124 : memref<1x128xi32, #tpu.memory_space<vmem>> -> memref<128xi32, #tpu.memory_space<vmem>>
      %dma_wait3A_126 = arith.constant 0 : i32
      %dma_wait3A_127 = arith.constant 0 : i32
      %dma_wait3A_128 = tpu.memref_slice %arg2[%dma_wait3A_126, %dma_wait3A_127] : memref<10000x128xf32, #tpu.memory_space<hbm>> -> memref<10000x128xf32, #tpu.memory_space<hbm>>
      tpu.wait_indirect_dma semaphore(%arg15 : memref<!tpu.dma_semaphore, #tpu.memory_space<semaphore_mem>>) src(%dma_wait3A_128 : memref<10000x128xf32, #tpu.memory_space<hbm>>) dst(%arg11 : memref<128x128xf32, #tpu.memory_space<vmem>>)
      %dma_start3A_129 = arith.constant 0 : i32
      %dma_start3A_130 = arith.constant 0 : i32
      %dma_start3A_131 = tpu.memref_slice %arg10[%dma_start3A_129, %dma_start3A_130] : memref<8x128xi32, #tpu.memory_space<vmem>> -> memref<1x128xi32, #tpu.memory_space<vmem>>
      %dma_start3A_132 = tpu.memref_squeeze %dma_start3A_131 : memref<1x128xi32, #tpu.memory_space<vmem>> -> memref<128xi32, #tpu.memory_space<vmem>>
      %dma_start3A_133 = arith.constant 0 : i32
      %dma_start3A_134 = arith.constant 0 : i32
      %dma_start3A_135 = tpu.memref_slice %arg2[%dma_start3A_133, %dma_start3A_134] : memref<10000x128xf32, #tpu.memory_space<hbm>> -> memref<10000x128xf32, #tpu.memory_space<hbm>>
      tpu.enqueue_indirect_dma source(%dma_start3A_135 : memref<10000x128xf32, #tpu.memory_space<hbm>>) target(%arg12 : memref<128x128xf32, #tpu.memory_space<vmem>>) offsets(%dma_start3A_132 : memref<128xi32, #tpu.memory_space<vmem>>) semaphore(%arg16 : memref<!tpu.dma_semaphore, #tpu.memory_space<semaphore_mem>>)
      "tpu.region"() ({
        %run_scoped3A_200 = tpu.sem_alloc : memref<!tpu.dma_semaphore, #tpu.memory_space<semaphore_mem>>
        %dma_start3A_201 = arith.constant 0 : i32
        %dma_start3A_202 = tpu.memref_slice %arg8[%mul3A_105, %dma_start3A_201] : memref<80x128xi32, #tpu.memory_space<vmem>> -> memref<1x128xi32, #tpu.memory_space<vmem>>
        %dma_start3A_203 = tpu.memref_squeeze %dma_start3A_202 : memref<1x128xi32, #tpu.memory_space<vmem>> -> memref<128xi32, #tpu.memory_space<vmem>>
        %dma_start3A_204 = arith.constant 0 : i32
        %dma_start3A_205 = arith.constant 0 : i32
        %dma_start3A_206 = tpu.memref_slice %arg7[%dma_start3A_204, %dma_start3A_205] : memref<10240x128xf32, #tpu.memory_space<vmem_shared>> -> memref<10240x128xf32, #tpu.memory_space<vmem_shared>>
        tpu.enqueue_indirect_dma source(%arg11 : memref<128x128xf32, #tpu.memory_space<vmem>>) target(%dma_start3A_206 : memref<10240x128xf32, #tpu.memory_space<vmem_shared>>) offsets(%dma_start3A_203 : memref<128xi32, #tpu.memory_space<vmem>>) semaphore(%run_scoped3A_200 : memref<!tpu.dma_semaphore, #tpu.memory_space<semaphore_mem>>) {add = true}
        %dma_wait3A_207 = arith.constant 0 : i32
        %dma_wait3A_208 = tpu.memref_slice %arg8[%mul3A_105, %dma_wait3A_207] : memref<80x128xi32, #tpu.memory_space<vmem>> -> memref<1x128xi32, #tpu.memory_space<vmem>>
        %dma_wait3A_209 = tpu.memref_squeeze %dma_wait3A_208 : memref<1x128xi32, #tpu.memory_space<vmem>> -> memref<128xi32, #tpu.memory_space<vmem>>
        %dma_wait3A_210 = arith.constant 0 : i32
        %dma_wait3A_211 = arith.constant 0 : i32
        %dma_wait3A_212 = tpu.memref_slice %arg7[%dma_wait3A_210, %dma_wait3A_211] : memref<10240x128xf32, #tpu.memory_space<vmem_shared>> -> memref<10240x128xf32, #tpu.memory_space<vmem_shared>>
        tpu.wait_indirect_dma semaphore(%run_scoped3A_200 : memref<!tpu.dma_semaphore, #tpu.memory_space<semaphore_mem>>) src(%arg11 : memref<128x128xf32, #tpu.memory_space<vmem>>) dst(%dma_wait3A_212 : memref<10240x128xf32, #tpu.memory_space<vmem_shared>>)
        tpu.yield
      }) : () -> ()
      %add3A_136 = arith.constant 2 : i32
      %add3A_137 = arith.addi %mul3A_105, %add3A_136 : i32
      %mul3A_138 = arith.constant 80 : i32
      %mul3A_139 = arith.muli %add3A, %mul3A_138 : i32
      %add3A_140 = arith.addi %mul3A_139, %add3A_137 : i32
      %mul3A_141 = arith.constant 128 : i32
      %mul3A_142 = arith.muli %add3A_140, %mul3A_141 : i32
      %dma_start3A_143 = arith.constant 0 : i32
      %dma_start3A_144 = arith.constant 0 : i32
      %dma_start3A_145 = tpu.memref_slice %arg9[%dma_start3A_143, %dma_start3A_144] : memref<8x128xi32, #tpu.memory_space<vmem>> -> memref<1x128xi32, #tpu.memory_space<vmem>>
      %dma_start3A_146 = tpu.memref_squeeze %dma_start3A_145 : memref<1x128xi32, #tpu.memory_space<vmem>> -> memref<128xi32, #tpu.memory_space<vmem>>
      %dma_start3A_147 = tpu.memref_slice %arg3[%mul3A_142] : memref<327680xi32, #tpu.memory_space<hbm>> -> memref<128xi32, #tpu.memory_space<hbm>>
      %dma_start3A_148 = arith.constant 0 : i32
      %dma_start3A_149 = tpu.memref_slice %arg9[%dma_start3A_143, %dma_start3A_148] : memref<8x128xi32, #tpu.memory_space<vmem>> -> memref<1x128xi32, #tpu.memory_space<vmem>>
      %dma_start3A_150 = tpu.memref_squeeze %dma_start3A_149 : memref<1x128xi32, #tpu.memory_space<vmem>> -> memref<128xi32, #tpu.memory_space<vmem>>
      %dma_start3A_151 = tpu.memref_slice %arg3[%mul3A_142] : memref<327680xi32, #tpu.memory_space<hbm>> -> memref<128xi32, #tpu.memory_space<hbm>>
      tpu.enqueue_dma source(%dma_start3A_151 : memref<128xi32, #tpu.memory_space<hbm>>) target(%dma_start3A_150 : memref<128xi32, #tpu.memory_space<vmem>>) target_semaphore(%arg13 : memref<!tpu.dma_semaphore, #tpu.memory_space<semaphore_mem>>)
      %add3A_152 = arith.constant 1 : i32
      %add3A_153 = arith.addi %mul3A_105, %add3A_152 : i32
      %add3A_154 = arith.constant 1 : i32
      %add3A_155 = arith.addi %add3A_153, %add3A_154 : i32
      %mul3A_156 = arith.constant 80 : i32
      %mul3A_157 = arith.muli %add3A, %mul3A_156 : i32
      %add3A_158 = arith.addi %mul3A_157, %add3A_155 : i32
      %mul3A_159 = arith.constant 128 : i32
      %mul3A_160 = arith.muli %add3A_158, %mul3A_159 : i32
      %dma_wait3A_161 = arith.constant 0 : i32
      %dma_wait3A_162 = arith.constant 0 : i32
      %dma_wait3A_163 = tpu.memref_slice %arg9[%dma_wait3A_161, %dma_wait3A_162] : memref<8x128xi32, #tpu.memory_space<vmem>> -> memref<1x128xi32, #tpu.memory_space<vmem>>
      %dma_wait3A_164 = tpu.memref_squeeze %dma_wait3A_163 : memref<1x128xi32, #tpu.memory_space<vmem>> -> memref<128xi32, #tpu.memory_space<vmem>>
      %dma_wait3A_165 = tpu.memref_slice %arg3[%mul3A_160] : memref<327680xi32, #tpu.memory_space<hbm>> -> memref<128xi32, #tpu.memory_space<hbm>>
      %dma_wait3A_166 = arith.constant 0 : i32
      %dma_wait3A_167 = tpu.memref_slice %arg9[%dma_wait3A_161, %dma_wait3A_166] : memref<8x128xi32, #tpu.memory_space<vmem>> -> memref<1x128xi32, #tpu.memory_space<vmem>>
      %dma_wait3A_168 = tpu.memref_squeeze %dma_wait3A_167 : memref<1x128xi32, #tpu.memory_space<vmem>> -> memref<128xi32, #tpu.memory_space<vmem>>
      %dma_wait3A_169 = tpu.memref_slice %arg3[%mul3A_160] : memref<327680xi32, #tpu.memory_space<hbm>> -> memref<128xi32, #tpu.memory_space<hbm>>
      tpu.wait_dma2 semaphore(%arg13 : memref<!tpu.dma_semaphore, #tpu.memory_space<semaphore_mem>>) src(%dma_wait3A_169 : memref<128xi32, #tpu.memory_space<hbm>>) dst(%dma_wait3A_168 : memref<128xi32, #tpu.memory_space<vmem>>)
      %dma_wait3A_170 = arith.constant 0 : i32
      %dma_wait3A_171 = arith.constant 0 : i32
      %dma_wait3A_172 = tpu.memref_slice %arg10[%dma_wait3A_170, %dma_wait3A_171] : memref<8x128xi32, #tpu.memory_space<vmem>> -> memref<1x128xi32, #tpu.memory_space<vmem>>
      %dma_wait3A_173 = tpu.memref_squeeze %dma_wait3A_172 : memref<1x128xi32, #tpu.memory_space<vmem>> -> memref<128xi32, #tpu.memory_space<vmem>>
      %dma_wait3A_174 = arith.constant 0 : i32
      %dma_wait3A_175 = arith.constant 0 : i32
      %dma_wait3A_176 = tpu.memref_slice %arg2[%dma_wait3A_174, %dma_wait3A_175] : memref<10000x128xf32, #tpu.memory_space<hbm>> -> memref<10000x128xf32, #tpu.memory_space<hbm>>
      tpu.wait_indirect_dma semaphore(%arg16 : memref<!tpu.dma_semaphore, #tpu.memory_space<semaphore_mem>>) src(%dma_wait3A_176 : memref<10000x128xf32, #tpu.memory_space<hbm>>) dst(%arg12 : memref<128x128xf32, #tpu.memory_space<vmem>>)
      %dma_start3A_177 = arith.constant 0 : i32
      %dma_start3A_178 = arith.constant 0 : i32
      %dma_start3A_179 = tpu.memref_slice %arg9[%dma_start3A_177, %dma_start3A_178] : memref<8x128xi32, #tpu.memory_space<vmem>> -> memref<1x128xi32, #tpu.memory_space<vmem>>
      %dma_start3A_180 = tpu.memref_squeeze %dma_start3A_179 : memref<1x128xi32, #tpu.memory_space<vmem>> -> memref<128xi32, #tpu.memory_space<vmem>>
      %dma_start3A_181 = arith.constant 0 : i32
      %dma_start3A_182 = arith.constant 0 : i32
      %dma_start3A_183 = tpu.memref_slice %arg2[%dma_start3A_181, %dma_start3A_182] : memref<10000x128xf32, #tpu.memory_space<hbm>> -> memref<10000x128xf32, #tpu.memory_space<hbm>>
      tpu.enqueue_indirect_dma source(%dma_start3A_183 : memref<10000x128xf32, #tpu.memory_space<hbm>>) target(%arg11 : memref<128x128xf32, #tpu.memory_space<vmem>>) offsets(%dma_start3A_180 : memref<128xi32, #tpu.memory_space<vmem>>) semaphore(%arg15 : memref<!tpu.dma_semaphore, #tpu.memory_space<semaphore_mem>>)
      "tpu.region"() ({
        %run_scoped3A_200 = tpu.sem_alloc : memref<!tpu.dma_semaphore, #tpu.memory_space<semaphore_mem>>
        %dma_start3A_201 = arith.constant 0 : i32
        %dma_start3A_202 = tpu.memref_slice %arg8[%add3A_153, %dma_start3A_201] : memref<80x128xi32, #tpu.memory_space<vmem>> -> memref<1x128xi32, #tpu.memory_space<vmem>>
        %dma_start3A_203 = tpu.memref_squeeze %dma_start3A_202 : memref<1x128xi32, #tpu.memory_space<vmem>> -> memref<128xi32, #tpu.memory_space<vmem>>
        %dma_start3A_204 = arith.constant 0 : i32
        %dma_start3A_205 = arith.constant 0 : i32
        %dma_start3A_206 = tpu.memref_slice %arg7[%dma_start3A_204, %dma_start3A_205] : memref<10240x128xf32, #tpu.memory_space<vmem_shared>> -> memref<10240x128xf32, #tpu.memory_space<vmem_shared>>
        tpu.enqueue_indirect_dma source(%arg12 : memref<128x128xf32, #tpu.memory_space<vmem>>) target(%dma_start3A_206 : memref<10240x128xf32, #tpu.memory_space<vmem_shared>>) offsets(%dma_start3A_203 : memref<128xi32, #tpu.memory_space<vmem>>) semaphore(%run_scoped3A_200 : memref<!tpu.dma_semaphore, #tpu.memory_space<semaphore_mem>>) {add = true}
        %dma_wait3A_207 = arith.constant 0 : i32
        %dma_wait3A_208 = tpu.memref_slice %arg8[%add3A_153, %dma_wait3A_207] : memref<80x128xi32, #tpu.memory_space<vmem>> -> memref<1x128xi32, #tpu.memory_space<vmem>>
        %dma_wait3A_209 = tpu.memref_squeeze %dma_wait3A_208 : memref<1x128xi32, #tpu.memory_space<vmem>> -> memref<128xi32, #tpu.memory_space<vmem>>
        %dma_wait3A_210 = arith.constant 0 : i32
        %dma_wait3A_211 = arith.constant 0 : i32
        %dma_wait3A_212 = tpu.memref_slice %arg7[%dma_wait3A_210, %dma_wait3A_211] : memref<10240x128xf32, #tpu.memory_space<vmem_shared>> -> memref<10240x128xf32, #tpu.memory_space<vmem_shared>>
        tpu.wait_indirect_dma semaphore(%run_scoped3A_200 : memref<!tpu.dma_semaphore, #tpu.memory_space<semaphore_mem>>) src(%arg12 : memref<128x128xf32, #tpu.memory_space<vmem>>) dst(%dma_wait3A_212 : memref<10240x128xf32, #tpu.memory_space<vmem_shared>>)
        tpu.yield
      }) : () -> ()
      %add3A_184 = arith.constant 2 : i32
      %add3A_185 = arith.addi %add3A_153, %add3A_184 : i32
      %mul3A_186 = arith.constant 80 : i32
      %mul3A_187 = arith.muli %add3A, %mul3A_186 : i32
      %add3A_188 = arith.addi %mul3A_187, %add3A_185 : i32
      %mul3A_189 = arith.constant 128 : i32
      %mul3A_190 = arith.muli %add3A_188, %mul3A_189 : i32
      %dma_start3A_191 = arith.constant 0 : i32
      %dma_start3A_192 = arith.constant 0 : i32
      %dma_start3A_193 = tpu.memref_slice %arg10[%dma_start3A_191, %dma_start3A_192] : memref<8x128xi32, #tpu.memory_space<vmem>> -> memref<1x128xi32, #tpu.memory_space<vmem>>
      %dma_start3A_194 = tpu.memref_squeeze %dma_start3A_193 : memref<1x128xi32, #tpu.memory_space<vmem>> -> memref<128xi32, #tpu.memory_space<vmem>>
      %dma_start3A_195 = tpu.memref_slice %arg3[%mul3A_190] : memref<327680xi32, #tpu.memory_space<hbm>> -> memref<128xi32, #tpu.memory_space<hbm>>
      %dma_start3A_196 = arith.constant 0 : i32
      %dma_start3A_197 = tpu.memref_slice %arg10[%dma_start3A_191, %dma_start3A_196] : memref<8x128xi32, #tpu.memory_space<vmem>> -> memref<1x128xi32, #tpu.memory_space<vmem>>
      %dma_start3A_198 = tpu.memref_squeeze %dma_start3A_197 : memref<1x128xi32, #tpu.memory_space<vmem>> -> memref<128xi32, #tpu.memory_space<vmem>>
      %dma_start3A_199 = tpu.memref_slice %arg3[%mul3A_190] : memref<327680xi32, #tpu.memory_space<hbm>> -> memref<128xi32, #tpu.memory_space<hbm>>
      tpu.enqueue_dma source(%dma_start3A_199 : memref<128xi32, #tpu.memory_space<hbm>>) target(%dma_start3A_198 : memref<128xi32, #tpu.memory_space<vmem>>) target_semaphore(%arg14 : memref<!tpu.dma_semaphore, #tpu.memory_space<semaphore_mem>>)
    }
    %scan3A_57 = arith.constant 39 : i32
    %mul3A_58 = arith.constant 80 : i32
    %mul3A_59 = arith.muli %add3A, %mul3A_58 : i32
    %add3A_60 = arith.constant 79 : i32
    %add3A_61 = arith.addi %mul3A_59, %add3A_60 : i32
    %mul3A_62 = arith.constant 128 : i32
    %mul3A_63 = arith.muli %add3A_61, %mul3A_62 : i32
    %dma_wait3A_64 = arith.constant 0 : i32
    %dma_wait3A_65 = arith.constant 0 : i32
    %dma_wait3A_66 = tpu.memref_slice %arg10[%dma_wait3A_64, %dma_wait3A_65] : memref<8x128xi32, #tpu.memory_space<vmem>> -> memref<1x128xi32, #tpu.memory_space<vmem>>
    %dma_wait3A_67 = tpu.memref_squeeze %dma_wait3A_66 : memref<1x128xi32, #tpu.memory_space<vmem>> -> memref<128xi32, #tpu.memory_space<vmem>>
    %dma_wait3A_68 = tpu.memref_slice %arg3[%mul3A_63] : memref<327680xi32, #tpu.memory_space<hbm>> -> memref<128xi32, #tpu.memory_space<hbm>>
    %dma_wait3A_69 = arith.constant 0 : i32
    %dma_wait3A_70 = tpu.memref_slice %arg10[%dma_wait3A_64, %dma_wait3A_69] : memref<8x128xi32, #tpu.memory_space<vmem>> -> memref<1x128xi32, #tpu.memory_space<vmem>>
    %dma_wait3A_71 = tpu.memref_squeeze %dma_wait3A_70 : memref<1x128xi32, #tpu.memory_space<vmem>> -> memref<128xi32, #tpu.memory_space<vmem>>
    %dma_wait3A_72 = tpu.memref_slice %arg3[%mul3A_63] : memref<327680xi32, #tpu.memory_space<hbm>> -> memref<128xi32, #tpu.memory_space<hbm>>
    tpu.wait_dma2 semaphore(%arg14 : memref<!tpu.dma_semaphore, #tpu.memory_space<semaphore_mem>>) src(%dma_wait3A_72 : memref<128xi32, #tpu.memory_space<hbm>>) dst(%dma_wait3A_71 : memref<128xi32, #tpu.memory_space<vmem>>)
    %dma_wait3A_73 = arith.constant 0 : i32
    %dma_wait3A_74 = arith.constant 0 : i32
    %dma_wait3A_75 = tpu.memref_slice %arg9[%dma_wait3A_73, %dma_wait3A_74] : memref<8x128xi32, #tpu.memory_space<vmem>> -> memref<1x128xi32, #tpu.memory_space<vmem>>
    %dma_wait3A_76 = tpu.memref_squeeze %dma_wait3A_75 : memref<1x128xi32, #tpu.memory_space<vmem>> -> memref<128xi32, #tpu.memory_space<vmem>>
    %dma_wait3A_77 = arith.constant 0 : i32
    %dma_wait3A_78 = arith.constant 0 : i32
    %dma_wait3A_79 = tpu.memref_slice %arg2[%dma_wait3A_77, %dma_wait3A_78] : memref<10000x128xf32, #tpu.memory_space<hbm>> -> memref<10000x128xf32, #tpu.memory_space<hbm>>
    tpu.wait_indirect_dma semaphore(%arg15 : memref<!tpu.dma_semaphore, #tpu.memory_space<semaphore_mem>>) src(%dma_wait3A_79 : memref<10000x128xf32, #tpu.memory_space<hbm>>) dst(%arg11 : memref<128x128xf32, #tpu.memory_space<vmem>>)
    %dma_start3A_80 = arith.constant 0 : i32
    %dma_start3A_81 = arith.constant 0 : i32
    %dma_start3A_82 = tpu.memref_slice %arg10[%dma_start3A_80, %dma_start3A_81] : memref<8x128xi32, #tpu.memory_space<vmem>> -> memref<1x128xi32, #tpu.memory_space<vmem>>
    %dma_start3A_83 = tpu.memref_squeeze %dma_start3A_82 : memref<1x128xi32, #tpu.memory_space<vmem>> -> memref<128xi32, #tpu.memory_space<vmem>>
    %dma_start3A_84 = arith.constant 0 : i32
    %dma_start3A_85 = arith.constant 0 : i32
    %dma_start3A_86 = tpu.memref_slice %arg2[%dma_start3A_84, %dma_start3A_85] : memref<10000x128xf32, #tpu.memory_space<hbm>> -> memref<10000x128xf32, #tpu.memory_space<hbm>>
    tpu.enqueue_indirect_dma source(%dma_start3A_86 : memref<10000x128xf32, #tpu.memory_space<hbm>>) target(%arg12 : memref<128x128xf32, #tpu.memory_space<vmem>>) offsets(%dma_start3A_83 : memref<128xi32, #tpu.memory_space<vmem>>) semaphore(%arg16 : memref<!tpu.dma_semaphore, #tpu.memory_space<semaphore_mem>>)
    %run_scoped3A = arith.constant 78 : i32
    "tpu.region"() ({
      %run_scoped3A_103 = tpu.sem_alloc : memref<!tpu.dma_semaphore, #tpu.memory_space<semaphore_mem>>
      %dma_start3A_104 = arith.constant 0 : i32
      %dma_start3A_105 = tpu.memref_slice %arg8[%run_scoped3A, %dma_start3A_104] : memref<80x128xi32, #tpu.memory_space<vmem>> -> memref<1x128xi32, #tpu.memory_space<vmem>>
      %dma_start3A_106 = tpu.memref_squeeze %dma_start3A_105 : memref<1x128xi32, #tpu.memory_space<vmem>> -> memref<128xi32, #tpu.memory_space<vmem>>
      %dma_start3A_107 = arith.constant 0 : i32
      %dma_start3A_108 = arith.constant 0 : i32
      %dma_start3A_109 = tpu.memref_slice %arg7[%dma_start3A_107, %dma_start3A_108] : memref<10240x128xf32, #tpu.memory_space<vmem_shared>> -> memref<10240x128xf32, #tpu.memory_space<vmem_shared>>
      tpu.enqueue_indirect_dma source(%arg11 : memref<128x128xf32, #tpu.memory_space<vmem>>) target(%dma_start3A_109 : memref<10240x128xf32, #tpu.memory_space<vmem_shared>>) offsets(%dma_start3A_106 : memref<128xi32, #tpu.memory_space<vmem>>) semaphore(%run_scoped3A_103 : memref<!tpu.dma_semaphore, #tpu.memory_space<semaphore_mem>>) {add = true}
      %dma_wait3A_110 = arith.constant 0 : i32
      %dma_wait3A_111 = tpu.memref_slice %arg8[%run_scoped3A, %dma_wait3A_110] : memref<80x128xi32, #tpu.memory_space<vmem>> -> memref<1x128xi32, #tpu.memory_space<vmem>>
      %dma_wait3A_112 = tpu.memref_squeeze %dma_wait3A_111 : memref<1x128xi32, #tpu.memory_space<vmem>> -> memref<128xi32, #tpu.memory_space<vmem>>
      %dma_wait3A_113 = arith.constant 0 : i32
      %dma_wait3A_114 = arith.constant 0 : i32
      %dma_wait3A_115 = tpu.memref_slice %arg7[%dma_wait3A_113, %dma_wait3A_114] : memref<10240x128xf32, #tpu.memory_space<vmem_shared>> -> memref<10240x128xf32, #tpu.memory_space<vmem_shared>>
      tpu.wait_indirect_dma semaphore(%run_scoped3A_103 : memref<!tpu.dma_semaphore, #tpu.memory_space<semaphore_mem>>) src(%arg11 : memref<128x128xf32, #tpu.memory_space<vmem>>) dst(%dma_wait3A_115 : memref<10240x128xf32, #tpu.memory_space<vmem_shared>>)
      tpu.yield
    }) : () -> ()
    %dma_wait3A_87 = arith.constant 0 : i32
    %dma_wait3A_88 = arith.constant 0 : i32
    %dma_wait3A_89 = tpu.memref_slice %arg10[%dma_wait3A_87, %dma_wait3A_88] : memref<8x128xi32, #tpu.memory_space<vmem>> -> memref<1x128xi32, #tpu.memory_space<vmem>>
    %dma_wait3A_90 = tpu.memref_squeeze %dma_wait3A_89 : memref<1x128xi32, #tpu.memory_space<vmem>> -> memref<128xi32, #tpu.memory_space<vmem>>
    %dma_wait3A_91 = arith.constant 0 : i32
    %dma_wait3A_92 = arith.constant 0 : i32
    %dma_wait3A_93 = tpu.memref_slice %arg2[%dma_wait3A_91, %dma_wait3A_92] : memref<10000x128xf32, #tpu.memory_space<hbm>> -> memref<10000x128xf32, #tpu.memory_space<hbm>>
    tpu.wait_indirect_dma semaphore(%arg16 : memref<!tpu.dma_semaphore, #tpu.memory_space<semaphore_mem>>) src(%dma_wait3A_93 : memref<10000x128xf32, #tpu.memory_space<hbm>>) dst(%arg12 : memref<128x128xf32, #tpu.memory_space<vmem>>)
    %run_scoped3A_94 = arith.constant 79 : i32
    "tpu.region"() ({
      %run_scoped3A_103 = tpu.sem_alloc : memref<!tpu.dma_semaphore, #tpu.memory_space<semaphore_mem>>
      %dma_start3A_104 = arith.constant 0 : i32
      %dma_start3A_105 = tpu.memref_slice %arg8[%run_scoped3A_94, %dma_start3A_104] : memref<80x128xi32, #tpu.memory_space<vmem>> -> memref<1x128xi32, #tpu.memory_space<vmem>>
      %dma_start3A_106 = tpu.memref_squeeze %dma_start3A_105 : memref<1x128xi32, #tpu.memory_space<vmem>> -> memref<128xi32, #tpu.memory_space<vmem>>
      %dma_start3A_107 = arith.constant 0 : i32
      %dma_start3A_108 = arith.constant 0 : i32
      %dma_start3A_109 = tpu.memref_slice %arg7[%dma_start3A_107, %dma_start3A_108] : memref<10240x128xf32, #tpu.memory_space<vmem_shared>> -> memref<10240x128xf32, #tpu.memory_space<vmem_shared>>
      tpu.enqueue_indirect_dma source(%arg12 : memref<128x128xf32, #tpu.memory_space<vmem>>) target(%dma_start3A_109 : memref<10240x128xf32, #tpu.memory_space<vmem_shared>>) offsets(%dma_start3A_106 : memref<128xi32, #tpu.memory_space<vmem>>) semaphore(%run_scoped3A_103 : memref<!tpu.dma_semaphore, #tpu.memory_space<semaphore_mem>>) {add = true}
      %dma_wait3A_110 = arith.constant 0 : i32
      %dma_wait3A_111 = tpu.memref_slice %arg8[%run_scoped3A_94, %dma_wait3A_110] : memref<80x128xi32, #tpu.memory_space<vmem>> -> memref<1x128xi32, #tpu.memory_space<vmem>>
      %dma_wait3A_112 = tpu.memref_squeeze %dma_wait3A_111 : memref<1x128xi32, #tpu.memory_space<vmem>> -> memref<128xi32, #tpu.memory_space<vmem>>
      %dma_wait3A_113 = arith.constant 0 : i32
      %dma_wait3A_114 = arith.constant 0 : i32
      %dma_wait3A_115 = tpu.memref_slice %arg7[%dma_wait3A_113, %dma_wait3A_114] : memref<10240x128xf32, #tpu.memory_space<vmem_shared>> -> memref<10240x128xf32, #tpu.memory_space<vmem_shared>>
      tpu.wait_indirect_dma semaphore(%run_scoped3A_103 : memref<!tpu.dma_semaphore, #tpu.memory_space<semaphore_mem>>) src(%arg12 : memref<128x128xf32, #tpu.memory_space<vmem>>) dst(%dma_wait3A_115 : memref<10240x128xf32, #tpu.memory_space<vmem_shared>>)
      tpu.yield
    }) : () -> ()
    %barrier3A_95 = arith.constant 0 : index
    tpu.barrier barrier_id(%barrier3A_95)
    %mul3A_96 = arith.constant 10240 : i32
    %mul3A_97 = arith.muli %arg0, %mul3A_96 : i32
    %mul3A_98 = arith.constant 640 : i32
    %mul3A_99 = arith.muli %arg1, %mul3A_98 : i32
    %add3A_100 = arith.addi %mul3A_97, %mul3A_99 : i32
    %mul3A_101 = arith.constant 640 : i32
    %mul3A_102 = arith.muli %arg1, %mul3A_101 : i32
    "tpu.region"() ({
      %run_scoped3A_103 = tpu.sem_alloc : memref<!tpu.dma_semaphore, #tpu.memory_space<semaphore_mem>>
      %dma_start3A_104 = arith.constant 0 : i32
      %dma_start3A_105 = tpu.memref_slice %arg6[%add3A_100, %dma_start3A_104] : memref<20480x128xf32, #tpu.memory_space<hbm>> -> memref<640x128xf32, #tpu.memory_space<hbm>>
      %dma_start3A_106 = arith.constant 0 : i32
      %dma_start3A_107 = tpu.memref_slice %arg7[%mul3A_102, %dma_start3A_106] : memref<10240x128xf32, #tpu.memory_space<vmem_shared>> -> memref<640x128xf32, #tpu.memory_space<vmem_shared>>
      tpu.enqueue_dma source(%dma_start3A_107 : memref<640x128xf32, #tpu.memory_space<vmem_shared>>) target(%dma_start3A_105 : memref<640x128xf32, #tpu.memory_space<hbm>>) target_semaphore(%run_scoped3A_103 : memref<!tpu.dma_semaphore, #tpu.memory_space<semaphore_mem>>)
      %dma_wait3A_108 = arith.constant 0 : i32
      %dma_wait3A_109 = tpu.memref_slice %arg6[%add3A_100, %dma_wait3A_108] : memref<20480x128xf32, #tpu.memory_space<hbm>> -> memref<640x128xf32, #tpu.memory_space<hbm>>
      %dma_wait3A_110 = arith.constant 0 : i32
      %dma_wait3A_111 = tpu.memref_slice %arg7[%mul3A_102, %dma_wait3A_110] : memref<10240x128xf32, #tpu.memory_space<vmem_shared>> -> memref<640x128xf32, #tpu.memory_space<vmem_shared>>
      tpu.wait_dma2 semaphore(%run_scoped3A_103 : memref<!tpu.dma_semaphore, #tpu.memory_space<semaphore_mem>>) src(%dma_wait3A_111 : memref<640x128xf32, #tpu.memory_space<vmem_shared>>) dst(%dma_wait3A_109 : memref<640x128xf32, #tpu.memory_space<hbm>>)
      tpu.yield
    }) : () -> ()
    return
  }
}

#map = affine_map<(d0, d1) -> (0, 0)>
#map1 = affine_map<(d0, d1) -> (0)>
#map2 = affine_map<(d0, d1) -> (0, 0, 0)>
module attributes {stable_mosaic.version = 14 : i64} {
  func.func @_spmm_body(%arg0: i32, %arg1: i32, %arg2: memref<10000x128xf32, #tpu.memory_space<hbm>>, %arg3: memref<327680xi32, #tpu.memory_space<hbm>>, %arg4: memref<32x80x128xi32, #tpu.memory_space<hbm>>, %arg5: memref<640x128xf32, #tpu.memory_space<hbm>>, %arg6: memref<20480x128xf32, #tpu.memory_space<hbm>>, %arg7: memref<10240x128xf32, #tpu.memory_space<vmem_shared>>, %arg8: memref<80x128xi32, #tpu.memory_space<vmem>>, %arg9: memref<8x128xi32, #tpu.memory_space<vmem>>, %arg10: memref<8x128xi32, #tpu.memory_space<vmem>>, %arg11: memref<128x128xf32, #tpu.memory_space<vmem>>, %arg12: memref<128x128xf32, #tpu.memory_space<vmem>>, %arg13: memref<!tpu.dma_semaphore, #tpu.memory_space<semaphore_mem>>, %arg14: memref<!tpu.dma_semaphore, #tpu.memory_space<semaphore_mem>>, %arg15: memref<!tpu.dma_semaphore, #tpu.memory_space<semaphore_mem>>, %arg16: memref<!tpu.dma_semaphore, #tpu.memory_space<semaphore_mem>>) attributes {dimension_semantics = [#tpu.dimension_semantics<core_parallel>, #tpu.dimension_semantics<subcore_parallel>], iteration_bounds = array<i64: 2, 16>, scalar_prefetch = 0 : i64, scratch_operands = 10 : i64, tpu.core_type = #tpu.core_type<sc_vector_subcore>, window_params = [{transform_indices = #map}, {transform_indices = #map1}, {transform_indices = #map2}, {transform_indices = #map}, {transform_indices = #map}]} {
    %mul3A = arith.constant 16 : i32
    %mul3A_0 = arith.muli %arg0, %mul3A : i32
    %add3A = arith.addi %mul3A_0, %arg1 : i32
    %mul3A_1 = arith.constant 640 : i32
    %mul3A_2 = arith.muli %arg1, %mul3A_1 : i32
    "tpu.region"() ({
      %run_scoped3A_103 = tpu.sem_alloc : memref<!tpu.dma_semaphore, #tpu.memory_space<semaphore_mem>>
      %dma_start3A_104 = arith.constant 0 : i32
      %dma_start3A_105 = tpu.memref_slice %arg7[%mul3A_2, %dma_start3A_104] : memref<10240x128xf32, #tpu.memory_space<vmem_shared>> -> memref<640x128xf32, #tpu.memory_space<vmem_shared>>
      tpu.enqueue_dma source(%arg5 : memref<640x128xf32, #tpu.memory_space<hbm>>) target(%dma_start3A_105 : memref<640x128xf32, #tpu.memory_space<vmem_shared>>) target_semaphore(%run_scoped3A_103 : memref<!tpu.dma_semaphore, #tpu.memory_space<semaphore_mem>>)
      %dma_wait3A_106 = arith.constant 0 : i32
      %dma_wait3A_107 = tpu.memref_slice %arg7[%mul3A_2, %dma_wait3A_106] : memref<10240x128xf32, #tpu.memory_space<vmem_shared>> -> memref<640x128xf32, #tpu.memory_space<vmem_shared>>
      tpu.wait_dma2 semaphore(%run_scoped3A_103 : memref<!tpu.dma_semaphore, #tpu.memory_space<semaphore_mem>>) src(%arg5 : memref<640x128xf32, #tpu.memory_space<hbm>>) dst(%dma_wait3A_107 : memref<640x128xf32, #tpu.memory_space<vmem_shared>>)
      tpu.yield
    }) : () -> ()
    "tpu.region"() ({
      %run_scoped3A_103 = tpu.sem_alloc : memref<!tpu.dma_semaphore, #tpu.memory_space<semaphore_mem>>
      %dma_start3A_104 = arith.constant 0 : i32
      %dma_start3A_105 = arith.constant 0 : i32
      %dma_start3A_106 = tpu.memref_slice %arg4[%add3A, %dma_start3A_104, %dma_start3A_105] : memref<32x80x128xi32, #tpu.memory_space<hbm>> -> memref<1x80x128xi32, #tpu.memory_space<hbm>>
      %dma_start3A_107 = tpu.memref_squeeze %dma_start3A_106 : memref<1x80x128xi32, #tpu.memory_space<hbm>> -> memref<80x128xi32, #tpu.memory_space<hbm>>
      %dma_start3A_108 = arith.constant 0 : i32
      %dma_start3A_109 = arith.constant 0 : i32
      %dma_start3A_110 = tpu.memref_slice %arg4[%add3A, %dma_start3A_108, %dma_start3A_109] : memref<32x80x128xi32, #tpu.memory_space<hbm>> -> memref<1x80x128xi32, #tpu.memory_space<hbm>>
      %dma_start3A_111 = tpu.memref_squeeze %dma_start3A_110 : memref<1x80x128xi32, #tpu.memory_space<hbm>> -> memref<80x128xi32, #tpu.memory_space<hbm>>
      tpu.enqueue_dma source(%dma_start3A_111 : memref<80x128xi32, #tpu.memory_space<hbm>>) target(%arg8 : memref<80x128xi32, #tpu.memory_space<vmem>>) target_semaphore(%run_scoped3A_103 : memref<!tpu.dma_semaphore, #tpu.memory_space<semaphore_mem>>)
      %dma_wait3A_112 = arith.constant 0 : i32
      %dma_wait3A_113 = arith.constant 0 : i32
      %dma_wait3A_114 = tpu.memref_slice %arg4[%add3A, %dma_wait3A_112, %dma_wait3A_113] : memref<32x80x128xi32, #tpu.memory_space<hbm>> -> memref<1x80x128xi32, #tpu.memory_space<hbm>>
      %dma_wait3A_115 = tpu.memref_squeeze %dma_wait3A_114 : memref<1x80x128xi32, #tpu.memory_space<hbm>> -> memref<80x128xi32, #tpu.memory_space<hbm>>
      %dma_wait3A_116 = arith.constant 0 : i32
      %dma_wait3A_117 = arith.constant 0 : i32
      %dma_wait3A_118 = tpu.memref_slice %arg4[%add3A, %dma_wait3A_116, %dma_wait3A_117] : memref<32x80x128xi32, #tpu.memory_space<hbm>> -> memref<1x80x128xi32, #tpu.memory_space<hbm>>
      %dma_wait3A_119 = tpu.memref_squeeze %dma_wait3A_118 : memref<1x80x128xi32, #tpu.memory_space<hbm>> -> memref<80x128xi32, #tpu.memory_space<hbm>>
      tpu.wait_dma2 semaphore(%run_scoped3A_103 : memref<!tpu.dma_semaphore, #tpu.memory_space<semaphore_mem>>) src(%dma_wait3A_119 : memref<80x128xi32, #tpu.memory_space<hbm>>) dst(%arg8 : memref<80x128xi32, #tpu.memory_space<vmem>>)
      tpu.yield
    }) : () -> ()
    %barrier3A = arith.constant 0 : index
    tpu.barrier barrier_id(%barrier3A)
    %mul3A_3 = arith.constant 80 : i32
    %mul3A_4 = arith.muli %add3A, %mul3A_3 : i32
    %add3A_5 = arith.constant 0 : i32
    %add3A_6 = arith.addi %mul3A_4, %add3A_5 : i32
    %mul3A_7 = arith.constant 128 : i32
    %mul3A_8 = arith.muli %add3A_6, %mul3A_7 : i32
    %dma_start3A = arith.constant 0 : i32
    %dma_start3A_9 = arith.constant 0 : i32
    %dma_start3A_10 = tpu.memref_slice %arg9[%dma_start3A, %dma_start3A_9] : memref<8x128xi32, #tpu.memory_space<vmem>> -> memref<1x128xi32, #tpu.memory_space<vmem>>
    %dma_start3A_11 = tpu.memref_squeeze %dma_start3A_10 : memref<1x128xi32, #tpu.memory_space<vmem>> -> memref<128xi32, #tpu.memory_space<vmem>>
    %dma_start3A_12 = tpu.memref_slice %arg3[%mul3A_8] : memref<327680xi32, #tpu.memory_space<hbm>> -> memref<128xi32, #tpu.memory_space<hbm>>
    %dma_start3A_13 = arith.constant 0 : i32
    %dma_start3A_14 = tpu.memref_slice %arg9[%dma_start3A, %dma_start3A_13] : memref<8x128xi32, #tpu.memory_space<vmem>> -> memref<1x128xi32, #tpu.memory_space<vmem>>
    %dma_start3A_15 = tpu.memref_squeeze %dma_start3A_14 : memref<1x128xi32, #tpu.memory_space<vmem>> -> memref<128xi32, #tpu.memory_space<vmem>>
    %dma_start3A_16 = tpu.memref_slice %arg3[%mul3A_8] : memref<327680xi32, #tpu.memory_space<hbm>> -> memref<128xi32, #tpu.memory_space<hbm>>
    tpu.enqueue_dma source(%dma_start3A_16 : memref<128xi32, #tpu.memory_space<hbm>>) target(%dma_start3A_15 : memref<128xi32, #tpu.memory_space<vmem>>) target_semaphore(%arg13 : memref<!tpu.dma_semaphore, #tpu.memory_space<semaphore_mem>>)
    %mul3A_17 = arith.constant 80 : i32
    %mul3A_18 = arith.muli %add3A, %mul3A_17 : i32
    %add3A_19 = arith.constant 1 : i32
    %add3A_20 = arith.addi %mul3A_18, %add3A_19 : i32
    %mul3A_21 = arith.constant 128 : i32
    %mul3A_22 = arith.muli %add3A_20, %mul3A_21 : i32
    %dma_start3A_23 = arith.constant 0 : i32
    %dma_start3A_24 = arith.constant 0 : i32
    %dma_start3A_25 = tpu.memref_slice %arg10[%dma_start3A_23, %dma_start3A_24] : memref<8x128xi32, #tpu.memory_space<vmem>> -> memref<1x128xi32, #tpu.memory_space<vmem>>
    %dma_start3A_26 = tpu.memref_squeeze %dma_start3A_25 : memref<1x128xi32, #tpu.memory_space<vmem>> -> memref<128xi32, #tpu.memory_space<vmem>>
    %dma_start3A_27 = tpu.memref_slice %arg3[%mul3A_22] : memref<327680xi32, #tpu.memory_space<hbm>> -> memref<128xi32, #tpu.memory_space<hbm>>
    %dma_start3A_28 = arith.constant 0 : i32
    %dma_start3A_29 = tpu.memref_slice %arg10[%dma_start3A_23, %dma_start3A_28] : memref<8x128xi32, #tpu.memory_space<vmem>> -> memref<1x128xi32, #tpu.memory_space<vmem>>
    %dma_start3A_30 = tpu.memref_squeeze %dma_start3A_29 : memref<1x128xi32, #tpu.memory_space<vmem>> -> memref<128xi32, #tpu.memory_space<vmem>>
    %dma_start3A_31 = tpu.memref_slice %arg3[%mul3A_22] : memref<327680xi32, #tpu.memory_space<hbm>> -> memref<128xi32, #tpu.memory_space<hbm>>
    tpu.enqueue_dma source(%dma_start3A_31 : memref<128xi32, #tpu.memory_space<hbm>>) target(%dma_start3A_30 : memref<128xi32, #tpu.memory_space<vmem>>) target_semaphore(%arg14 : memref<!tpu.dma_semaphore, #tpu.memory_space<semaphore_mem>>)
    %mul3A_32 = arith.constant 80 : i32
    %mul3A_33 = arith.muli %add3A, %mul3A_32 : i32
    %add3A_34 = arith.constant 0 : i32
    %add3A_35 = arith.addi %mul3A_33, %add3A_34 : i32
    %mul3A_36 = arith.constant 128 : i32
    %mul3A_37 = arith.muli %add3A_35, %mul3A_36 : i32
    %dma_wait3A = arith.constant 0 : i32
    %dma_wait3A_38 = arith.constant 0 : i32
    %dma_wait3A_39 = tpu.memref_slice %arg9[%dma_wait3A, %dma_wait3A_38] : memref<8x128xi32, #tpu.memory_space<vmem>> -> memref<1x128xi32, #tpu.memory_space<vmem>>
    %dma_wait3A_40 = tpu.memref_squeeze %dma_wait3A_39 : memref<1x128xi32, #tpu.memory_space<vmem>> -> memref<128xi32, #tpu.memory_space<vmem>>
    %dma_wait3A_41 = tpu.memref_slice %arg3[%mul3A_37] : memref<327680xi32, #tpu.memory_space<hbm>> -> memref<128xi32, #tpu.memory_space<hbm>>
    %dma_wait3A_42 = arith.constant 0 : i32
    %dma_wait3A_43 = tpu.memref_slice %arg9[%dma_wait3A, %dma_wait3A_42] : memref<8x128xi32, #tpu.memory_space<vmem>> -> memref<1x128xi32, #tpu.memory_space<vmem>>
    %dma_wait3A_44 = tpu.memref_squeeze %dma_wait3A_43 : memref<1x128xi32, #tpu.memory_space<vmem>> -> memref<128xi32, #tpu.memory_space<vmem>>
    %dma_wait3A_45 = tpu.memref_slice %arg3[%mul3A_37] : memref<327680xi32, #tpu.memory_space<hbm>> -> memref<128xi32, #tpu.memory_space<hbm>>
    tpu.wait_dma2 semaphore(%arg13 : memref<!tpu.dma_semaphore, #tpu.memory_space<semaphore_mem>>) src(%dma_wait3A_45 : memref<128xi32, #tpu.memory_space<hbm>>) dst(%dma_wait3A_44 : memref<128xi32, #tpu.memory_space<vmem>>)
    %dma_start3A_46 = arith.constant 0 : i32
    %dma_start3A_47 = arith.constant 0 : i32
    %dma_start3A_48 = tpu.memref_slice %arg9[%dma_start3A_46, %dma_start3A_47] : memref<8x128xi32, #tpu.memory_space<vmem>> -> memref<1x128xi32, #tpu.memory_space<vmem>>
    %dma_start3A_49 = tpu.memref_squeeze %dma_start3A_48 : memref<1x128xi32, #tpu.memory_space<vmem>> -> memref<128xi32, #tpu.memory_space<vmem>>
    %dma_start3A_50 = arith.constant 0 : i32
    %dma_start3A_51 = arith.constant 0 : i32
    %dma_start3A_52 = tpu.memref_slice %arg2[%dma_start3A_50, %dma_start3A_51] : memref<10000x128xf32, #tpu.memory_space<hbm>> -> memref<10000x128xf32, #tpu.memory_space<hbm>>
    tpu.enqueue_indirect_dma source(%dma_start3A_52 : memref<10000x128xf32, #tpu.memory_space<hbm>>) target(%arg11 : memref<128x128xf32, #tpu.memory_space<vmem>>) offsets(%dma_start3A_49 : memref<128xi32, #tpu.memory_space<vmem>>) semaphore(%arg15 : memref<!tpu.dma_semaphore, #tpu.memory_space<semaphore_mem>>)
    %scan3A = arith.constant 0 : i32
    %scan3A_53 = arith.constant 0 : i32
    %scan3A_54 = arith.constant 39 : i32
    %scan3A_55 = arith.addi %scan3A_53, %scan3A_54 : i32
    %scan3A_56 = arith.constant 1 : i32
    scf.for %scan3A_103 = %scan3A_53 to %scan3A_55 step %scan3A_56  : i32 {
      %mul3A_104 = arith.constant 2 : i32
      %mul3A_105 = arith.muli %mul3A_104, %scan3A_103 : i32
      %add3A_106 = arith.constant 1 : i32
      %add3A_107 = arith.addi %mul3A_105, %add3A_106 : i32
      %mul3A_108 = arith.constant 80 : i32
      %mul3A_109 = arith.muli %add3A, %mul3A_108 : i32
      %add3A_110 = arith.addi %mul3A_109, %add3A_107 : i32
      %mul3A_111 = arith.constant 128 : i32
      %mul3A_112 = arith.muli %add3A_110, %mul3A_111 : i32
      %dma_wait3A_113 = arith.constant 0 : i32
      %dma_wait3A_114 = arith.constant 0 : i32
      %dma_wait3A_115 = tpu.memref_slice %arg10[%dma_wait3A_113, %dma_wait3A_114] : memref<8x128xi32, #tpu.memory_space<vmem>> -> memref<1x128xi32, #tpu.memory_space<vmem>>
      %dma_wait3A_116 = tpu.memref_squeeze %dma_wait3A_115 : memref<1x128xi32, #tpu.memory_space<vmem>> -> memref<128xi32, #tpu.memory_space<vmem>>
      %dma_wait3A_117 = tpu.memref_slice %arg3[%mul3A_112] : memref<327680xi32, #tpu.memory_space<hbm>> -> memref<128xi32, #tpu.memory_space<hbm>>
      %dma_wait3A_118 = arith.constant 0 : i32
      %dma_wait3A_119 = tpu.memref_slice %arg10[%dma_wait3A_113, %dma_wait3A_118] : memref<8x128xi32, #tpu.memory_space<vmem>> -> memref<1x128xi32, #tpu.memory_space<vmem>>
      %dma_wait3A_120 = tpu.memref_squeeze %dma_wait3A_119 : memref<1x128xi32, #tpu.memory_space<vmem>> -> memref<128xi32, #tpu.memory_space<vmem>>
      %dma_wait3A_121 = tpu.memref_slice %arg3[%mul3A_112] : memref<327680xi32, #tpu.memory_space<hbm>> -> memref<128xi32, #tpu.memory_space<hbm>>
      tpu.wait_dma2 semaphore(%arg14 : memref<!tpu.dma_semaphore, #tpu.memory_space<semaphore_mem>>) src(%dma_wait3A_121 : memref<128xi32, #tpu.memory_space<hbm>>) dst(%dma_wait3A_120 : memref<128xi32, #tpu.memory_space<vmem>>)
      %dma_wait3A_122 = arith.constant 0 : i32
      %dma_wait3A_123 = arith.constant 0 : i32
      %dma_wait3A_124 = tpu.memref_slice %arg9[%dma_wait3A_122, %dma_wait3A_123] : memref<8x128xi32, #tpu.memory_space<vmem>> -> memref<1x128xi32, #tpu.memory_space<vmem>>
      %dma_wait3A_125 = tpu.memref_squeeze %dma_wait3A_124 : memref<1x128xi32, #tpu.memory_space<vmem>> -> memref<128xi32, #tpu.memory_space<vmem>>
      %dma_wait3A_126 = arith.constant 0 : i32
      %dma_wait3A_127 = arith.constant 0 : i32
      %dma_wait3A_128 = tpu.memref_slice %arg2[%dma_wait3A_126, %dma_wait3A_127] : memref<10000x128xf32, #tpu.memory_space<hbm>> -> memref<10000x128xf32, #tpu.memory_space<hbm>>
      tpu.wait_indirect_dma semaphore(%arg15 : memref<!tpu.dma_semaphore, #tpu.memory_space<semaphore_mem>>) src(%dma_wait3A_128 : memref<10000x128xf32, #tpu.memory_space<hbm>>) dst(%arg11 : memref<128x128xf32, #tpu.memory_space<vmem>>)
      %dma_start3A_129 = arith.constant 0 : i32
      %dma_start3A_130 = arith.constant 0 : i32
      %dma_start3A_131 = tpu.memref_slice %arg10[%dma_start3A_129, %dma_start3A_130] : memref<8x128xi32, #tpu.memory_space<vmem>> -> memref<1x128xi32, #tpu.memory_space<vmem>>
      %dma_start3A_132 = tpu.memref_squeeze %dma_start3A_131 : memref<1x128xi32, #tpu.memory_space<vmem>> -> memref<128xi32, #tpu.memory_space<vmem>>
      %dma_start3A_133 = arith.constant 0 : i32
      %dma_start3A_134 = arith.constant 0 : i32
      %dma_start3A_135 = tpu.memref_slice %arg2[%dma_start3A_133, %dma_start3A_134] : memref<10000x128xf32, #tpu.memory_space<hbm>> -> memref<10000x128xf32, #tpu.memory_space<hbm>>
      tpu.enqueue_indirect_dma source(%dma_start3A_135 : memref<10000x128xf32, #tpu.memory_space<hbm>>) target(%arg12 : memref<128x128xf32, #tpu.memory_space<vmem>>) offsets(%dma_start3A_132 : memref<128xi32, #tpu.memory_space<vmem>>) semaphore(%arg16 : memref<!tpu.dma_semaphore, #tpu.memory_space<semaphore_mem>>)
      "tpu.region"() ({
        %run_scoped3A_200 = tpu.sem_alloc : memref<!tpu.dma_semaphore, #tpu.memory_space<semaphore_mem>>
        %dma_start3A_201 = arith.constant 0 : i32
        %dma_start3A_202 = tpu.memref_slice %arg8[%mul3A_105, %dma_start3A_201] : memref<80x128xi32, #tpu.memory_space<vmem>> -> memref<1x128xi32, #tpu.memory_space<vmem>>
        %dma_start3A_203 = tpu.memref_squeeze %dma_start3A_202 : memref<1x128xi32, #tpu.memory_space<vmem>> -> memref<128xi32, #tpu.memory_space<vmem>>
        %dma_start3A_204 = arith.constant 0 : i32
        %dma_start3A_205 = arith.constant 0 : i32
        %dma_start3A_206 = tpu.memref_slice %arg7[%dma_start3A_204, %dma_start3A_205] : memref<10240x128xf32, #tpu.memory_space<vmem_shared>> -> memref<10240x128xf32, #tpu.memory_space<vmem_shared>>
        tpu.enqueue_indirect_dma source(%arg11 : memref<128x128xf32, #tpu.memory_space<vmem>>) target(%dma_start3A_206 : memref<10240x128xf32, #tpu.memory_space<vmem_shared>>) offsets(%dma_start3A_203 : memref<128xi32, #tpu.memory_space<vmem>>) semaphore(%run_scoped3A_200 : memref<!tpu.dma_semaphore, #tpu.memory_space<semaphore_mem>>) {add = true}
        %dma_wait3A_207 = arith.constant 0 : i32
        %dma_wait3A_208 = tpu.memref_slice %arg8[%mul3A_105, %dma_wait3A_207] : memref<80x128xi32, #tpu.memory_space<vmem>> -> memref<1x128xi32, #tpu.memory_space<vmem>>
        %dma_wait3A_209 = tpu.memref_squeeze %dma_wait3A_208 : memref<1x128xi32, #tpu.memory_space<vmem>> -> memref<128xi32, #tpu.memory_space<vmem>>
        %dma_wait3A_210 = arith.constant 0 : i32
        %dma_wait3A_211 = arith.constant 0 : i32
        %dma_wait3A_212 = tpu.memref_slice %arg7[%dma_wait3A_210, %dma_wait3A_211] : memref<10240x128xf32, #tpu.memory_space<vmem_shared>> -> memref<10240x128xf32, #tpu.memory_space<vmem_shared>>
        tpu.wait_indirect_dma semaphore(%run_scoped3A_200 : memref<!tpu.dma_semaphore, #tpu.memory_space<semaphore_mem>>) src(%arg11 : memref<128x128xf32, #tpu.memory_space<vmem>>) dst(%dma_wait3A_212 : memref<10240x128xf32, #tpu.memory_space<vmem_shared>>)
        tpu.yield
      }) : () -> ()
      %add3A_136 = arith.constant 2 : i32
      %add3A_137 = arith.addi %mul3A_105, %add3A_136 : i32
      %mul3A_138 = arith.constant 80 : i32
      %mul3A_139 = arith.muli %add3A, %mul3A_138 : i32
      %add3A_140 = arith.addi %mul3A_139, %add3A_137 : i32
      %mul3A_141 = arith.constant 128 : i32
      %mul3A_142 = arith.muli %add3A_140, %mul3A_141 : i32
      %dma_start3A_143 = arith.constant 0 : i32
      %dma_start3A_144 = arith.constant 0 : i32
      %dma_start3A_145 = tpu.memref_slice %arg9[%dma_start3A_143, %dma_start3A_144] : memref<8x128xi32, #tpu.memory_space<vmem>> -> memref<1x128xi32, #tpu.memory_space<vmem>>
      %dma_start3A_146 = tpu.memref_squeeze %dma_start3A_145 : memref<1x128xi32, #tpu.memory_space<vmem>> -> memref<128xi32, #tpu.memory_space<vmem>>
      %dma_start3A_147 = tpu.memref_slice %arg3[%mul3A_142] : memref<327680xi32, #tpu.memory_space<hbm>> -> memref<128xi32, #tpu.memory_space<hbm>>
      %dma_start3A_148 = arith.constant 0 : i32
      %dma_start3A_149 = tpu.memref_slice %arg9[%dma_start3A_143, %dma_start3A_148] : memref<8x128xi32, #tpu.memory_space<vmem>> -> memref<1x128xi32, #tpu.memory_space<vmem>>
      %dma_start3A_150 = tpu.memref_squeeze %dma_start3A_149 : memref<1x128xi32, #tpu.memory_space<vmem>> -> memref<128xi32, #tpu.memory_space<vmem>>
      %dma_start3A_151 = tpu.memref_slice %arg3[%mul3A_142] : memref<327680xi32, #tpu.memory_space<hbm>> -> memref<128xi32, #tpu.memory_space<hbm>>
      tpu.enqueue_dma source(%dma_start3A_151 : memref<128xi32, #tpu.memory_space<hbm>>) target(%dma_start3A_150 : memref<128xi32, #tpu.memory_space<vmem>>) target_semaphore(%arg13 : memref<!tpu.dma_semaphore, #tpu.memory_space<semaphore_mem>>)
      %add3A_152 = arith.constant 1 : i32
      %add3A_153 = arith.addi %mul3A_105, %add3A_152 : i32
      %add3A_154 = arith.constant 1 : i32
      %add3A_155 = arith.addi %add3A_153, %add3A_154 : i32
      %mul3A_156 = arith.constant 80 : i32
      %mul3A_157 = arith.muli %add3A, %mul3A_156 : i32
      %add3A_158 = arith.addi %mul3A_157, %add3A_155 : i32
      %mul3A_159 = arith.constant 128 : i32
      %mul3A_160 = arith.muli %add3A_158, %mul3A_159 : i32
      %dma_wait3A_161 = arith.constant 0 : i32
      %dma_wait3A_162 = arith.constant 0 : i32
      %dma_wait3A_163 = tpu.memref_slice %arg9[%dma_wait3A_161, %dma_wait3A_162] : memref<8x128xi32, #tpu.memory_space<vmem>> -> memref<1x128xi32, #tpu.memory_space<vmem>>
      %dma_wait3A_164 = tpu.memref_squeeze %dma_wait3A_163 : memref<1x128xi32, #tpu.memory_space<vmem>> -> memref<128xi32, #tpu.memory_space<vmem>>
      %dma_wait3A_165 = tpu.memref_slice %arg3[%mul3A_160] : memref<327680xi32, #tpu.memory_space<hbm>> -> memref<128xi32, #tpu.memory_space<hbm>>
      %dma_wait3A_166 = arith.constant 0 : i32
      %dma_wait3A_167 = tpu.memref_slice %arg9[%dma_wait3A_161, %dma_wait3A_166] : memref<8x128xi32, #tpu.memory_space<vmem>> -> memref<1x128xi32, #tpu.memory_space<vmem>>
      %dma_wait3A_168 = tpu.memref_squeeze %dma_wait3A_167 : memref<1x128xi32, #tpu.memory_space<vmem>> -> memref<128xi32, #tpu.memory_space<vmem>>
      %dma_wait3A_169 = tpu.memref_slice %arg3[%mul3A_160] : memref<327680xi32, #tpu.memory_space<hbm>> -> memref<128xi32, #tpu.memory_space<hbm>>
      tpu.wait_dma2 semaphore(%arg13 : memref<!tpu.dma_semaphore, #tpu.memory_space<semaphore_mem>>) src(%dma_wait3A_169 : memref<128xi32, #tpu.memory_space<hbm>>) dst(%dma_wait3A_168 : memref<128xi32, #tpu.memory_space<vmem>>)
      %dma_wait3A_170 = arith.constant 0 : i32
      %dma_wait3A_171 = arith.constant 0 : i32
      %dma_wait3A_172 = tpu.memref_slice %arg10[%dma_wait3A_170, %dma_wait3A_171] : memref<8x128xi32, #tpu.memory_space<vmem>> -> memref<1x128xi32, #tpu.memory_space<vmem>>
      %dma_wait3A_173 = tpu.memref_squeeze %dma_wait3A_172 : memref<1x128xi32, #tpu.memory_space<vmem>> -> memref<128xi32, #tpu.memory_space<vmem>>
      %dma_wait3A_174 = arith.constant 0 : i32
      %dma_wait3A_175 = arith.constant 0 : i32
      %dma_wait3A_176 = tpu.memref_slice %arg2[%dma_wait3A_174, %dma_wait3A_175] : memref<10000x128xf32, #tpu.memory_space<hbm>> -> memref<10000x128xf32, #tpu.memory_space<hbm>>
      tpu.wait_indirect_dma semaphore(%arg16 : memref<!tpu.dma_semaphore, #tpu.memory_space<semaphore_mem>>) src(%dma_wait3A_176 : memref<10000x128xf32, #tpu.memory_space<hbm>>) dst(%arg12 : memref<128x128xf32, #tpu.memory_space<vmem>>)
      %dma_start3A_177 = arith.constant 0 : i32
      %dma_start3A_178 = arith.constant 0 : i32
      %dma_start3A_179 = tpu.memref_slice %arg9[%dma_start3A_177, %dma_start3A_178] : memref<8x128xi32, #tpu.memory_space<vmem>> -> memref<1x128xi32, #tpu.memory_space<vmem>>
      %dma_start3A_180 = tpu.memref_squeeze %dma_start3A_179 : memref<1x128xi32, #tpu.memory_space<vmem>> -> memref<128xi32, #tpu.memory_space<vmem>>
      %dma_start3A_181 = arith.constant 0 : i32
      %dma_start3A_182 = arith.constant 0 : i32
      %dma_start3A_183 = tpu.memref_slice %arg2[%dma_start3A_181, %dma_start3A_182] : memref<10000x128xf32, #tpu.memory_space<hbm>> -> memref<10000x128xf32, #tpu.memory_space<hbm>>
      tpu.enqueue_indirect_dma source(%dma_start3A_183 : memref<10000x128xf32, #tpu.memory_space<hbm>>) target(%arg11 : memref<128x128xf32, #tpu.memory_space<vmem>>) offsets(%dma_start3A_180 : memref<128xi32, #tpu.memory_space<vmem>>) semaphore(%arg15 : memref<!tpu.dma_semaphore, #tpu.memory_space<semaphore_mem>>)
      "tpu.region"() ({
        %run_scoped3A_200 = tpu.sem_alloc : memref<!tpu.dma_semaphore, #tpu.memory_space<semaphore_mem>>
        %dma_start3A_201 = arith.constant 0 : i32
        %dma_start3A_202 = tpu.memref_slice %arg8[%add3A_153, %dma_start3A_201] : memref<80x128xi32, #tpu.memory_space<vmem>> -> memref<1x128xi32, #tpu.memory_space<vmem>>
        %dma_start3A_203 = tpu.memref_squeeze %dma_start3A_202 : memref<1x128xi32, #tpu.memory_space<vmem>> -> memref<128xi32, #tpu.memory_space<vmem>>
        %dma_start3A_204 = arith.constant 0 : i32
        %dma_start3A_205 = arith.constant 0 : i32
        %dma_start3A_206 = tpu.memref_slice %arg7[%dma_start3A_204, %dma_start3A_205] : memref<10240x128xf32, #tpu.memory_space<vmem_shared>> -> memref<10240x128xf32, #tpu.memory_space<vmem_shared>>
        tpu.enqueue_indirect_dma source(%arg12 : memref<128x128xf32, #tpu.memory_space<vmem>>) target(%dma_start3A_206 : memref<10240x128xf32, #tpu.memory_space<vmem_shared>>) offsets(%dma_start3A_203 : memref<128xi32, #tpu.memory_space<vmem>>) semaphore(%run_scoped3A_200 : memref<!tpu.dma_semaphore, #tpu.memory_space<semaphore_mem>>) {add = true}
        %dma_wait3A_207 = arith.constant 0 : i32
        %dma_wait3A_208 = tpu.memref_slice %arg8[%add3A_153, %dma_wait3A_207] : memref<80x128xi32, #tpu.memory_space<vmem>> -> memref<1x128xi32, #tpu.memory_space<vmem>>
        %dma_wait3A_209 = tpu.memref_squeeze %dma_wait3A_208 : memref<1x128xi32, #tpu.memory_space<vmem>> -> memref<128xi32, #tpu.memory_space<vmem>>
        %dma_wait3A_210 = arith.constant 0 : i32
        %dma_wait3A_211 = arith.constant 0 : i32
        %dma_wait3A_212 = tpu.memref_slice %arg7[%dma_wait3A_210, %dma_wait3A_211] : memref<10240x128xf32, #tpu.memory_space<vmem_shared>> -> memref<10240x128xf32, #tpu.memory_space<vmem_shared>>
        tpu.wait_indirect_dma semaphore(%run_scoped3A_200 : memref<!tpu.dma_semaphore, #tpu.memory_space<semaphore_mem>>) src(%arg12 : memref<128x128xf32, #tpu.memory_space<vmem>>) dst(%dma_wait3A_212 : memref<10240x128xf32, #tpu.memory_space<vmem_shared>>)
        tpu.yield
      }) : () -> ()
      %add3A_184 = arith.constant 2 : i32
      %add3A_185 = arith.addi %add3A_153, %add3A_184 : i32
      %mul3A_186 = arith.constant 80 : i32
      %mul3A_187 = arith.muli %add3A, %mul3A_186 : i32
      %add3A_188 = arith.addi %mul3A_187, %add3A_185 : i32
      %mul3A_189 = arith.constant 128 : i32
      %mul3A_190 = arith.muli %add3A_188, %mul3A_189 : i32
      %dma_start3A_191 = arith.constant 0 : i32
      %dma_start3A_192 = arith.constant 0 : i32
      %dma_start3A_193 = tpu.memref_slice %arg10[%dma_start3A_191, %dma_start3A_192] : memref<8x128xi32, #tpu.memory_space<vmem>> -> memref<1x128xi32, #tpu.memory_space<vmem>>
      %dma_start3A_194 = tpu.memref_squeeze %dma_start3A_193 : memref<1x128xi32, #tpu.memory_space<vmem>> -> memref<128xi32, #tpu.memory_space<vmem>>
      %dma_start3A_195 = tpu.memref_slice %arg3[%mul3A_190] : memref<327680xi32, #tpu.memory_space<hbm>> -> memref<128xi32, #tpu.memory_space<hbm>>
      %dma_start3A_196 = arith.constant 0 : i32
      %dma_start3A_197 = tpu.memref_slice %arg10[%dma_start3A_191, %dma_start3A_196] : memref<8x128xi32, #tpu.memory_space<vmem>> -> memref<1x128xi32, #tpu.memory_space<vmem>>
      %dma_start3A_198 = tpu.memref_squeeze %dma_start3A_197 : memref<1x128xi32, #tpu.memory_space<vmem>> -> memref<128xi32, #tpu.memory_space<vmem>>
      %dma_start3A_199 = tpu.memref_slice %arg3[%mul3A_190] : memref<327680xi32, #tpu.memory_space<hbm>> -> memref<128xi32, #tpu.memory_space<hbm>>
      tpu.enqueue_dma source(%dma_start3A_199 : memref<128xi32, #tpu.memory_space<hbm>>) target(%dma_start3A_198 : memref<128xi32, #tpu.memory_space<vmem>>) target_semaphore(%arg14 : memref<!tpu.dma_semaphore, #tpu.memory_space<semaphore_mem>>)
    }
    %scan3A_57 = arith.constant 39 : i32
    %mul3A_58 = arith.constant 80 : i32
    %mul3A_59 = arith.muli %add3A, %mul3A_58 : i32
    %add3A_60 = arith.constant 79 : i32
    %add3A_61 = arith.addi %mul3A_59, %add3A_60 : i32
    %mul3A_62 = arith.constant 128 : i32
    %mul3A_63 = arith.muli %add3A_61, %mul3A_62 : i32
    %dma_wait3A_64 = arith.constant 0 : i32
    %dma_wait3A_65 = arith.constant 0 : i32
    %dma_wait3A_66 = tpu.memref_slice %arg10[%dma_wait3A_64, %dma_wait3A_65] : memref<8x128xi32, #tpu.memory_space<vmem>> -> memref<1x128xi32, #tpu.memory_space<vmem>>
    %dma_wait3A_67 = tpu.memref_squeeze %dma_wait3A_66 : memref<1x128xi32, #tpu.memory_space<vmem>> -> memref<128xi32, #tpu.memory_space<vmem>>
    %dma_wait3A_68 = tpu.memref_slice %arg3[%mul3A_63] : memref<327680xi32, #tpu.memory_space<hbm>> -> memref<128xi32, #tpu.memory_space<hbm>>
    %dma_wait3A_69 = arith.constant 0 : i32
    %dma_wait3A_70 = tpu.memref_slice %arg10[%dma_wait3A_64, %dma_wait3A_69] : memref<8x128xi32, #tpu.memory_space<vmem>> -> memref<1x128xi32, #tpu.memory_space<vmem>>
    %dma_wait3A_71 = tpu.memref_squeeze %dma_wait3A_70 : memref<1x128xi32, #tpu.memory_space<vmem>> -> memref<128xi32, #tpu.memory_space<vmem>>
    %dma_wait3A_72 = tpu.memref_slice %arg3[%mul3A_63] : memref<327680xi32, #tpu.memory_space<hbm>> -> memref<128xi32, #tpu.memory_space<hbm>>
    tpu.wait_dma2 semaphore(%arg14 : memref<!tpu.dma_semaphore, #tpu.memory_space<semaphore_mem>>) src(%dma_wait3A_72 : memref<128xi32, #tpu.memory_space<hbm>>) dst(%dma_wait3A_71 : memref<128xi32, #tpu.memory_space<vmem>>)
    %dma_wait3A_73 = arith.constant 0 : i32
    %dma_wait3A_74 = arith.constant 0 : i32
    %dma_wait3A_75 = tpu.memref_slice %arg9[%dma_wait3A_73, %dma_wait3A_74] : memref<8x128xi32, #tpu.memory_space<vmem>> -> memref<1x128xi32, #tpu.memory_space<vmem>>
    %dma_wait3A_76 = tpu.memref_squeeze %dma_wait3A_75 : memref<1x128xi32, #tpu.memory_space<vmem>> -> memref<128xi32, #tpu.memory_space<vmem>>
    %dma_wait3A_77 = arith.constant 0 : i32
    %dma_wait3A_78 = arith.constant 0 : i32
    %dma_wait3A_79 = tpu.memref_slice %arg2[%dma_wait3A_77, %dma_wait3A_78] : memref<10000x128xf32, #tpu.memory_space<hbm>> -> memref<10000x128xf32, #tpu.memory_space<hbm>>
    tpu.wait_indirect_dma semaphore(%arg15 : memref<!tpu.dma_semaphore, #tpu.memory_space<semaphore_mem>>) src(%dma_wait3A_79 : memref<10000x128xf32, #tpu.memory_space<hbm>>) dst(%arg11 : memref<128x128xf32, #tpu.memory_space<vmem>>)
    %dma_start3A_80 = arith.constant 0 : i32
    %dma_start3A_81 = arith.constant 0 : i32
    %dma_start3A_82 = tpu.memref_slice %arg10[%dma_start3A_80, %dma_start3A_81] : memref<8x128xi32, #tpu.memory_space<vmem>> -> memref<1x128xi32, #tpu.memory_space<vmem>>
    %dma_start3A_83 = tpu.memref_squeeze %dma_start3A_82 : memref<1x128xi32, #tpu.memory_space<vmem>> -> memref<128xi32, #tpu.memory_space<vmem>>
    %dma_start3A_84 = arith.constant 0 : i32
    %dma_start3A_85 = arith.constant 0 : i32
    %dma_start3A_86 = tpu.memref_slice %arg2[%dma_start3A_84, %dma_start3A_85] : memref<10000x128xf32, #tpu.memory_space<hbm>> -> memref<10000x128xf32, #tpu.memory_space<hbm>>
    tpu.enqueue_indirect_dma source(%dma_start3A_86 : memref<10000x128xf32, #tpu.memory_space<hbm>>) target(%arg12 : memref<128x128xf32, #tpu.memory_space<vmem>>) offsets(%dma_start3A_83 : memref<128xi32, #tpu.memory_space<vmem>>) semaphore(%arg16 : memref<!tpu.dma_semaphore, #tpu.memory_space<semaphore_mem>>)
    %run_scoped3A = arith.constant 78 : i32
    "tpu.region"() ({
      %run_scoped3A_103 = tpu.sem_alloc : memref<!tpu.dma_semaphore, #tpu.memory_space<semaphore_mem>>
      %dma_start3A_104 = arith.constant 0 : i32
      %dma_start3A_105 = tpu.memref_slice %arg8[%run_scoped3A, %dma_start3A_104] : memref<80x128xi32, #tpu.memory_space<vmem>> -> memref<1x128xi32, #tpu.memory_space<vmem>>
      %dma_start3A_106 = tpu.memref_squeeze %dma_start3A_105 : memref<1x128xi32, #tpu.memory_space<vmem>> -> memref<128xi32, #tpu.memory_space<vmem>>
      %dma_start3A_107 = arith.constant 0 : i32
      %dma_start3A_108 = arith.constant 0 : i32
      %dma_start3A_109 = tpu.memref_slice %arg7[%dma_start3A_107, %dma_start3A_108] : memref<10240x128xf32, #tpu.memory_space<vmem_shared>> -> memref<10240x128xf32, #tpu.memory_space<vmem_shared>>
      tpu.enqueue_indirect_dma source(%arg11 : memref<128x128xf32, #tpu.memory_space<vmem>>) target(%dma_start3A_109 : memref<10240x128xf32, #tpu.memory_space<vmem_shared>>) offsets(%dma_start3A_106 : memref<128xi32, #tpu.memory_space<vmem>>) semaphore(%run_scoped3A_103 : memref<!tpu.dma_semaphore, #tpu.memory_space<semaphore_mem>>) {add = true}
      %dma_wait3A_110 = arith.constant 0 : i32
      %dma_wait3A_111 = tpu.memref_slice %arg8[%run_scoped3A, %dma_wait3A_110] : memref<80x128xi32, #tpu.memory_space<vmem>> -> memref<1x128xi32, #tpu.memory_space<vmem>>
      %dma_wait3A_112 = tpu.memref_squeeze %dma_wait3A_111 : memref<1x128xi32, #tpu.memory_space<vmem>> -> memref<128xi32, #tpu.memory_space<vmem>>
      %dma_wait3A_113 = arith.constant 0 : i32
      %dma_wait3A_114 = arith.constant 0 : i32
      %dma_wait3A_115 = tpu.memref_slice %arg7[%dma_wait3A_113, %dma_wait3A_114] : memref<10240x128xf32, #tpu.memory_space<vmem_shared>> -> memref<10240x128xf32, #tpu.memory_space<vmem_shared>>
      tpu.wait_indirect_dma semaphore(%run_scoped3A_103 : memref<!tpu.dma_semaphore, #tpu.memory_space<semaphore_mem>>) src(%arg11 : memref<128x128xf32, #tpu.memory_space<vmem>>) dst(%dma_wait3A_115 : memref<10240x128xf32, #tpu.memory_space<vmem_shared>>)
      tpu.yield
    }) : () -> ()
    %dma_wait3A_87 = arith.constant 0 : i32
    %dma_wait3A_88 = arith.constant 0 : i32
    %dma_wait3A_89 = tpu.memref_slice %arg10[%dma_wait3A_87, %dma_wait3A_88] : memref<8x128xi32, #tpu.memory_space<vmem>> -> memref<1x128xi32, #tpu.memory_space<vmem>>
    %dma_wait3A_90 = tpu.memref_squeeze %dma_wait3A_89 : memref<1x128xi32, #tpu.memory_space<vmem>> -> memref<128xi32, #tpu.memory_space<vmem>>
    %dma_wait3A_91 = arith.constant 0 : i32
    %dma_wait3A_92 = arith.constant 0 : i32
    %dma_wait3A_93 = tpu.memref_slice %arg2[%dma_wait3A_91, %dma_wait3A_92] : memref<10000x128xf32, #tpu.memory_space<hbm>> -> memref<10000x128xf32, #tpu.memory_space<hbm>>
    tpu.wait_indirect_dma semaphore(%arg16 : memref<!tpu.dma_semaphore, #tpu.memory_space<semaphore_mem>>) src(%dma_wait3A_93 : memref<10000x128xf32, #tpu.memory_space<hbm>>) dst(%arg12 : memref<128x128xf32, #tpu.memory_space<vmem>>)
    %run_scoped3A_94 = arith.constant 79 : i32
    "tpu.region"() ({
      %run_scoped3A_103 = tpu.sem_alloc : memref<!tpu.dma_semaphore, #tpu.memory_space<semaphore_mem>>
      %dma_start3A_104 = arith.constant 0 : i32
      %dma_start3A_105 = tpu.memref_slice %arg8[%run_scoped3A_94, %dma_start3A_104] : memref<80x128xi32, #tpu.memory_space<vmem>> -> memref<1x128xi32, #tpu.memory_space<vmem>>
      %dma_start3A_106 = tpu.memref_squeeze %dma_start3A_105 : memref<1x128xi32, #tpu.memory_space<vmem>> -> memref<128xi32, #tpu.memory_space<vmem>>
      %dma_start3A_107 = arith.constant 0 : i32
      %dma_start3A_108 = arith.constant 0 : i32
      %dma_start3A_109 = tpu.memref_slice %arg7[%dma_start3A_107, %dma_start3A_108] : memref<10240x128xf32, #tpu.memory_space<vmem_shared>> -> memref<10240x128xf32, #tpu.memory_space<vmem_shared>>
      tpu.enqueue_indirect_dma source(%arg12 : memref<128x128xf32, #tpu.memory_space<vmem>>) target(%dma_start3A_109 : memref<10240x128xf32, #tpu.memory_space<vmem_shared>>) offsets(%dma_start3A_106 : memref<128xi32, #tpu.memory_space<vmem>>) semaphore(%run_scoped3A_103 : memref<!tpu.dma_semaphore, #tpu.memory_space<semaphore_mem>>) {add = true}
      %dma_wait3A_110 = arith.constant 0 : i32
      %dma_wait3A_111 = tpu.memref_slice %arg8[%run_scoped3A_94, %dma_wait3A_110] : memref<80x128xi32, #tpu.memory_space<vmem>> -> memref<1x128xi32, #tpu.memory_space<vmem>>
      %dma_wait3A_112 = tpu.memref_squeeze %dma_wait3A_111 : memref<1x128xi32, #tpu.memory_space<vmem>> -> memref<128xi32, #tpu.memory_space<vmem>>
      %dma_wait3A_113 = arith.constant 0 : i32
      %dma_wait3A_114 = arith.constant 0 : i32
      %dma_wait3A_115 = tpu.memref_slice %arg7[%dma_wait3A_113, %dma_wait3A_114] : memref<10240x128xf32, #tpu.memory_space<vmem_shared>> -> memref<10240x128xf32, #tpu.memory_space<vmem_shared>>
      tpu.wait_indirect_dma semaphore(%run_scoped3A_103 : memref<!tpu.dma_semaphore, #tpu.memory_space<semaphore_mem>>) src(%arg12 : memref<128x128xf32, #tpu.memory_space<vmem>>) dst(%dma_wait3A_115 : memref<10240x128xf32, #tpu.memory_space<vmem_shared>>)
      tpu.yield
    }) : () -> ()
    %barrier3A_95 = arith.constant 0 : index
    tpu.barrier barrier_id(%barrier3A_95)
    %mul3A_96 = arith.constant 10240 : i32
    %mul3A_97 = arith.muli %arg0, %mul3A_96 : i32
    %mul3A_98 = arith.constant 640 : i32
    %mul3A_99 = arith.muli %arg1, %mul3A_98 : i32
    %add3A_100 = arith.addi %mul3A_97, %mul3A_99 : i32
    %mul3A_101 = arith.constant 640 : i32
    %mul3A_102 = arith.muli %arg1, %mul3A_101 : i32
    "tpu.region"() ({
      %run_scoped3A_103 = tpu.sem_alloc : memref<!tpu.dma_semaphore, #tpu.memory_space<semaphore_mem>>
      %dma_start3A_104 = arith.constant 0 : i32
      %dma_start3A_105 = tpu.memref_slice %arg6[%add3A_100, %dma_start3A_104] : memref<20480x128xf32, #tpu.memory_space<hbm>> -> memref<640x128xf32, #tpu.memory_space<hbm>>
      %dma_start3A_106 = arith.constant 0 : i32
      %dma_start3A_107 = tpu.memref_slice %arg7[%mul3A_102, %dma_start3A_106] : memref<10240x128xf32, #tpu.memory_space<vmem_shared>> -> memref<640x128xf32, #tpu.memory_space<vmem_shared>>
      tpu.enqueue_dma source(%dma_start3A_107 : memref<640x128xf32, #tpu.memory_space<vmem_shared>>) target(%dma_start3A_105 : memref<640x128xf32, #tpu.memory_space<hbm>>) target_semaphore(%run_scoped3A_103 : memref<!tpu.dma_semaphore, #tpu.memory_space<semaphore_mem>>)
      %dma_wait3A_108 = arith.constant 0 : i32
      %dma_wait3A_109 = tpu.memref_slice %arg6[%add3A_100, %dma_wait3A_108] : memref<20480x128xf32, #tpu.memory_space<hbm>> -> memref<640x128xf32, #tpu.memory_space<hbm>>
      %dma_wait3A_110 = arith.constant 0 : i32
      %dma_wait3A_111 = tpu.memref_slice %arg7[%mul3A_102, %dma_wait3A_110] : memref<10240x128xf32, #tpu.memory_space<vmem_shared>> -> memref<640x128xf32, #tpu.memory_space<vmem_shared>>
      tpu.wait_dma2 semaphore(%run_scoped3A_103 : memref<!tpu.dma_semaphore, #tpu.memory_space<semaphore_mem>>) src(%dma_wait3A_111 : memref<640x128xf32, #tpu.memory_space<vmem_shared>>) dst(%dma_wait3A_109 : memref<640x128xf32, #tpu.memory_space<hbm>>)
      tpu.yield
    }) : () -> ()
    return
  }
}

#map = affine_map<(d0, d1) -> (0, 0)>
#map1 = affine_map<(d0, d1) -> (0)>
#map2 = affine_map<(d0, d1) -> (0, 0, 0)>
module attributes {stable_mosaic.version = 14 : i64} {
  func.func @_spmm_body(%arg0: i32, %arg1: i32, %arg2: memref<10000x128xf32, #tpu.memory_space<hbm>>, %arg3: memref<327680xi32, #tpu.memory_space<hbm>>, %arg4: memref<32x80x128xi32, #tpu.memory_space<hbm>>, %arg5: memref<640x128xf32, #tpu.memory_space<hbm>>, %arg6: memref<20480x128xf32, #tpu.memory_space<hbm>>, %arg7: memref<10240x128xf32, #tpu.memory_space<vmem_shared>>, %arg8: memref<80x128xi32, #tpu.memory_space<vmem>>, %arg9: memref<8x128xi32, #tpu.memory_space<vmem>>, %arg10: memref<8x128xi32, #tpu.memory_space<vmem>>, %arg11: memref<128x128xf32, #tpu.memory_space<vmem>>, %arg12: memref<128x128xf32, #tpu.memory_space<vmem>>, %arg13: memref<!tpu.dma_semaphore, #tpu.memory_space<semaphore_mem>>, %arg14: memref<!tpu.dma_semaphore, #tpu.memory_space<semaphore_mem>>, %arg15: memref<!tpu.dma_semaphore, #tpu.memory_space<semaphore_mem>>, %arg16: memref<!tpu.dma_semaphore, #tpu.memory_space<semaphore_mem>>) attributes {dimension_semantics = [#tpu.dimension_semantics<core_parallel>, #tpu.dimension_semantics<subcore_parallel>], iteration_bounds = array<i64: 2, 16>, scalar_prefetch = 0 : i64, scratch_operands = 10 : i64, tpu.core_type = #tpu.core_type<sc_vector_subcore>, window_params = [{transform_indices = #map}, {transform_indices = #map1}, {transform_indices = #map2}, {transform_indices = #map}, {transform_indices = #map}]} {
    %mul3A = arith.constant 16 : i32
    %mul3A_0 = arith.muli %arg0, %mul3A : i32
    %add3A = arith.addi %mul3A_0, %arg1 : i32
    %mul3A_1 = arith.constant 640 : i32
    %mul3A_2 = arith.muli %arg1, %mul3A_1 : i32
    "tpu.region"() ({
      %run_scoped3A_103 = tpu.sem_alloc : memref<!tpu.dma_semaphore, #tpu.memory_space<semaphore_mem>>
      %dma_start3A_104 = arith.constant 0 : i32
      %dma_start3A_105 = tpu.memref_slice %arg7[%mul3A_2, %dma_start3A_104] : memref<10240x128xf32, #tpu.memory_space<vmem_shared>> -> memref<640x128xf32, #tpu.memory_space<vmem_shared>>
      tpu.enqueue_dma source(%arg5 : memref<640x128xf32, #tpu.memory_space<hbm>>) target(%dma_start3A_105 : memref<640x128xf32, #tpu.memory_space<vmem_shared>>) target_semaphore(%run_scoped3A_103 : memref<!tpu.dma_semaphore, #tpu.memory_space<semaphore_mem>>)
      %dma_wait3A_106 = arith.constant 0 : i32
      %dma_wait3A_107 = tpu.memref_slice %arg7[%mul3A_2, %dma_wait3A_106] : memref<10240x128xf32, #tpu.memory_space<vmem_shared>> -> memref<640x128xf32, #tpu.memory_space<vmem_shared>>
      tpu.wait_dma2 semaphore(%run_scoped3A_103 : memref<!tpu.dma_semaphore, #tpu.memory_space<semaphore_mem>>) src(%arg5 : memref<640x128xf32, #tpu.memory_space<hbm>>) dst(%dma_wait3A_107 : memref<640x128xf32, #tpu.memory_space<vmem_shared>>)
      tpu.yield
    }) : () -> ()
    "tpu.region"() ({
      %run_scoped3A_103 = tpu.sem_alloc : memref<!tpu.dma_semaphore, #tpu.memory_space<semaphore_mem>>
      %dma_start3A_104 = arith.constant 0 : i32
      %dma_start3A_105 = arith.constant 0 : i32
      %dma_start3A_106 = tpu.memref_slice %arg4[%add3A, %dma_start3A_104, %dma_start3A_105] : memref<32x80x128xi32, #tpu.memory_space<hbm>> -> memref<1x80x128xi32, #tpu.memory_space<hbm>>
      %dma_start3A_107 = tpu.memref_squeeze %dma_start3A_106 : memref<1x80x128xi32, #tpu.memory_space<hbm>> -> memref<80x128xi32, #tpu.memory_space<hbm>>
      %dma_start3A_108 = arith.constant 0 : i32
      %dma_start3A_109 = arith.constant 0 : i32
      %dma_start3A_110 = tpu.memref_slice %arg4[%add3A, %dma_start3A_108, %dma_start3A_109] : memref<32x80x128xi32, #tpu.memory_space<hbm>> -> memref<1x80x128xi32, #tpu.memory_space<hbm>>
      %dma_start3A_111 = tpu.memref_squeeze %dma_start3A_110 : memref<1x80x128xi32, #tpu.memory_space<hbm>> -> memref<80x128xi32, #tpu.memory_space<hbm>>
      tpu.enqueue_dma source(%dma_start3A_111 : memref<80x128xi32, #tpu.memory_space<hbm>>) target(%arg8 : memref<80x128xi32, #tpu.memory_space<vmem>>) target_semaphore(%run_scoped3A_103 : memref<!tpu.dma_semaphore, #tpu.memory_space<semaphore_mem>>)
      %dma_wait3A_112 = arith.constant 0 : i32
      %dma_wait3A_113 = arith.constant 0 : i32
      %dma_wait3A_114 = tpu.memref_slice %arg4[%add3A, %dma_wait3A_112, %dma_wait3A_113] : memref<32x80x128xi32, #tpu.memory_space<hbm>> -> memref<1x80x128xi32, #tpu.memory_space<hbm>>
      %dma_wait3A_115 = tpu.memref_squeeze %dma_wait3A_114 : memref<1x80x128xi32, #tpu.memory_space<hbm>> -> memref<80x128xi32, #tpu.memory_space<hbm>>
      %dma_wait3A_116 = arith.constant 0 : i32
      %dma_wait3A_117 = arith.constant 0 : i32
      %dma_wait3A_118 = tpu.memref_slice %arg4[%add3A, %dma_wait3A_116, %dma_wait3A_117] : memref<32x80x128xi32, #tpu.memory_space<hbm>> -> memref<1x80x128xi32, #tpu.memory_space<hbm>>
      %dma_wait3A_119 = tpu.memref_squeeze %dma_wait3A_118 : memref<1x80x128xi32, #tpu.memory_space<hbm>> -> memref<80x128xi32, #tpu.memory_space<hbm>>
      tpu.wait_dma2 semaphore(%run_scoped3A_103 : memref<!tpu.dma_semaphore, #tpu.memory_space<semaphore_mem>>) src(%dma_wait3A_119 : memref<80x128xi32, #tpu.memory_space<hbm>>) dst(%arg8 : memref<80x128xi32, #tpu.memory_space<vmem>>)
      tpu.yield
    }) : () -> ()
    %barrier3A = arith.constant 0 : index
    tpu.barrier barrier_id(%barrier3A)
    %mul3A_3 = arith.constant 80 : i32
    %mul3A_4 = arith.muli %add3A, %mul3A_3 : i32
    %add3A_5 = arith.constant 0 : i32
    %add3A_6 = arith.addi %mul3A_4, %add3A_5 : i32
    %mul3A_7 = arith.constant 128 : i32
    %mul3A_8 = arith.muli %add3A_6, %mul3A_7 : i32
    %dma_start3A = arith.constant 0 : i32
    %dma_start3A_9 = arith.constant 0 : i32
    %dma_start3A_10 = tpu.memref_slice %arg9[%dma_start3A, %dma_start3A_9] : memref<8x128xi32, #tpu.memory_space<vmem>> -> memref<1x128xi32, #tpu.memory_space<vmem>>
    %dma_start3A_11 = tpu.memref_squeeze %dma_start3A_10 : memref<1x128xi32, #tpu.memory_space<vmem>> -> memref<128xi32, #tpu.memory_space<vmem>>
    %dma_start3A_12 = tpu.memref_slice %arg3[%mul3A_8] : memref<327680xi32, #tpu.memory_space<hbm>> -> memref<128xi32, #tpu.memory_space<hbm>>
    %dma_start3A_13 = arith.constant 0 : i32
    %dma_start3A_14 = tpu.memref_slice %arg9[%dma_start3A, %dma_start3A_13] : memref<8x128xi32, #tpu.memory_space<vmem>> -> memref<1x128xi32, #tpu.memory_space<vmem>>
    %dma_start3A_15 = tpu.memref_squeeze %dma_start3A_14 : memref<1x128xi32, #tpu.memory_space<vmem>> -> memref<128xi32, #tpu.memory_space<vmem>>
    %dma_start3A_16 = tpu.memref_slice %arg3[%mul3A_8] : memref<327680xi32, #tpu.memory_space<hbm>> -> memref<128xi32, #tpu.memory_space<hbm>>
    tpu.enqueue_dma source(%dma_start3A_16 : memref<128xi32, #tpu.memory_space<hbm>>) target(%dma_start3A_15 : memref<128xi32, #tpu.memory_space<vmem>>) target_semaphore(%arg13 : memref<!tpu.dma_semaphore, #tpu.memory_space<semaphore_mem>>)
    %mul3A_17 = arith.constant 80 : i32
    %mul3A_18 = arith.muli %add3A, %mul3A_17 : i32
    %add3A_19 = arith.constant 1 : i32
    %add3A_20 = arith.addi %mul3A_18, %add3A_19 : i32
    %mul3A_21 = arith.constant 128 : i32
    %mul3A_22 = arith.muli %add3A_20, %mul3A_21 : i32
    %dma_start3A_23 = arith.constant 0 : i32
    %dma_start3A_24 = arith.constant 0 : i32
    %dma_start3A_25 = tpu.memref_slice %arg10[%dma_start3A_23, %dma_start3A_24] : memref<8x128xi32, #tpu.memory_space<vmem>> -> memref<1x128xi32, #tpu.memory_space<vmem>>
    %dma_start3A_26 = tpu.memref_squeeze %dma_start3A_25 : memref<1x128xi32, #tpu.memory_space<vmem>> -> memref<128xi32, #tpu.memory_space<vmem>>
    %dma_start3A_27 = tpu.memref_slice %arg3[%mul3A_22] : memref<327680xi32, #tpu.memory_space<hbm>> -> memref<128xi32, #tpu.memory_space<hbm>>
    %dma_start3A_28 = arith.constant 0 : i32
    %dma_start3A_29 = tpu.memref_slice %arg10[%dma_start3A_23, %dma_start3A_28] : memref<8x128xi32, #tpu.memory_space<vmem>> -> memref<1x128xi32, #tpu.memory_space<vmem>>
    %dma_start3A_30 = tpu.memref_squeeze %dma_start3A_29 : memref<1x128xi32, #tpu.memory_space<vmem>> -> memref<128xi32, #tpu.memory_space<vmem>>
    %dma_start3A_31 = tpu.memref_slice %arg3[%mul3A_22] : memref<327680xi32, #tpu.memory_space<hbm>> -> memref<128xi32, #tpu.memory_space<hbm>>
    tpu.enqueue_dma source(%dma_start3A_31 : memref<128xi32, #tpu.memory_space<hbm>>) target(%dma_start3A_30 : memref<128xi32, #tpu.memory_space<vmem>>) target_semaphore(%arg14 : memref<!tpu.dma_semaphore, #tpu.memory_space<semaphore_mem>>)
    %mul3A_32 = arith.constant 80 : i32
    %mul3A_33 = arith.muli %add3A, %mul3A_32 : i32
    %add3A_34 = arith.constant 0 : i32
    %add3A_35 = arith.addi %mul3A_33, %add3A_34 : i32
    %mul3A_36 = arith.constant 128 : i32
    %mul3A_37 = arith.muli %add3A_35, %mul3A_36 : i32
    %dma_wait3A = arith.constant 0 : i32
    %dma_wait3A_38 = arith.constant 0 : i32
    %dma_wait3A_39 = tpu.memref_slice %arg9[%dma_wait3A, %dma_wait3A_38] : memref<8x128xi32, #tpu.memory_space<vmem>> -> memref<1x128xi32, #tpu.memory_space<vmem>>
    %dma_wait3A_40 = tpu.memref_squeeze %dma_wait3A_39 : memref<1x128xi32, #tpu.memory_space<vmem>> -> memref<128xi32, #tpu.memory_space<vmem>>
    %dma_wait3A_41 = tpu.memref_slice %arg3[%mul3A_37] : memref<327680xi32, #tpu.memory_space<hbm>> -> memref<128xi32, #tpu.memory_space<hbm>>
    %dma_wait3A_42 = arith.constant 0 : i32
    %dma_wait3A_43 = tpu.memref_slice %arg9[%dma_wait3A, %dma_wait3A_42] : memref<8x128xi32, #tpu.memory_space<vmem>> -> memref<1x128xi32, #tpu.memory_space<vmem>>
    %dma_wait3A_44 = tpu.memref_squeeze %dma_wait3A_43 : memref<1x128xi32, #tpu.memory_space<vmem>> -> memref<128xi32, #tpu.memory_space<vmem>>
    %dma_wait3A_45 = tpu.memref_slice %arg3[%mul3A_37] : memref<327680xi32, #tpu.memory_space<hbm>> -> memref<128xi32, #tpu.memory_space<hbm>>
    tpu.wait_dma2 semaphore(%arg13 : memref<!tpu.dma_semaphore, #tpu.memory_space<semaphore_mem>>) src(%dma_wait3A_45 : memref<128xi32, #tpu.memory_space<hbm>>) dst(%dma_wait3A_44 : memref<128xi32, #tpu.memory_space<vmem>>)
    %dma_start3A_46 = arith.constant 0 : i32
    %dma_start3A_47 = arith.constant 0 : i32
    %dma_start3A_48 = tpu.memref_slice %arg9[%dma_start3A_46, %dma_start3A_47] : memref<8x128xi32, #tpu.memory_space<vmem>> -> memref<1x128xi32, #tpu.memory_space<vmem>>
    %dma_start3A_49 = tpu.memref_squeeze %dma_start3A_48 : memref<1x128xi32, #tpu.memory_space<vmem>> -> memref<128xi32, #tpu.memory_space<vmem>>
    %dma_start3A_50 = arith.constant 0 : i32
    %dma_start3A_51 = arith.constant 0 : i32
    %dma_start3A_52 = tpu.memref_slice %arg2[%dma_start3A_50, %dma_start3A_51] : memref<10000x128xf32, #tpu.memory_space<hbm>> -> memref<10000x128xf32, #tpu.memory_space<hbm>>
    tpu.enqueue_indirect_dma source(%dma_start3A_52 : memref<10000x128xf32, #tpu.memory_space<hbm>>) target(%arg11 : memref<128x128xf32, #tpu.memory_space<vmem>>) offsets(%dma_start3A_49 : memref<128xi32, #tpu.memory_space<vmem>>) semaphore(%arg15 : memref<!tpu.dma_semaphore, #tpu.memory_space<semaphore_mem>>)
    %scan3A = arith.constant 0 : i32
    %scan3A_53 = arith.constant 0 : i32
    %scan3A_54 = arith.constant 39 : i32
    %scan3A_55 = arith.addi %scan3A_53, %scan3A_54 : i32
    %scan3A_56 = arith.constant 1 : i32
    scf.for %scan3A_103 = %scan3A_53 to %scan3A_55 step %scan3A_56  : i32 {
      %mul3A_104 = arith.constant 2 : i32
      %mul3A_105 = arith.muli %mul3A_104, %scan3A_103 : i32
      %add3A_106 = arith.constant 1 : i32
      %add3A_107 = arith.addi %mul3A_105, %add3A_106 : i32
      %mul3A_108 = arith.constant 80 : i32
      %mul3A_109 = arith.muli %add3A, %mul3A_108 : i32
      %add3A_110 = arith.addi %mul3A_109, %add3A_107 : i32
      %mul3A_111 = arith.constant 128 : i32
      %mul3A_112 = arith.muli %add3A_110, %mul3A_111 : i32
      %dma_wait3A_113 = arith.constant 0 : i32
      %dma_wait3A_114 = arith.constant 0 : i32
      %dma_wait3A_115 = tpu.memref_slice %arg10[%dma_wait3A_113, %dma_wait3A_114] : memref<8x128xi32, #tpu.memory_space<vmem>> -> memref<1x128xi32, #tpu.memory_space<vmem>>
      %dma_wait3A_116 = tpu.memref_squeeze %dma_wait3A_115 : memref<1x128xi32, #tpu.memory_space<vmem>> -> memref<128xi32, #tpu.memory_space<vmem>>
      %dma_wait3A_117 = tpu.memref_slice %arg3[%mul3A_112] : memref<327680xi32, #tpu.memory_space<hbm>> -> memref<128xi32, #tpu.memory_space<hbm>>
      %dma_wait3A_118 = arith.constant 0 : i32
      %dma_wait3A_119 = tpu.memref_slice %arg10[%dma_wait3A_113, %dma_wait3A_118] : memref<8x128xi32, #tpu.memory_space<vmem>> -> memref<1x128xi32, #tpu.memory_space<vmem>>
      %dma_wait3A_120 = tpu.memref_squeeze %dma_wait3A_119 : memref<1x128xi32, #tpu.memory_space<vmem>> -> memref<128xi32, #tpu.memory_space<vmem>>
      %dma_wait3A_121 = tpu.memref_slice %arg3[%mul3A_112] : memref<327680xi32, #tpu.memory_space<hbm>> -> memref<128xi32, #tpu.memory_space<hbm>>
      tpu.wait_dma2 semaphore(%arg14 : memref<!tpu.dma_semaphore, #tpu.memory_space<semaphore_mem>>) src(%dma_wait3A_121 : memref<128xi32, #tpu.memory_space<hbm>>) dst(%dma_wait3A_120 : memref<128xi32, #tpu.memory_space<vmem>>)
      %dma_wait3A_122 = arith.constant 0 : i32
      %dma_wait3A_123 = arith.constant 0 : i32
      %dma_wait3A_124 = tpu.memref_slice %arg9[%dma_wait3A_122, %dma_wait3A_123] : memref<8x128xi32, #tpu.memory_space<vmem>> -> memref<1x128xi32, #tpu.memory_space<vmem>>
      %dma_wait3A_125 = tpu.memref_squeeze %dma_wait3A_124 : memref<1x128xi32, #tpu.memory_space<vmem>> -> memref<128xi32, #tpu.memory_space<vmem>>
      %dma_wait3A_126 = arith.constant 0 : i32
      %dma_wait3A_127 = arith.constant 0 : i32
      %dma_wait3A_128 = tpu.memref_slice %arg2[%dma_wait3A_126, %dma_wait3A_127] : memref<10000x128xf32, #tpu.memory_space<hbm>> -> memref<10000x128xf32, #tpu.memory_space<hbm>>
      tpu.wait_indirect_dma semaphore(%arg15 : memref<!tpu.dma_semaphore, #tpu.memory_space<semaphore_mem>>) src(%dma_wait3A_128 : memref<10000x128xf32, #tpu.memory_space<hbm>>) dst(%arg11 : memref<128x128xf32, #tpu.memory_space<vmem>>)
      %dma_start3A_129 = arith.constant 0 : i32
      %dma_start3A_130 = arith.constant 0 : i32
      %dma_start3A_131 = tpu.memref_slice %arg10[%dma_start3A_129, %dma_start3A_130] : memref<8x128xi32, #tpu.memory_space<vmem>> -> memref<1x128xi32, #tpu.memory_space<vmem>>
      %dma_start3A_132 = tpu.memref_squeeze %dma_start3A_131 : memref<1x128xi32, #tpu.memory_space<vmem>> -> memref<128xi32, #tpu.memory_space<vmem>>
      %dma_start3A_133 = arith.constant 0 : i32
      %dma_start3A_134 = arith.constant 0 : i32
      %dma_start3A_135 = tpu.memref_slice %arg2[%dma_start3A_133, %dma_start3A_134] : memref<10000x128xf32, #tpu.memory_space<hbm>> -> memref<10000x128xf32, #tpu.memory_space<hbm>>
      tpu.enqueue_indirect_dma source(%dma_start3A_135 : memref<10000x128xf32, #tpu.memory_space<hbm>>) target(%arg12 : memref<128x128xf32, #tpu.memory_space<vmem>>) offsets(%dma_start3A_132 : memref<128xi32, #tpu.memory_space<vmem>>) semaphore(%arg16 : memref<!tpu.dma_semaphore, #tpu.memory_space<semaphore_mem>>)
      "tpu.region"() ({
        %run_scoped3A_200 = tpu.sem_alloc : memref<!tpu.dma_semaphore, #tpu.memory_space<semaphore_mem>>
        %dma_start3A_201 = arith.constant 0 : i32
        %dma_start3A_202 = tpu.memref_slice %arg8[%mul3A_105, %dma_start3A_201] : memref<80x128xi32, #tpu.memory_space<vmem>> -> memref<1x128xi32, #tpu.memory_space<vmem>>
        %dma_start3A_203 = tpu.memref_squeeze %dma_start3A_202 : memref<1x128xi32, #tpu.memory_space<vmem>> -> memref<128xi32, #tpu.memory_space<vmem>>
        %dma_start3A_204 = arith.constant 0 : i32
        %dma_start3A_205 = arith.constant 0 : i32
        %dma_start3A_206 = tpu.memref_slice %arg7[%dma_start3A_204, %dma_start3A_205] : memref<10240x128xf32, #tpu.memory_space<vmem_shared>> -> memref<10240x128xf32, #tpu.memory_space<vmem_shared>>
        tpu.enqueue_indirect_dma source(%arg11 : memref<128x128xf32, #tpu.memory_space<vmem>>) target(%dma_start3A_206 : memref<10240x128xf32, #tpu.memory_space<vmem_shared>>) offsets(%dma_start3A_203 : memref<128xi32, #tpu.memory_space<vmem>>) semaphore(%run_scoped3A_200 : memref<!tpu.dma_semaphore, #tpu.memory_space<semaphore_mem>>) {add = true}
        %dma_wait3A_207 = arith.constant 0 : i32
        %dma_wait3A_208 = tpu.memref_slice %arg8[%mul3A_105, %dma_wait3A_207] : memref<80x128xi32, #tpu.memory_space<vmem>> -> memref<1x128xi32, #tpu.memory_space<vmem>>
        %dma_wait3A_209 = tpu.memref_squeeze %dma_wait3A_208 : memref<1x128xi32, #tpu.memory_space<vmem>> -> memref<128xi32, #tpu.memory_space<vmem>>
        %dma_wait3A_210 = arith.constant 0 : i32
        %dma_wait3A_211 = arith.constant 0 : i32
        %dma_wait3A_212 = tpu.memref_slice %arg7[%dma_wait3A_210, %dma_wait3A_211] : memref<10240x128xf32, #tpu.memory_space<vmem_shared>> -> memref<10240x128xf32, #tpu.memory_space<vmem_shared>>
        tpu.wait_indirect_dma semaphore(%run_scoped3A_200 : memref<!tpu.dma_semaphore, #tpu.memory_space<semaphore_mem>>) src(%arg11 : memref<128x128xf32, #tpu.memory_space<vmem>>) dst(%dma_wait3A_212 : memref<10240x128xf32, #tpu.memory_space<vmem_shared>>)
        tpu.yield
      }) : () -> ()
      %add3A_136 = arith.constant 2 : i32
      %add3A_137 = arith.addi %mul3A_105, %add3A_136 : i32
      %mul3A_138 = arith.constant 80 : i32
      %mul3A_139 = arith.muli %add3A, %mul3A_138 : i32
      %add3A_140 = arith.addi %mul3A_139, %add3A_137 : i32
      %mul3A_141 = arith.constant 128 : i32
      %mul3A_142 = arith.muli %add3A_140, %mul3A_141 : i32
      %dma_start3A_143 = arith.constant 0 : i32
      %dma_start3A_144 = arith.constant 0 : i32
      %dma_start3A_145 = tpu.memref_slice %arg9[%dma_start3A_143, %dma_start3A_144] : memref<8x128xi32, #tpu.memory_space<vmem>> -> memref<1x128xi32, #tpu.memory_space<vmem>>
      %dma_start3A_146 = tpu.memref_squeeze %dma_start3A_145 : memref<1x128xi32, #tpu.memory_space<vmem>> -> memref<128xi32, #tpu.memory_space<vmem>>
      %dma_start3A_147 = tpu.memref_slice %arg3[%mul3A_142] : memref<327680xi32, #tpu.memory_space<hbm>> -> memref<128xi32, #tpu.memory_space<hbm>>
      %dma_start3A_148 = arith.constant 0 : i32
      %dma_start3A_149 = tpu.memref_slice %arg9[%dma_start3A_143, %dma_start3A_148] : memref<8x128xi32, #tpu.memory_space<vmem>> -> memref<1x128xi32, #tpu.memory_space<vmem>>
      %dma_start3A_150 = tpu.memref_squeeze %dma_start3A_149 : memref<1x128xi32, #tpu.memory_space<vmem>> -> memref<128xi32, #tpu.memory_space<vmem>>
      %dma_start3A_151 = tpu.memref_slice %arg3[%mul3A_142] : memref<327680xi32, #tpu.memory_space<hbm>> -> memref<128xi32, #tpu.memory_space<hbm>>
      tpu.enqueue_dma source(%dma_start3A_151 : memref<128xi32, #tpu.memory_space<hbm>>) target(%dma_start3A_150 : memref<128xi32, #tpu.memory_space<vmem>>) target_semaphore(%arg13 : memref<!tpu.dma_semaphore, #tpu.memory_space<semaphore_mem>>)
      %add3A_152 = arith.constant 1 : i32
      %add3A_153 = arith.addi %mul3A_105, %add3A_152 : i32
      %add3A_154 = arith.constant 1 : i32
      %add3A_155 = arith.addi %add3A_153, %add3A_154 : i32
      %mul3A_156 = arith.constant 80 : i32
      %mul3A_157 = arith.muli %add3A, %mul3A_156 : i32
      %add3A_158 = arith.addi %mul3A_157, %add3A_155 : i32
      %mul3A_159 = arith.constant 128 : i32
      %mul3A_160 = arith.muli %add3A_158, %mul3A_159 : i32
      %dma_wait3A_161 = arith.constant 0 : i32
      %dma_wait3A_162 = arith.constant 0 : i32
      %dma_wait3A_163 = tpu.memref_slice %arg9[%dma_wait3A_161, %dma_wait3A_162] : memref<8x128xi32, #tpu.memory_space<vmem>> -> memref<1x128xi32, #tpu.memory_space<vmem>>
      %dma_wait3A_164 = tpu.memref_squeeze %dma_wait3A_163 : memref<1x128xi32, #tpu.memory_space<vmem>> -> memref<128xi32, #tpu.memory_space<vmem>>
      %dma_wait3A_165 = tpu.memref_slice %arg3[%mul3A_160] : memref<327680xi32, #tpu.memory_space<hbm>> -> memref<128xi32, #tpu.memory_space<hbm>>
      %dma_wait3A_166 = arith.constant 0 : i32
      %dma_wait3A_167 = tpu.memref_slice %arg9[%dma_wait3A_161, %dma_wait3A_166] : memref<8x128xi32, #tpu.memory_space<vmem>> -> memref<1x128xi32, #tpu.memory_space<vmem>>
      %dma_wait3A_168 = tpu.memref_squeeze %dma_wait3A_167 : memref<1x128xi32, #tpu.memory_space<vmem>> -> memref<128xi32, #tpu.memory_space<vmem>>
      %dma_wait3A_169 = tpu.memref_slice %arg3[%mul3A_160] : memref<327680xi32, #tpu.memory_space<hbm>> -> memref<128xi32, #tpu.memory_space<hbm>>
      tpu.wait_dma2 semaphore(%arg13 : memref<!tpu.dma_semaphore, #tpu.memory_space<semaphore_mem>>) src(%dma_wait3A_169 : memref<128xi32, #tpu.memory_space<hbm>>) dst(%dma_wait3A_168 : memref<128xi32, #tpu.memory_space<vmem>>)
      %dma_wait3A_170 = arith.constant 0 : i32
      %dma_wait3A_171 = arith.constant 0 : i32
      %dma_wait3A_172 = tpu.memref_slice %arg10[%dma_wait3A_170, %dma_wait3A_171] : memref<8x128xi32, #tpu.memory_space<vmem>> -> memref<1x128xi32, #tpu.memory_space<vmem>>
      %dma_wait3A_173 = tpu.memref_squeeze %dma_wait3A_172 : memref<1x128xi32, #tpu.memory_space<vmem>> -> memref<128xi32, #tpu.memory_space<vmem>>
      %dma_wait3A_174 = arith.constant 0 : i32
      %dma_wait3A_175 = arith.constant 0 : i32
      %dma_wait3A_176 = tpu.memref_slice %arg2[%dma_wait3A_174, %dma_wait3A_175] : memref<10000x128xf32, #tpu.memory_space<hbm>> -> memref<10000x128xf32, #tpu.memory_space<hbm>>
      tpu.wait_indirect_dma semaphore(%arg16 : memref<!tpu.dma_semaphore, #tpu.memory_space<semaphore_mem>>) src(%dma_wait3A_176 : memref<10000x128xf32, #tpu.memory_space<hbm>>) dst(%arg12 : memref<128x128xf32, #tpu.memory_space<vmem>>)
      %dma_start3A_177 = arith.constant 0 : i32
      %dma_start3A_178 = arith.constant 0 : i32
      %dma_start3A_179 = tpu.memref_slice %arg9[%dma_start3A_177, %dma_start3A_178] : memref<8x128xi32, #tpu.memory_space<vmem>> -> memref<1x128xi32, #tpu.memory_space<vmem>>
      %dma_start3A_180 = tpu.memref_squeeze %dma_start3A_179 : memref<1x128xi32, #tpu.memory_space<vmem>> -> memref<128xi32, #tpu.memory_space<vmem>>
      %dma_start3A_181 = arith.constant 0 : i32
      %dma_start3A_182 = arith.constant 0 : i32
      %dma_start3A_183 = tpu.memref_slice %arg2[%dma_start3A_181, %dma_start3A_182] : memref<10000x128xf32, #tpu.memory_space<hbm>> -> memref<10000x128xf32, #tpu.memory_space<hbm>>
      tpu.enqueue_indirect_dma source(%dma_start3A_183 : memref<10000x128xf32, #tpu.memory_space<hbm>>) target(%arg11 : memref<128x128xf32, #tpu.memory_space<vmem>>) offsets(%dma_start3A_180 : memref<128xi32, #tpu.memory_space<vmem>>) semaphore(%arg15 : memref<!tpu.dma_semaphore, #tpu.memory_space<semaphore_mem>>)
      "tpu.region"() ({
        %run_scoped3A_200 = tpu.sem_alloc : memref<!tpu.dma_semaphore, #tpu.memory_space<semaphore_mem>>
        %dma_start3A_201 = arith.constant 0 : i32
        %dma_start3A_202 = tpu.memref_slice %arg8[%add3A_153, %dma_start3A_201] : memref<80x128xi32, #tpu.memory_space<vmem>> -> memref<1x128xi32, #tpu.memory_space<vmem>>
        %dma_start3A_203 = tpu.memref_squeeze %dma_start3A_202 : memref<1x128xi32, #tpu.memory_space<vmem>> -> memref<128xi32, #tpu.memory_space<vmem>>
        %dma_start3A_204 = arith.constant 0 : i32
        %dma_start3A_205 = arith.constant 0 : i32
        %dma_start3A_206 = tpu.memref_slice %arg7[%dma_start3A_204, %dma_start3A_205] : memref<10240x128xf32, #tpu.memory_space<vmem_shared>> -> memref<10240x128xf32, #tpu.memory_space<vmem_shared>>
        tpu.enqueue_indirect_dma source(%arg12 : memref<128x128xf32, #tpu.memory_space<vmem>>) target(%dma_start3A_206 : memref<10240x128xf32, #tpu.memory_space<vmem_shared>>) offsets(%dma_start3A_203 : memref<128xi32, #tpu.memory_space<vmem>>) semaphore(%run_scoped3A_200 : memref<!tpu.dma_semaphore, #tpu.memory_space<semaphore_mem>>) {add = true}
        %dma_wait3A_207 = arith.constant 0 : i32
        %dma_wait3A_208 = tpu.memref_slice %arg8[%add3A_153, %dma_wait3A_207] : memref<80x128xi32, #tpu.memory_space<vmem>> -> memref<1x128xi32, #tpu.memory_space<vmem>>
        %dma_wait3A_209 = tpu.memref_squeeze %dma_wait3A_208 : memref<1x128xi32, #tpu.memory_space<vmem>> -> memref<128xi32, #tpu.memory_space<vmem>>
        %dma_wait3A_210 = arith.constant 0 : i32
        %dma_wait3A_211 = arith.constant 0 : i32
        %dma_wait3A_212 = tpu.memref_slice %arg7[%dma_wait3A_210, %dma_wait3A_211] : memref<10240x128xf32, #tpu.memory_space<vmem_shared>> -> memref<10240x128xf32, #tpu.memory_space<vmem_shared>>
        tpu.wait_indirect_dma semaphore(%run_scoped3A_200 : memref<!tpu.dma_semaphore, #tpu.memory_space<semaphore_mem>>) src(%arg12 : memref<128x128xf32, #tpu.memory_space<vmem>>) dst(%dma_wait3A_212 : memref<10240x128xf32, #tpu.memory_space<vmem_shared>>)
        tpu.yield
      }) : () -> ()
      %add3A_184 = arith.constant 2 : i32
      %add3A_185 = arith.addi %add3A_153, %add3A_184 : i32
      %mul3A_186 = arith.constant 80 : i32
      %mul3A_187 = arith.muli %add3A, %mul3A_186 : i32
      %add3A_188 = arith.addi %mul3A_187, %add3A_185 : i32
      %mul3A_189 = arith.constant 128 : i32
      %mul3A_190 = arith.muli %add3A_188, %mul3A_189 : i32
      %dma_start3A_191 = arith.constant 0 : i32
      %dma_start3A_192 = arith.constant 0 : i32
      %dma_start3A_193 = tpu.memref_slice %arg10[%dma_start3A_191, %dma_start3A_192] : memref<8x128xi32, #tpu.memory_space<vmem>> -> memref<1x128xi32, #tpu.memory_space<vmem>>
      %dma_start3A_194 = tpu.memref_squeeze %dma_start3A_193 : memref<1x128xi32, #tpu.memory_space<vmem>> -> memref<128xi32, #tpu.memory_space<vmem>>
      %dma_start3A_195 = tpu.memref_slice %arg3[%mul3A_190] : memref<327680xi32, #tpu.memory_space<hbm>> -> memref<128xi32, #tpu.memory_space<hbm>>
      %dma_start3A_196 = arith.constant 0 : i32
      %dma_start3A_197 = tpu.memref_slice %arg10[%dma_start3A_191, %dma_start3A_196] : memref<8x128xi32, #tpu.memory_space<vmem>> -> memref<1x128xi32, #tpu.memory_space<vmem>>
      %dma_start3A_198 = tpu.memref_squeeze %dma_start3A_197 : memref<1x128xi32, #tpu.memory_space<vmem>> -> memref<128xi32, #tpu.memory_space<vmem>>
      %dma_start3A_199 = tpu.memref_slice %arg3[%mul3A_190] : memref<327680xi32, #tpu.memory_space<hbm>> -> memref<128xi32, #tpu.memory_space<hbm>>
      tpu.enqueue_dma source(%dma_start3A_199 : memref<128xi32, #tpu.memory_space<hbm>>) target(%dma_start3A_198 : memref<128xi32, #tpu.memory_space<vmem>>) target_semaphore(%arg14 : memref<!tpu.dma_semaphore, #tpu.memory_space<semaphore_mem>>)
    }
    %scan3A_57 = arith.constant 39 : i32
    %mul3A_58 = arith.constant 80 : i32
    %mul3A_59 = arith.muli %add3A, %mul3A_58 : i32
    %add3A_60 = arith.constant 79 : i32
    %add3A_61 = arith.addi %mul3A_59, %add3A_60 : i32
    %mul3A_62 = arith.constant 128 : i32
    %mul3A_63 = arith.muli %add3A_61, %mul3A_62 : i32
    %dma_wait3A_64 = arith.constant 0 : i32
    %dma_wait3A_65 = arith.constant 0 : i32
    %dma_wait3A_66 = tpu.memref_slice %arg10[%dma_wait3A_64, %dma_wait3A_65] : memref<8x128xi32, #tpu.memory_space<vmem>> -> memref<1x128xi32, #tpu.memory_space<vmem>>
    %dma_wait3A_67 = tpu.memref_squeeze %dma_wait3A_66 : memref<1x128xi32, #tpu.memory_space<vmem>> -> memref<128xi32, #tpu.memory_space<vmem>>
    %dma_wait3A_68 = tpu.memref_slice %arg3[%mul3A_63] : memref<327680xi32, #tpu.memory_space<hbm>> -> memref<128xi32, #tpu.memory_space<hbm>>
    %dma_wait3A_69 = arith.constant 0 : i32
    %dma_wait3A_70 = tpu.memref_slice %arg10[%dma_wait3A_64, %dma_wait3A_69] : memref<8x128xi32, #tpu.memory_space<vmem>> -> memref<1x128xi32, #tpu.memory_space<vmem>>
    %dma_wait3A_71 = tpu.memref_squeeze %dma_wait3A_70 : memref<1x128xi32, #tpu.memory_space<vmem>> -> memref<128xi32, #tpu.memory_space<vmem>>
    %dma_wait3A_72 = tpu.memref_slice %arg3[%mul3A_63] : memref<327680xi32, #tpu.memory_space<hbm>> -> memref<128xi32, #tpu.memory_space<hbm>>
    tpu.wait_dma2 semaphore(%arg14 : memref<!tpu.dma_semaphore, #tpu.memory_space<semaphore_mem>>) src(%dma_wait3A_72 : memref<128xi32, #tpu.memory_space<hbm>>) dst(%dma_wait3A_71 : memref<128xi32, #tpu.memory_space<vmem>>)
    %dma_wait3A_73 = arith.constant 0 : i32
    %dma_wait3A_74 = arith.constant 0 : i32
    %dma_wait3A_75 = tpu.memref_slice %arg9[%dma_wait3A_73, %dma_wait3A_74] : memref<8x128xi32, #tpu.memory_space<vmem>> -> memref<1x128xi32, #tpu.memory_space<vmem>>
    %dma_wait3A_76 = tpu.memref_squeeze %dma_wait3A_75 : memref<1x128xi32, #tpu.memory_space<vmem>> -> memref<128xi32, #tpu.memory_space<vmem>>
    %dma_wait3A_77 = arith.constant 0 : i32
    %dma_wait3A_78 = arith.constant 0 : i32
    %dma_wait3A_79 = tpu.memref_slice %arg2[%dma_wait3A_77, %dma_wait3A_78] : memref<10000x128xf32, #tpu.memory_space<hbm>> -> memref<10000x128xf32, #tpu.memory_space<hbm>>
    tpu.wait_indirect_dma semaphore(%arg15 : memref<!tpu.dma_semaphore, #tpu.memory_space<semaphore_mem>>) src(%dma_wait3A_79 : memref<10000x128xf32, #tpu.memory_space<hbm>>) dst(%arg11 : memref<128x128xf32, #tpu.memory_space<vmem>>)
    %dma_start3A_80 = arith.constant 0 : i32
    %dma_start3A_81 = arith.constant 0 : i32
    %dma_start3A_82 = tpu.memref_slice %arg10[%dma_start3A_80, %dma_start3A_81] : memref<8x128xi32, #tpu.memory_space<vmem>> -> memref<1x128xi32, #tpu.memory_space<vmem>>
    %dma_start3A_83 = tpu.memref_squeeze %dma_start3A_82 : memref<1x128xi32, #tpu.memory_space<vmem>> -> memref<128xi32, #tpu.memory_space<vmem>>
    %dma_start3A_84 = arith.constant 0 : i32
    %dma_start3A_85 = arith.constant 0 : i32
    %dma_start3A_86 = tpu.memref_slice %arg2[%dma_start3A_84, %dma_start3A_85] : memref<10000x128xf32, #tpu.memory_space<hbm>> -> memref<10000x128xf32, #tpu.memory_space<hbm>>
    tpu.enqueue_indirect_dma source(%dma_start3A_86 : memref<10000x128xf32, #tpu.memory_space<hbm>>) target(%arg12 : memref<128x128xf32, #tpu.memory_space<vmem>>) offsets(%dma_start3A_83 : memref<128xi32, #tpu.memory_space<vmem>>) semaphore(%arg16 : memref<!tpu.dma_semaphore, #tpu.memory_space<semaphore_mem>>)
    %run_scoped3A = arith.constant 78 : i32
    "tpu.region"() ({
      %run_scoped3A_103 = tpu.sem_alloc : memref<!tpu.dma_semaphore, #tpu.memory_space<semaphore_mem>>
      %dma_start3A_104 = arith.constant 0 : i32
      %dma_start3A_105 = tpu.memref_slice %arg8[%run_scoped3A, %dma_start3A_104] : memref<80x128xi32, #tpu.memory_space<vmem>> -> memref<1x128xi32, #tpu.memory_space<vmem>>
      %dma_start3A_106 = tpu.memref_squeeze %dma_start3A_105 : memref<1x128xi32, #tpu.memory_space<vmem>> -> memref<128xi32, #tpu.memory_space<vmem>>
      %dma_start3A_107 = arith.constant 0 : i32
      %dma_start3A_108 = arith.constant 0 : i32
      %dma_start3A_109 = tpu.memref_slice %arg7[%dma_start3A_107, %dma_start3A_108] : memref<10240x128xf32, #tpu.memory_space<vmem_shared>> -> memref<10240x128xf32, #tpu.memory_space<vmem_shared>>
      tpu.enqueue_indirect_dma source(%arg11 : memref<128x128xf32, #tpu.memory_space<vmem>>) target(%dma_start3A_109 : memref<10240x128xf32, #tpu.memory_space<vmem_shared>>) offsets(%dma_start3A_106 : memref<128xi32, #tpu.memory_space<vmem>>) semaphore(%run_scoped3A_103 : memref<!tpu.dma_semaphore, #tpu.memory_space<semaphore_mem>>) {add = true}
      %dma_wait3A_110 = arith.constant 0 : i32
      %dma_wait3A_111 = tpu.memref_slice %arg8[%run_scoped3A, %dma_wait3A_110] : memref<80x128xi32, #tpu.memory_space<vmem>> -> memref<1x128xi32, #tpu.memory_space<vmem>>
      %dma_wait3A_112 = tpu.memref_squeeze %dma_wait3A_111 : memref<1x128xi32, #tpu.memory_space<vmem>> -> memref<128xi32, #tpu.memory_space<vmem>>
      %dma_wait3A_113 = arith.constant 0 : i32
      %dma_wait3A_114 = arith.constant 0 : i32
      %dma_wait3A_115 = tpu.memref_slice %arg7[%dma_wait3A_113, %dma_wait3A_114] : memref<10240x128xf32, #tpu.memory_space<vmem_shared>> -> memref<10240x128xf32, #tpu.memory_space<vmem_shared>>
      tpu.wait_indirect_dma semaphore(%run_scoped3A_103 : memref<!tpu.dma_semaphore, #tpu.memory_space<semaphore_mem>>) src(%arg11 : memref<128x128xf32, #tpu.memory_space<vmem>>) dst(%dma_wait3A_115 : memref<10240x128xf32, #tpu.memory_space<vmem_shared>>)
      tpu.yield
    }) : () -> ()
    %dma_wait3A_87 = arith.constant 0 : i32
    %dma_wait3A_88 = arith.constant 0 : i32
    %dma_wait3A_89 = tpu.memref_slice %arg10[%dma_wait3A_87, %dma_wait3A_88] : memref<8x128xi32, #tpu.memory_space<vmem>> -> memref<1x128xi32, #tpu.memory_space<vmem>>
    %dma_wait3A_90 = tpu.memref_squeeze %dma_wait3A_89 : memref<1x128xi32, #tpu.memory_space<vmem>> -> memref<128xi32, #tpu.memory_space<vmem>>
    %dma_wait3A_91 = arith.constant 0 : i32
    %dma_wait3A_92 = arith.constant 0 : i32
    %dma_wait3A_93 = tpu.memref_slice %arg2[%dma_wait3A_91, %dma_wait3A_92] : memref<10000x128xf32, #tpu.memory_space<hbm>> -> memref<10000x128xf32, #tpu.memory_space<hbm>>
    tpu.wait_indirect_dma semaphore(%arg16 : memref<!tpu.dma_semaphore, #tpu.memory_space<semaphore_mem>>) src(%dma_wait3A_93 : memref<10000x128xf32, #tpu.memory_space<hbm>>) dst(%arg12 : memref<128x128xf32, #tpu.memory_space<vmem>>)
    %run_scoped3A_94 = arith.constant 79 : i32
    "tpu.region"() ({
      %run_scoped3A_103 = tpu.sem_alloc : memref<!tpu.dma_semaphore, #tpu.memory_space<semaphore_mem>>
      %dma_start3A_104 = arith.constant 0 : i32
      %dma_start3A_105 = tpu.memref_slice %arg8[%run_scoped3A_94, %dma_start3A_104] : memref<80x128xi32, #tpu.memory_space<vmem>> -> memref<1x128xi32, #tpu.memory_space<vmem>>
      %dma_start3A_106 = tpu.memref_squeeze %dma_start3A_105 : memref<1x128xi32, #tpu.memory_space<vmem>> -> memref<128xi32, #tpu.memory_space<vmem>>
      %dma_start3A_107 = arith.constant 0 : i32
      %dma_start3A_108 = arith.constant 0 : i32
      %dma_start3A_109 = tpu.memref_slice %arg7[%dma_start3A_107, %dma_start3A_108] : memref<10240x128xf32, #tpu.memory_space<vmem_shared>> -> memref<10240x128xf32, #tpu.memory_space<vmem_shared>>
      tpu.enqueue_indirect_dma source(%arg12 : memref<128x128xf32, #tpu.memory_space<vmem>>) target(%dma_start3A_109 : memref<10240x128xf32, #tpu.memory_space<vmem_shared>>) offsets(%dma_start3A_106 : memref<128xi32, #tpu.memory_space<vmem>>) semaphore(%run_scoped3A_103 : memref<!tpu.dma_semaphore, #tpu.memory_space<semaphore_mem>>) {add = true}
      %dma_wait3A_110 = arith.constant 0 : i32
      %dma_wait3A_111 = tpu.memref_slice %arg8[%run_scoped3A_94, %dma_wait3A_110] : memref<80x128xi32, #tpu.memory_space<vmem>> -> memref<1x128xi32, #tpu.memory_space<vmem>>
      %dma_wait3A_112 = tpu.memref_squeeze %dma_wait3A_111 : memref<1x128xi32, #tpu.memory_space<vmem>> -> memref<128xi32, #tpu.memory_space<vmem>>
      %dma_wait3A_113 = arith.constant 0 : i32
      %dma_wait3A_114 = arith.constant 0 : i32
      %dma_wait3A_115 = tpu.memref_slice %arg7[%dma_wait3A_113, %dma_wait3A_114] : memref<10240x128xf32, #tpu.memory_space<vmem_shared>> -> memref<10240x128xf32, #tpu.memory_space<vmem_shared>>
      tpu.wait_indirect_dma semaphore(%run_scoped3A_103 : memref<!tpu.dma_semaphore, #tpu.memory_space<semaphore_mem>>) src(%arg12 : memref<128x128xf32, #tpu.memory_space<vmem>>) dst(%dma_wait3A_115 : memref<10240x128xf32, #tpu.memory_space<vmem_shared>>)
      tpu.yield
    }) : () -> ()
    %barrier3A_95 = arith.constant 0 : index
    tpu.barrier barrier_id(%barrier3A_95)
    %mul3A_96 = arith.constant 10240 : i32
    %mul3A_97 = arith.muli %arg0, %mul3A_96 : i32
    %mul3A_98 = arith.constant 640 : i32
    %mul3A_99 = arith.muli %arg1, %mul3A_98 : i32
    %add3A_100 = arith.addi %mul3A_97, %mul3A_99 : i32
    %mul3A_101 = arith.constant 640 : i32
    %mul3A_102 = arith.muli %arg1, %mul3A_101 : i32
    "tpu.region"() ({
      %run_scoped3A_103 = tpu.sem_alloc : memref<!tpu.dma_semaphore, #tpu.memory_space<semaphore_mem>>
      %dma_start3A_104 = arith.constant 0 : i32
      %dma_start3A_105 = tpu.memref_slice %arg6[%add3A_100, %dma_start3A_104] : memref<20480x128xf32, #tpu.memory_space<hbm>> -> memref<640x128xf32, #tpu.memory_space<hbm>>
      %dma_start3A_106 = arith.constant 0 : i32
      %dma_start3A_107 = tpu.memref_slice %arg7[%mul3A_102, %dma_start3A_106] : memref<10240x128xf32, #tpu.memory_space<vmem_shared>> -> memref<640x128xf32, #tpu.memory_space<vmem_shared>>
      tpu.enqueue_dma source(%dma_start3A_107 : memref<640x128xf32, #tpu.memory_space<vmem_shared>>) target(%dma_start3A_105 : memref<640x128xf32, #tpu.memory_space<hbm>>) target_semaphore(%run_scoped3A_103 : memref<!tpu.dma_semaphore, #tpu.memory_space<semaphore_mem>>)
      %dma_wait3A_108 = arith.constant 0 : i32
      %dma_wait3A_109 = tpu.memref_slice %arg6[%add3A_100, %dma_wait3A_108] : memref<20480x128xf32, #tpu.memory_space<hbm>> -> memref<640x128xf32, #tpu.memory_space<hbm>>
      %dma_wait3A_110 = arith.constant 0 : i32
      %dma_wait3A_111 = tpu.memref_slice %arg7[%mul3A_102, %dma_wait3A_110] : memref<10240x128xf32, #tpu.memory_space<vmem_shared>> -> memref<640x128xf32, #tpu.memory_space<vmem_shared>>
      tpu.wait_dma2 semaphore(%run_scoped3A_103 : memref<!tpu.dma_semaphore, #tpu.memory_space<semaphore_mem>>) src(%dma_wait3A_111 : memref<640x128xf32, #tpu.memory_space<vmem_shared>>) dst(%dma_wait3A_109 : memref<640x128xf32, #tpu.memory_space<hbm>>)
      tpu.yield
    }) : () -> ()
    return
  }
}

#map = affine_map<(d0, d1) -> (0, 0)>
#map1 = affine_map<(d0, d1) -> (0)>
#map2 = affine_map<(d0, d1) -> (0, 0, 0)>
module attributes {stable_mosaic.version = 14 : i64} {
  func.func @_spmm_body(%arg0: i32, %arg1: i32, %arg2: memref<10000x128xf32, #tpu.memory_space<hbm>>, %arg3: memref<327680xi32, #tpu.memory_space<hbm>>, %arg4: memref<32x80x128xi32, #tpu.memory_space<hbm>>, %arg5: memref<640x128xf32, #tpu.memory_space<hbm>>, %arg6: memref<20480x128xf32, #tpu.memory_space<hbm>>, %arg7: memref<10240x128xf32, #tpu.memory_space<vmem_shared>>, %arg8: memref<80x128xi32, #tpu.memory_space<vmem>>, %arg9: memref<8x128xi32, #tpu.memory_space<vmem>>, %arg10: memref<8x128xi32, #tpu.memory_space<vmem>>, %arg11: memref<128x128xf32, #tpu.memory_space<vmem>>, %arg12: memref<128x128xf32, #tpu.memory_space<vmem>>, %arg13: memref<!tpu.dma_semaphore, #tpu.memory_space<semaphore_mem>>, %arg14: memref<!tpu.dma_semaphore, #tpu.memory_space<semaphore_mem>>, %arg15: memref<!tpu.dma_semaphore, #tpu.memory_space<semaphore_mem>>, %arg16: memref<!tpu.dma_semaphore, #tpu.memory_space<semaphore_mem>>) attributes {dimension_semantics = [#tpu.dimension_semantics<core_parallel>, #tpu.dimension_semantics<subcore_parallel>], iteration_bounds = array<i64: 2, 16>, scalar_prefetch = 0 : i64, scratch_operands = 10 : i64, tpu.core_type = #tpu.core_type<sc_vector_subcore>, window_params = [{transform_indices = #map}, {transform_indices = #map1}, {transform_indices = #map2}, {transform_indices = #map}, {transform_indices = #map}]} {
    %mul3A = arith.constant 16 : i32
    %mul3A_0 = arith.muli %arg0, %mul3A : i32
    %add3A = arith.addi %mul3A_0, %arg1 : i32
    %mul3A_1 = arith.constant 640 : i32
    %mul3A_2 = arith.muli %arg1, %mul3A_1 : i32
    "tpu.region"() ({
      %run_scoped3A_103 = tpu.sem_alloc : memref<!tpu.dma_semaphore, #tpu.memory_space<semaphore_mem>>
      %dma_start3A_104 = arith.constant 0 : i32
      %dma_start3A_105 = tpu.memref_slice %arg7[%mul3A_2, %dma_start3A_104] : memref<10240x128xf32, #tpu.memory_space<vmem_shared>> -> memref<640x128xf32, #tpu.memory_space<vmem_shared>>
      tpu.enqueue_dma source(%arg5 : memref<640x128xf32, #tpu.memory_space<hbm>>) target(%dma_start3A_105 : memref<640x128xf32, #tpu.memory_space<vmem_shared>>) target_semaphore(%run_scoped3A_103 : memref<!tpu.dma_semaphore, #tpu.memory_space<semaphore_mem>>)
      %dma_wait3A_106 = arith.constant 0 : i32
      %dma_wait3A_107 = tpu.memref_slice %arg7[%mul3A_2, %dma_wait3A_106] : memref<10240x128xf32, #tpu.memory_space<vmem_shared>> -> memref<640x128xf32, #tpu.memory_space<vmem_shared>>
      tpu.wait_dma2 semaphore(%run_scoped3A_103 : memref<!tpu.dma_semaphore, #tpu.memory_space<semaphore_mem>>) src(%arg5 : memref<640x128xf32, #tpu.memory_space<hbm>>) dst(%dma_wait3A_107 : memref<640x128xf32, #tpu.memory_space<vmem_shared>>)
      tpu.yield
    }) : () -> ()
    "tpu.region"() ({
      %run_scoped3A_103 = tpu.sem_alloc : memref<!tpu.dma_semaphore, #tpu.memory_space<semaphore_mem>>
      %dma_start3A_104 = arith.constant 0 : i32
      %dma_start3A_105 = arith.constant 0 : i32
      %dma_start3A_106 = tpu.memref_slice %arg4[%add3A, %dma_start3A_104, %dma_start3A_105] : memref<32x80x128xi32, #tpu.memory_space<hbm>> -> memref<1x80x128xi32, #tpu.memory_space<hbm>>
      %dma_start3A_107 = tpu.memref_squeeze %dma_start3A_106 : memref<1x80x128xi32, #tpu.memory_space<hbm>> -> memref<80x128xi32, #tpu.memory_space<hbm>>
      %dma_start3A_108 = arith.constant 0 : i32
      %dma_start3A_109 = arith.constant 0 : i32
      %dma_start3A_110 = tpu.memref_slice %arg4[%add3A, %dma_start3A_108, %dma_start3A_109] : memref<32x80x128xi32, #tpu.memory_space<hbm>> -> memref<1x80x128xi32, #tpu.memory_space<hbm>>
      %dma_start3A_111 = tpu.memref_squeeze %dma_start3A_110 : memref<1x80x128xi32, #tpu.memory_space<hbm>> -> memref<80x128xi32, #tpu.memory_space<hbm>>
      tpu.enqueue_dma source(%dma_start3A_111 : memref<80x128xi32, #tpu.memory_space<hbm>>) target(%arg8 : memref<80x128xi32, #tpu.memory_space<vmem>>) target_semaphore(%run_scoped3A_103 : memref<!tpu.dma_semaphore, #tpu.memory_space<semaphore_mem>>)
      %dma_wait3A_112 = arith.constant 0 : i32
      %dma_wait3A_113 = arith.constant 0 : i32
      %dma_wait3A_114 = tpu.memref_slice %arg4[%add3A, %dma_wait3A_112, %dma_wait3A_113] : memref<32x80x128xi32, #tpu.memory_space<hbm>> -> memref<1x80x128xi32, #tpu.memory_space<hbm>>
      %dma_wait3A_115 = tpu.memref_squeeze %dma_wait3A_114 : memref<1x80x128xi32, #tpu.memory_space<hbm>> -> memref<80x128xi32, #tpu.memory_space<hbm>>
      %dma_wait3A_116 = arith.constant 0 : i32
      %dma_wait3A_117 = arith.constant 0 : i32
      %dma_wait3A_118 = tpu.memref_slice %arg4[%add3A, %dma_wait3A_116, %dma_wait3A_117] : memref<32x80x128xi32, #tpu.memory_space<hbm>> -> memref<1x80x128xi32, #tpu.memory_space<hbm>>
      %dma_wait3A_119 = tpu.memref_squeeze %dma_wait3A_118 : memref<1x80x128xi32, #tpu.memory_space<hbm>> -> memref<80x128xi32, #tpu.memory_space<hbm>>
      tpu.wait_dma2 semaphore(%run_scoped3A_103 : memref<!tpu.dma_semaphore, #tpu.memory_space<semaphore_mem>>) src(%dma_wait3A_119 : memref<80x128xi32, #tpu.memory_space<hbm>>) dst(%arg8 : memref<80x128xi32, #tpu.memory_space<vmem>>)
      tpu.yield
    }) : () -> ()
    %barrier3A = arith.constant 0 : index
    tpu.barrier barrier_id(%barrier3A)
    %mul3A_3 = arith.constant 80 : i32
    %mul3A_4 = arith.muli %add3A, %mul3A_3 : i32
    %add3A_5 = arith.constant 0 : i32
    %add3A_6 = arith.addi %mul3A_4, %add3A_5 : i32
    %mul3A_7 = arith.constant 128 : i32
    %mul3A_8 = arith.muli %add3A_6, %mul3A_7 : i32
    %dma_start3A = arith.constant 0 : i32
    %dma_start3A_9 = arith.constant 0 : i32
    %dma_start3A_10 = tpu.memref_slice %arg9[%dma_start3A, %dma_start3A_9] : memref<8x128xi32, #tpu.memory_space<vmem>> -> memref<1x128xi32, #tpu.memory_space<vmem>>
    %dma_start3A_11 = tpu.memref_squeeze %dma_start3A_10 : memref<1x128xi32, #tpu.memory_space<vmem>> -> memref<128xi32, #tpu.memory_space<vmem>>
    %dma_start3A_12 = tpu.memref_slice %arg3[%mul3A_8] : memref<327680xi32, #tpu.memory_space<hbm>> -> memref<128xi32, #tpu.memory_space<hbm>>
    %dma_start3A_13 = arith.constant 0 : i32
    %dma_start3A_14 = tpu.memref_slice %arg9[%dma_start3A, %dma_start3A_13] : memref<8x128xi32, #tpu.memory_space<vmem>> -> memref<1x128xi32, #tpu.memory_space<vmem>>
    %dma_start3A_15 = tpu.memref_squeeze %dma_start3A_14 : memref<1x128xi32, #tpu.memory_space<vmem>> -> memref<128xi32, #tpu.memory_space<vmem>>
    %dma_start3A_16 = tpu.memref_slice %arg3[%mul3A_8] : memref<327680xi32, #tpu.memory_space<hbm>> -> memref<128xi32, #tpu.memory_space<hbm>>
    tpu.enqueue_dma source(%dma_start3A_16 : memref<128xi32, #tpu.memory_space<hbm>>) target(%dma_start3A_15 : memref<128xi32, #tpu.memory_space<vmem>>) target_semaphore(%arg13 : memref<!tpu.dma_semaphore, #tpu.memory_space<semaphore_mem>>)
    %mul3A_17 = arith.constant 80 : i32
    %mul3A_18 = arith.muli %add3A, %mul3A_17 : i32
    %add3A_19 = arith.constant 1 : i32
    %add3A_20 = arith.addi %mul3A_18, %add3A_19 : i32
    %mul3A_21 = arith.constant 128 : i32
    %mul3A_22 = arith.muli %add3A_20, %mul3A_21 : i32
    %dma_start3A_23 = arith.constant 0 : i32
    %dma_start3A_24 = arith.constant 0 : i32
    %dma_start3A_25 = tpu.memref_slice %arg10[%dma_start3A_23, %dma_start3A_24] : memref<8x128xi32, #tpu.memory_space<vmem>> -> memref<1x128xi32, #tpu.memory_space<vmem>>
    %dma_start3A_26 = tpu.memref_squeeze %dma_start3A_25 : memref<1x128xi32, #tpu.memory_space<vmem>> -> memref<128xi32, #tpu.memory_space<vmem>>
    %dma_start3A_27 = tpu.memref_slice %arg3[%mul3A_22] : memref<327680xi32, #tpu.memory_space<hbm>> -> memref<128xi32, #tpu.memory_space<hbm>>
    %dma_start3A_28 = arith.constant 0 : i32
    %dma_start3A_29 = tpu.memref_slice %arg10[%dma_start3A_23, %dma_start3A_28] : memref<8x128xi32, #tpu.memory_space<vmem>> -> memref<1x128xi32, #tpu.memory_space<vmem>>
    %dma_start3A_30 = tpu.memref_squeeze %dma_start3A_29 : memref<1x128xi32, #tpu.memory_space<vmem>> -> memref<128xi32, #tpu.memory_space<vmem>>
    %dma_start3A_31 = tpu.memref_slice %arg3[%mul3A_22] : memref<327680xi32, #tpu.memory_space<hbm>> -> memref<128xi32, #tpu.memory_space<hbm>>
    tpu.enqueue_dma source(%dma_start3A_31 : memref<128xi32, #tpu.memory_space<hbm>>) target(%dma_start3A_30 : memref<128xi32, #tpu.memory_space<vmem>>) target_semaphore(%arg14 : memref<!tpu.dma_semaphore, #tpu.memory_space<semaphore_mem>>)
    %mul3A_32 = arith.constant 80 : i32
    %mul3A_33 = arith.muli %add3A, %mul3A_32 : i32
    %add3A_34 = arith.constant 0 : i32
    %add3A_35 = arith.addi %mul3A_33, %add3A_34 : i32
    %mul3A_36 = arith.constant 128 : i32
    %mul3A_37 = arith.muli %add3A_35, %mul3A_36 : i32
    %dma_wait3A = arith.constant 0 : i32
    %dma_wait3A_38 = arith.constant 0 : i32
    %dma_wait3A_39 = tpu.memref_slice %arg9[%dma_wait3A, %dma_wait3A_38] : memref<8x128xi32, #tpu.memory_space<vmem>> -> memref<1x128xi32, #tpu.memory_space<vmem>>
    %dma_wait3A_40 = tpu.memref_squeeze %dma_wait3A_39 : memref<1x128xi32, #tpu.memory_space<vmem>> -> memref<128xi32, #tpu.memory_space<vmem>>
    %dma_wait3A_41 = tpu.memref_slice %arg3[%mul3A_37] : memref<327680xi32, #tpu.memory_space<hbm>> -> memref<128xi32, #tpu.memory_space<hbm>>
    %dma_wait3A_42 = arith.constant 0 : i32
    %dma_wait3A_43 = tpu.memref_slice %arg9[%dma_wait3A, %dma_wait3A_42] : memref<8x128xi32, #tpu.memory_space<vmem>> -> memref<1x128xi32, #tpu.memory_space<vmem>>
    %dma_wait3A_44 = tpu.memref_squeeze %dma_wait3A_43 : memref<1x128xi32, #tpu.memory_space<vmem>> -> memref<128xi32, #tpu.memory_space<vmem>>
    %dma_wait3A_45 = tpu.memref_slice %arg3[%mul3A_37] : memref<327680xi32, #tpu.memory_space<hbm>> -> memref<128xi32, #tpu.memory_space<hbm>>
    tpu.wait_dma2 semaphore(%arg13 : memref<!tpu.dma_semaphore, #tpu.memory_space<semaphore_mem>>) src(%dma_wait3A_45 : memref<128xi32, #tpu.memory_space<hbm>>) dst(%dma_wait3A_44 : memref<128xi32, #tpu.memory_space<vmem>>)
    %dma_start3A_46 = arith.constant 0 : i32
    %dma_start3A_47 = arith.constant 0 : i32
    %dma_start3A_48 = tpu.memref_slice %arg9[%dma_start3A_46, %dma_start3A_47] : memref<8x128xi32, #tpu.memory_space<vmem>> -> memref<1x128xi32, #tpu.memory_space<vmem>>
    %dma_start3A_49 = tpu.memref_squeeze %dma_start3A_48 : memref<1x128xi32, #tpu.memory_space<vmem>> -> memref<128xi32, #tpu.memory_space<vmem>>
    %dma_start3A_50 = arith.constant 0 : i32
    %dma_start3A_51 = arith.constant 0 : i32
    %dma_start3A_52 = tpu.memref_slice %arg2[%dma_start3A_50, %dma_start3A_51] : memref<10000x128xf32, #tpu.memory_space<hbm>> -> memref<10000x128xf32, #tpu.memory_space<hbm>>
    tpu.enqueue_indirect_dma source(%dma_start3A_52 : memref<10000x128xf32, #tpu.memory_space<hbm>>) target(%arg11 : memref<128x128xf32, #tpu.memory_space<vmem>>) offsets(%dma_start3A_49 : memref<128xi32, #tpu.memory_space<vmem>>) semaphore(%arg15 : memref<!tpu.dma_semaphore, #tpu.memory_space<semaphore_mem>>)
    %scan3A = arith.constant 0 : i32
    %scan3A_53 = arith.constant 0 : i32
    %scan3A_54 = arith.constant 39 : i32
    %scan3A_55 = arith.addi %scan3A_53, %scan3A_54 : i32
    %scan3A_56 = arith.constant 1 : i32
    scf.for %scan3A_103 = %scan3A_53 to %scan3A_55 step %scan3A_56  : i32 {
      %mul3A_104 = arith.constant 2 : i32
      %mul3A_105 = arith.muli %mul3A_104, %scan3A_103 : i32
      %add3A_106 = arith.constant 1 : i32
      %add3A_107 = arith.addi %mul3A_105, %add3A_106 : i32
      %mul3A_108 = arith.constant 80 : i32
      %mul3A_109 = arith.muli %add3A, %mul3A_108 : i32
      %add3A_110 = arith.addi %mul3A_109, %add3A_107 : i32
      %mul3A_111 = arith.constant 128 : i32
      %mul3A_112 = arith.muli %add3A_110, %mul3A_111 : i32
      %dma_wait3A_113 = arith.constant 0 : i32
      %dma_wait3A_114 = arith.constant 0 : i32
      %dma_wait3A_115 = tpu.memref_slice %arg10[%dma_wait3A_113, %dma_wait3A_114] : memref<8x128xi32, #tpu.memory_space<vmem>> -> memref<1x128xi32, #tpu.memory_space<vmem>>
      %dma_wait3A_116 = tpu.memref_squeeze %dma_wait3A_115 : memref<1x128xi32, #tpu.memory_space<vmem>> -> memref<128xi32, #tpu.memory_space<vmem>>
      %dma_wait3A_117 = tpu.memref_slice %arg3[%mul3A_112] : memref<327680xi32, #tpu.memory_space<hbm>> -> memref<128xi32, #tpu.memory_space<hbm>>
      %dma_wait3A_118 = arith.constant 0 : i32
      %dma_wait3A_119 = tpu.memref_slice %arg10[%dma_wait3A_113, %dma_wait3A_118] : memref<8x128xi32, #tpu.memory_space<vmem>> -> memref<1x128xi32, #tpu.memory_space<vmem>>
      %dma_wait3A_120 = tpu.memref_squeeze %dma_wait3A_119 : memref<1x128xi32, #tpu.memory_space<vmem>> -> memref<128xi32, #tpu.memory_space<vmem>>
      %dma_wait3A_121 = tpu.memref_slice %arg3[%mul3A_112] : memref<327680xi32, #tpu.memory_space<hbm>> -> memref<128xi32, #tpu.memory_space<hbm>>
      tpu.wait_dma2 semaphore(%arg14 : memref<!tpu.dma_semaphore, #tpu.memory_space<semaphore_mem>>) src(%dma_wait3A_121 : memref<128xi32, #tpu.memory_space<hbm>>) dst(%dma_wait3A_120 : memref<128xi32, #tpu.memory_space<vmem>>)
      %dma_wait3A_122 = arith.constant 0 : i32
      %dma_wait3A_123 = arith.constant 0 : i32
      %dma_wait3A_124 = tpu.memref_slice %arg9[%dma_wait3A_122, %dma_wait3A_123] : memref<8x128xi32, #tpu.memory_space<vmem>> -> memref<1x128xi32, #tpu.memory_space<vmem>>
      %dma_wait3A_125 = tpu.memref_squeeze %dma_wait3A_124 : memref<1x128xi32, #tpu.memory_space<vmem>> -> memref<128xi32, #tpu.memory_space<vmem>>
      %dma_wait3A_126 = arith.constant 0 : i32
      %dma_wait3A_127 = arith.constant 0 : i32
      %dma_wait3A_128 = tpu.memref_slice %arg2[%dma_wait3A_126, %dma_wait3A_127] : memref<10000x128xf32, #tpu.memory_space<hbm>> -> memref<10000x128xf32, #tpu.memory_space<hbm>>
      tpu.wait_indirect_dma semaphore(%arg15 : memref<!tpu.dma_semaphore, #tpu.memory_space<semaphore_mem>>) src(%dma_wait3A_128 : memref<10000x128xf32, #tpu.memory_space<hbm>>) dst(%arg11 : memref<128x128xf32, #tpu.memory_space<vmem>>)
      %dma_start3A_129 = arith.constant 0 : i32
      %dma_start3A_130 = arith.constant 0 : i32
      %dma_start3A_131 = tpu.memref_slice %arg10[%dma_start3A_129, %dma_start3A_130] : memref<8x128xi32, #tpu.memory_space<vmem>> -> memref<1x128xi32, #tpu.memory_space<vmem>>
      %dma_start3A_132 = tpu.memref_squeeze %dma_start3A_131 : memref<1x128xi32, #tpu.memory_space<vmem>> -> memref<128xi32, #tpu.memory_space<vmem>>
      %dma_start3A_133 = arith.constant 0 : i32
      %dma_start3A_134 = arith.constant 0 : i32
      %dma_start3A_135 = tpu.memref_slice %arg2[%dma_start3A_133, %dma_start3A_134] : memref<10000x128xf32, #tpu.memory_space<hbm>> -> memref<10000x128xf32, #tpu.memory_space<hbm>>
      tpu.enqueue_indirect_dma source(%dma_start3A_135 : memref<10000x128xf32, #tpu.memory_space<hbm>>) target(%arg12 : memref<128x128xf32, #tpu.memory_space<vmem>>) offsets(%dma_start3A_132 : memref<128xi32, #tpu.memory_space<vmem>>) semaphore(%arg16 : memref<!tpu.dma_semaphore, #tpu.memory_space<semaphore_mem>>)
      "tpu.region"() ({
        %run_scoped3A_200 = tpu.sem_alloc : memref<!tpu.dma_semaphore, #tpu.memory_space<semaphore_mem>>
        %dma_start3A_201 = arith.constant 0 : i32
        %dma_start3A_202 = tpu.memref_slice %arg8[%mul3A_105, %dma_start3A_201] : memref<80x128xi32, #tpu.memory_space<vmem>> -> memref<1x128xi32, #tpu.memory_space<vmem>>
        %dma_start3A_203 = tpu.memref_squeeze %dma_start3A_202 : memref<1x128xi32, #tpu.memory_space<vmem>> -> memref<128xi32, #tpu.memory_space<vmem>>
        %dma_start3A_204 = arith.constant 0 : i32
        %dma_start3A_205 = arith.constant 0 : i32
        %dma_start3A_206 = tpu.memref_slice %arg7[%dma_start3A_204, %dma_start3A_205] : memref<10240x128xf32, #tpu.memory_space<vmem_shared>> -> memref<10240x128xf32, #tpu.memory_space<vmem_shared>>
        tpu.enqueue_indirect_dma source(%arg11 : memref<128x128xf32, #tpu.memory_space<vmem>>) target(%dma_start3A_206 : memref<10240x128xf32, #tpu.memory_space<vmem_shared>>) offsets(%dma_start3A_203 : memref<128xi32, #tpu.memory_space<vmem>>) semaphore(%run_scoped3A_200 : memref<!tpu.dma_semaphore, #tpu.memory_space<semaphore_mem>>) {add = true}
        %dma_wait3A_207 = arith.constant 0 : i32
        %dma_wait3A_208 = tpu.memref_slice %arg8[%mul3A_105, %dma_wait3A_207] : memref<80x128xi32, #tpu.memory_space<vmem>> -> memref<1x128xi32, #tpu.memory_space<vmem>>
        %dma_wait3A_209 = tpu.memref_squeeze %dma_wait3A_208 : memref<1x128xi32, #tpu.memory_space<vmem>> -> memref<128xi32, #tpu.memory_space<vmem>>
        %dma_wait3A_210 = arith.constant 0 : i32
        %dma_wait3A_211 = arith.constant 0 : i32
        %dma_wait3A_212 = tpu.memref_slice %arg7[%dma_wait3A_210, %dma_wait3A_211] : memref<10240x128xf32, #tpu.memory_space<vmem_shared>> -> memref<10240x128xf32, #tpu.memory_space<vmem_shared>>
        tpu.wait_indirect_dma semaphore(%run_scoped3A_200 : memref<!tpu.dma_semaphore, #tpu.memory_space<semaphore_mem>>) src(%arg11 : memref<128x128xf32, #tpu.memory_space<vmem>>) dst(%dma_wait3A_212 : memref<10240x128xf32, #tpu.memory_space<vmem_shared>>)
        tpu.yield
      }) : () -> ()
      %add3A_136 = arith.constant 2 : i32
      %add3A_137 = arith.addi %mul3A_105, %add3A_136 : i32
      %mul3A_138 = arith.constant 80 : i32
      %mul3A_139 = arith.muli %add3A, %mul3A_138 : i32
      %add3A_140 = arith.addi %mul3A_139, %add3A_137 : i32
      %mul3A_141 = arith.constant 128 : i32
      %mul3A_142 = arith.muli %add3A_140, %mul3A_141 : i32
      %dma_start3A_143 = arith.constant 0 : i32
      %dma_start3A_144 = arith.constant 0 : i32
      %dma_start3A_145 = tpu.memref_slice %arg9[%dma_start3A_143, %dma_start3A_144] : memref<8x128xi32, #tpu.memory_space<vmem>> -> memref<1x128xi32, #tpu.memory_space<vmem>>
      %dma_start3A_146 = tpu.memref_squeeze %dma_start3A_145 : memref<1x128xi32, #tpu.memory_space<vmem>> -> memref<128xi32, #tpu.memory_space<vmem>>
      %dma_start3A_147 = tpu.memref_slice %arg3[%mul3A_142] : memref<327680xi32, #tpu.memory_space<hbm>> -> memref<128xi32, #tpu.memory_space<hbm>>
      %dma_start3A_148 = arith.constant 0 : i32
      %dma_start3A_149 = tpu.memref_slice %arg9[%dma_start3A_143, %dma_start3A_148] : memref<8x128xi32, #tpu.memory_space<vmem>> -> memref<1x128xi32, #tpu.memory_space<vmem>>
      %dma_start3A_150 = tpu.memref_squeeze %dma_start3A_149 : memref<1x128xi32, #tpu.memory_space<vmem>> -> memref<128xi32, #tpu.memory_space<vmem>>
      %dma_start3A_151 = tpu.memref_slice %arg3[%mul3A_142] : memref<327680xi32, #tpu.memory_space<hbm>> -> memref<128xi32, #tpu.memory_space<hbm>>
      tpu.enqueue_dma source(%dma_start3A_151 : memref<128xi32, #tpu.memory_space<hbm>>) target(%dma_start3A_150 : memref<128xi32, #tpu.memory_space<vmem>>) target_semaphore(%arg13 : memref<!tpu.dma_semaphore, #tpu.memory_space<semaphore_mem>>)
      %add3A_152 = arith.constant 1 : i32
      %add3A_153 = arith.addi %mul3A_105, %add3A_152 : i32
      %add3A_154 = arith.constant 1 : i32
      %add3A_155 = arith.addi %add3A_153, %add3A_154 : i32
      %mul3A_156 = arith.constant 80 : i32
      %mul3A_157 = arith.muli %add3A, %mul3A_156 : i32
      %add3A_158 = arith.addi %mul3A_157, %add3A_155 : i32
      %mul3A_159 = arith.constant 128 : i32
      %mul3A_160 = arith.muli %add3A_158, %mul3A_159 : i32
      %dma_wait3A_161 = arith.constant 0 : i32
      %dma_wait3A_162 = arith.constant 0 : i32
      %dma_wait3A_163 = tpu.memref_slice %arg9[%dma_wait3A_161, %dma_wait3A_162] : memref<8x128xi32, #tpu.memory_space<vmem>> -> memref<1x128xi32, #tpu.memory_space<vmem>>
      %dma_wait3A_164 = tpu.memref_squeeze %dma_wait3A_163 : memref<1x128xi32, #tpu.memory_space<vmem>> -> memref<128xi32, #tpu.memory_space<vmem>>
      %dma_wait3A_165 = tpu.memref_slice %arg3[%mul3A_160] : memref<327680xi32, #tpu.memory_space<hbm>> -> memref<128xi32, #tpu.memory_space<hbm>>
      %dma_wait3A_166 = arith.constant 0 : i32
      %dma_wait3A_167 = tpu.memref_slice %arg9[%dma_wait3A_161, %dma_wait3A_166] : memref<8x128xi32, #tpu.memory_space<vmem>> -> memref<1x128xi32, #tpu.memory_space<vmem>>
      %dma_wait3A_168 = tpu.memref_squeeze %dma_wait3A_167 : memref<1x128xi32, #tpu.memory_space<vmem>> -> memref<128xi32, #tpu.memory_space<vmem>>
      %dma_wait3A_169 = tpu.memref_slice %arg3[%mul3A_160] : memref<327680xi32, #tpu.memory_space<hbm>> -> memref<128xi32, #tpu.memory_space<hbm>>
      tpu.wait_dma2 semaphore(%arg13 : memref<!tpu.dma_semaphore, #tpu.memory_space<semaphore_mem>>) src(%dma_wait3A_169 : memref<128xi32, #tpu.memory_space<hbm>>) dst(%dma_wait3A_168 : memref<128xi32, #tpu.memory_space<vmem>>)
      %dma_wait3A_170 = arith.constant 0 : i32
      %dma_wait3A_171 = arith.constant 0 : i32
      %dma_wait3A_172 = tpu.memref_slice %arg10[%dma_wait3A_170, %dma_wait3A_171] : memref<8x128xi32, #tpu.memory_space<vmem>> -> memref<1x128xi32, #tpu.memory_space<vmem>>
      %dma_wait3A_173 = tpu.memref_squeeze %dma_wait3A_172 : memref<1x128xi32, #tpu.memory_space<vmem>> -> memref<128xi32, #tpu.memory_space<vmem>>
      %dma_wait3A_174 = arith.constant 0 : i32
      %dma_wait3A_175 = arith.constant 0 : i32
      %dma_wait3A_176 = tpu.memref_slice %arg2[%dma_wait3A_174, %dma_wait3A_175] : memref<10000x128xf32, #tpu.memory_space<hbm>> -> memref<10000x128xf32, #tpu.memory_space<hbm>>
      tpu.wait_indirect_dma semaphore(%arg16 : memref<!tpu.dma_semaphore, #tpu.memory_space<semaphore_mem>>) src(%dma_wait3A_176 : memref<10000x128xf32, #tpu.memory_space<hbm>>) dst(%arg12 : memref<128x128xf32, #tpu.memory_space<vmem>>)
      %dma_start3A_177 = arith.constant 0 : i32
      %dma_start3A_178 = arith.constant 0 : i32
      %dma_start3A_179 = tpu.memref_slice %arg9[%dma_start3A_177, %dma_start3A_178] : memref<8x128xi32, #tpu.memory_space<vmem>> -> memref<1x128xi32, #tpu.memory_space<vmem>>
      %dma_start3A_180 = tpu.memref_squeeze %dma_start3A_179 : memref<1x128xi32, #tpu.memory_space<vmem>> -> memref<128xi32, #tpu.memory_space<vmem>>
      %dma_start3A_181 = arith.constant 0 : i32
      %dma_start3A_182 = arith.constant 0 : i32
      %dma_start3A_183 = tpu.memref_slice %arg2[%dma_start3A_181, %dma_start3A_182] : memref<10000x128xf32, #tpu.memory_space<hbm>> -> memref<10000x128xf32, #tpu.memory_space<hbm>>
      tpu.enqueue_indirect_dma source(%dma_start3A_183 : memref<10000x128xf32, #tpu.memory_space<hbm>>) target(%arg11 : memref<128x128xf32, #tpu.memory_space<vmem>>) offsets(%dma_start3A_180 : memref<128xi32, #tpu.memory_space<vmem>>) semaphore(%arg15 : memref<!tpu.dma_semaphore, #tpu.memory_space<semaphore_mem>>)
      "tpu.region"() ({
        %run_scoped3A_200 = tpu.sem_alloc : memref<!tpu.dma_semaphore, #tpu.memory_space<semaphore_mem>>
        %dma_start3A_201 = arith.constant 0 : i32
        %dma_start3A_202 = tpu.memref_slice %arg8[%add3A_153, %dma_start3A_201] : memref<80x128xi32, #tpu.memory_space<vmem>> -> memref<1x128xi32, #tpu.memory_space<vmem>>
        %dma_start3A_203 = tpu.memref_squeeze %dma_start3A_202 : memref<1x128xi32, #tpu.memory_space<vmem>> -> memref<128xi32, #tpu.memory_space<vmem>>
        %dma_start3A_204 = arith.constant 0 : i32
        %dma_start3A_205 = arith.constant 0 : i32
        %dma_start3A_206 = tpu.memref_slice %arg7[%dma_start3A_204, %dma_start3A_205] : memref<10240x128xf32, #tpu.memory_space<vmem_shared>> -> memref<10240x128xf32, #tpu.memory_space<vmem_shared>>
        tpu.enqueue_indirect_dma source(%arg12 : memref<128x128xf32, #tpu.memory_space<vmem>>) target(%dma_start3A_206 : memref<10240x128xf32, #tpu.memory_space<vmem_shared>>) offsets(%dma_start3A_203 : memref<128xi32, #tpu.memory_space<vmem>>) semaphore(%run_scoped3A_200 : memref<!tpu.dma_semaphore, #tpu.memory_space<semaphore_mem>>) {add = true}
        %dma_wait3A_207 = arith.constant 0 : i32
        %dma_wait3A_208 = tpu.memref_slice %arg8[%add3A_153, %dma_wait3A_207] : memref<80x128xi32, #tpu.memory_space<vmem>> -> memref<1x128xi32, #tpu.memory_space<vmem>>
        %dma_wait3A_209 = tpu.memref_squeeze %dma_wait3A_208 : memref<1x128xi32, #tpu.memory_space<vmem>> -> memref<128xi32, #tpu.memory_space<vmem>>
        %dma_wait3A_210 = arith.constant 0 : i32
        %dma_wait3A_211 = arith.constant 0 : i32
        %dma_wait3A_212 = tpu.memref_slice %arg7[%dma_wait3A_210, %dma_wait3A_211] : memref<10240x128xf32, #tpu.memory_space<vmem_shared>> -> memref<10240x128xf32, #tpu.memory_space<vmem_shared>>
        tpu.wait_indirect_dma semaphore(%run_scoped3A_200 : memref<!tpu.dma_semaphore, #tpu.memory_space<semaphore_mem>>) src(%arg12 : memref<128x128xf32, #tpu.memory_space<vmem>>) dst(%dma_wait3A_212 : memref<10240x128xf32, #tpu.memory_space<vmem_shared>>)
        tpu.yield
      }) : () -> ()
      %add3A_184 = arith.constant 2 : i32
      %add3A_185 = arith.addi %add3A_153, %add3A_184 : i32
      %mul3A_186 = arith.constant 80 : i32
      %mul3A_187 = arith.muli %add3A, %mul3A_186 : i32
      %add3A_188 = arith.addi %mul3A_187, %add3A_185 : i32
      %mul3A_189 = arith.constant 128 : i32
      %mul3A_190 = arith.muli %add3A_188, %mul3A_189 : i32
      %dma_start3A_191 = arith.constant 0 : i32
      %dma_start3A_192 = arith.constant 0 : i32
      %dma_start3A_193 = tpu.memref_slice %arg10[%dma_start3A_191, %dma_start3A_192] : memref<8x128xi32, #tpu.memory_space<vmem>> -> memref<1x128xi32, #tpu.memory_space<vmem>>
      %dma_start3A_194 = tpu.memref_squeeze %dma_start3A_193 : memref<1x128xi32, #tpu.memory_space<vmem>> -> memref<128xi32, #tpu.memory_space<vmem>>
      %dma_start3A_195 = tpu.memref_slice %arg3[%mul3A_190] : memref<327680xi32, #tpu.memory_space<hbm>> -> memref<128xi32, #tpu.memory_space<hbm>>
      %dma_start3A_196 = arith.constant 0 : i32
      %dma_start3A_197 = tpu.memref_slice %arg10[%dma_start3A_191, %dma_start3A_196] : memref<8x128xi32, #tpu.memory_space<vmem>> -> memref<1x128xi32, #tpu.memory_space<vmem>>
      %dma_start3A_198 = tpu.memref_squeeze %dma_start3A_197 : memref<1x128xi32, #tpu.memory_space<vmem>> -> memref<128xi32, #tpu.memory_space<vmem>>
      %dma_start3A_199 = tpu.memref_slice %arg3[%mul3A_190] : memref<327680xi32, #tpu.memory_space<hbm>> -> memref<128xi32, #tpu.memory_space<hbm>>
      tpu.enqueue_dma source(%dma_start3A_199 : memref<128xi32, #tpu.memory_space<hbm>>) target(%dma_start3A_198 : memref<128xi32, #tpu.memory_space<vmem>>) target_semaphore(%arg14 : memref<!tpu.dma_semaphore, #tpu.memory_space<semaphore_mem>>)
    }
    %scan3A_57 = arith.constant 39 : i32
    %mul3A_58 = arith.constant 80 : i32
    %mul3A_59 = arith.muli %add3A, %mul3A_58 : i32
    %add3A_60 = arith.constant 79 : i32
    %add3A_61 = arith.addi %mul3A_59, %add3A_60 : i32
    %mul3A_62 = arith.constant 128 : i32
    %mul3A_63 = arith.muli %add3A_61, %mul3A_62 : i32
    %dma_wait3A_64 = arith.constant 0 : i32
    %dma_wait3A_65 = arith.constant 0 : i32
    %dma_wait3A_66 = tpu.memref_slice %arg10[%dma_wait3A_64, %dma_wait3A_65] : memref<8x128xi32, #tpu.memory_space<vmem>> -> memref<1x128xi32, #tpu.memory_space<vmem>>
    %dma_wait3A_67 = tpu.memref_squeeze %dma_wait3A_66 : memref<1x128xi32, #tpu.memory_space<vmem>> -> memref<128xi32, #tpu.memory_space<vmem>>
    %dma_wait3A_68 = tpu.memref_slice %arg3[%mul3A_63] : memref<327680xi32, #tpu.memory_space<hbm>> -> memref<128xi32, #tpu.memory_space<hbm>>
    %dma_wait3A_69 = arith.constant 0 : i32
    %dma_wait3A_70 = tpu.memref_slice %arg10[%dma_wait3A_64, %dma_wait3A_69] : memref<8x128xi32, #tpu.memory_space<vmem>> -> memref<1x128xi32, #tpu.memory_space<vmem>>
    %dma_wait3A_71 = tpu.memref_squeeze %dma_wait3A_70 : memref<1x128xi32, #tpu.memory_space<vmem>> -> memref<128xi32, #tpu.memory_space<vmem>>
    %dma_wait3A_72 = tpu.memref_slice %arg3[%mul3A_63] : memref<327680xi32, #tpu.memory_space<hbm>> -> memref<128xi32, #tpu.memory_space<hbm>>
    tpu.wait_dma2 semaphore(%arg14 : memref<!tpu.dma_semaphore, #tpu.memory_space<semaphore_mem>>) src(%dma_wait3A_72 : memref<128xi32, #tpu.memory_space<hbm>>) dst(%dma_wait3A_71 : memref<128xi32, #tpu.memory_space<vmem>>)
    %dma_wait3A_73 = arith.constant 0 : i32
    %dma_wait3A_74 = arith.constant 0 : i32
    %dma_wait3A_75 = tpu.memref_slice %arg9[%dma_wait3A_73, %dma_wait3A_74] : memref<8x128xi32, #tpu.memory_space<vmem>> -> memref<1x128xi32, #tpu.memory_space<vmem>>
    %dma_wait3A_76 = tpu.memref_squeeze %dma_wait3A_75 : memref<1x128xi32, #tpu.memory_space<vmem>> -> memref<128xi32, #tpu.memory_space<vmem>>
    %dma_wait3A_77 = arith.constant 0 : i32
    %dma_wait3A_78 = arith.constant 0 : i32
    %dma_wait3A_79 = tpu.memref_slice %arg2[%dma_wait3A_77, %dma_wait3A_78] : memref<10000x128xf32, #tpu.memory_space<hbm>> -> memref<10000x128xf32, #tpu.memory_space<hbm>>
    tpu.wait_indirect_dma semaphore(%arg15 : memref<!tpu.dma_semaphore, #tpu.memory_space<semaphore_mem>>) src(%dma_wait3A_79 : memref<10000x128xf32, #tpu.memory_space<hbm>>) dst(%arg11 : memref<128x128xf32, #tpu.memory_space<vmem>>)
    %dma_start3A_80 = arith.constant 0 : i32
    %dma_start3A_81 = arith.constant 0 : i32
    %dma_start3A_82 = tpu.memref_slice %arg10[%dma_start3A_80, %dma_start3A_81] : memref<8x128xi32, #tpu.memory_space<vmem>> -> memref<1x128xi32, #tpu.memory_space<vmem>>
    %dma_start3A_83 = tpu.memref_squeeze %dma_start3A_82 : memref<1x128xi32, #tpu.memory_space<vmem>> -> memref<128xi32, #tpu.memory_space<vmem>>
    %dma_start3A_84 = arith.constant 0 : i32
    %dma_start3A_85 = arith.constant 0 : i32
    %dma_start3A_86 = tpu.memref_slice %arg2[%dma_start3A_84, %dma_start3A_85] : memref<10000x128xf32, #tpu.memory_space<hbm>> -> memref<10000x128xf32, #tpu.memory_space<hbm>>
    tpu.enqueue_indirect_dma source(%dma_start3A_86 : memref<10000x128xf32, #tpu.memory_space<hbm>>) target(%arg12 : memref<128x128xf32, #tpu.memory_space<vmem>>) offsets(%dma_start3A_83 : memref<128xi32, #tpu.memory_space<vmem>>) semaphore(%arg16 : memref<!tpu.dma_semaphore, #tpu.memory_space<semaphore_mem>>)
    %run_scoped3A = arith.constant 78 : i32
    "tpu.region"() ({
      %run_scoped3A_103 = tpu.sem_alloc : memref<!tpu.dma_semaphore, #tpu.memory_space<semaphore_mem>>
      %dma_start3A_104 = arith.constant 0 : i32
      %dma_start3A_105 = tpu.memref_slice %arg8[%run_scoped3A, %dma_start3A_104] : memref<80x128xi32, #tpu.memory_space<vmem>> -> memref<1x128xi32, #tpu.memory_space<vmem>>
      %dma_start3A_106 = tpu.memref_squeeze %dma_start3A_105 : memref<1x128xi32, #tpu.memory_space<vmem>> -> memref<128xi32, #tpu.memory_space<vmem>>
      %dma_start3A_107 = arith.constant 0 : i32
      %dma_start3A_108 = arith.constant 0 : i32
      %dma_start3A_109 = tpu.memref_slice %arg7[%dma_start3A_107, %dma_start3A_108] : memref<10240x128xf32, #tpu.memory_space<vmem_shared>> -> memref<10240x128xf32, #tpu.memory_space<vmem_shared>>
      tpu.enqueue_indirect_dma source(%arg11 : memref<128x128xf32, #tpu.memory_space<vmem>>) target(%dma_start3A_109 : memref<10240x128xf32, #tpu.memory_space<vmem_shared>>) offsets(%dma_start3A_106 : memref<128xi32, #tpu.memory_space<vmem>>) semaphore(%run_scoped3A_103 : memref<!tpu.dma_semaphore, #tpu.memory_space<semaphore_mem>>) {add = true}
      %dma_wait3A_110 = arith.constant 0 : i32
      %dma_wait3A_111 = tpu.memref_slice %arg8[%run_scoped3A, %dma_wait3A_110] : memref<80x128xi32, #tpu.memory_space<vmem>> -> memref<1x128xi32, #tpu.memory_space<vmem>>
      %dma_wait3A_112 = tpu.memref_squeeze %dma_wait3A_111 : memref<1x128xi32, #tpu.memory_space<vmem>> -> memref<128xi32, #tpu.memory_space<vmem>>
      %dma_wait3A_113 = arith.constant 0 : i32
      %dma_wait3A_114 = arith.constant 0 : i32
      %dma_wait3A_115 = tpu.memref_slice %arg7[%dma_wait3A_113, %dma_wait3A_114] : memref<10240x128xf32, #tpu.memory_space<vmem_shared>> -> memref<10240x128xf32, #tpu.memory_space<vmem_shared>>
      tpu.wait_indirect_dma semaphore(%run_scoped3A_103 : memref<!tpu.dma_semaphore, #tpu.memory_space<semaphore_mem>>) src(%arg11 : memref<128x128xf32, #tpu.memory_space<vmem>>) dst(%dma_wait3A_115 : memref<10240x128xf32, #tpu.memory_space<vmem_shared>>)
      tpu.yield
    }) : () -> ()
    %dma_wait3A_87 = arith.constant 0 : i32
    %dma_wait3A_88 = arith.constant 0 : i32
    %dma_wait3A_89 = tpu.memref_slice %arg10[%dma_wait3A_87, %dma_wait3A_88] : memref<8x128xi32, #tpu.memory_space<vmem>> -> memref<1x128xi32, #tpu.memory_space<vmem>>
    %dma_wait3A_90 = tpu.memref_squeeze %dma_wait3A_89 : memref<1x128xi32, #tpu.memory_space<vmem>> -> memref<128xi32, #tpu.memory_space<vmem>>
    %dma_wait3A_91 = arith.constant 0 : i32
    %dma_wait3A_92 = arith.constant 0 : i32
    %dma_wait3A_93 = tpu.memref_slice %arg2[%dma_wait3A_91, %dma_wait3A_92] : memref<10000x128xf32, #tpu.memory_space<hbm>> -> memref<10000x128xf32, #tpu.memory_space<hbm>>
    tpu.wait_indirect_dma semaphore(%arg16 : memref<!tpu.dma_semaphore, #tpu.memory_space<semaphore_mem>>) src(%dma_wait3A_93 : memref<10000x128xf32, #tpu.memory_space<hbm>>) dst(%arg12 : memref<128x128xf32, #tpu.memory_space<vmem>>)
    %run_scoped3A_94 = arith.constant 79 : i32
    "tpu.region"() ({
      %run_scoped3A_103 = tpu.sem_alloc : memref<!tpu.dma_semaphore, #tpu.memory_space<semaphore_mem>>
      %dma_start3A_104 = arith.constant 0 : i32
      %dma_start3A_105 = tpu.memref_slice %arg8[%run_scoped3A_94, %dma_start3A_104] : memref<80x128xi32, #tpu.memory_space<vmem>> -> memref<1x128xi32, #tpu.memory_space<vmem>>
      %dma_start3A_106 = tpu.memref_squeeze %dma_start3A_105 : memref<1x128xi32, #tpu.memory_space<vmem>> -> memref<128xi32, #tpu.memory_space<vmem>>
      %dma_start3A_107 = arith.constant 0 : i32
      %dma_start3A_108 = arith.constant 0 : i32
      %dma_start3A_109 = tpu.memref_slice %arg7[%dma_start3A_107, %dma_start3A_108] : memref<10240x128xf32, #tpu.memory_space<vmem_shared>> -> memref<10240x128xf32, #tpu.memory_space<vmem_shared>>
      tpu.enqueue_indirect_dma source(%arg12 : memref<128x128xf32, #tpu.memory_space<vmem>>) target(%dma_start3A_109 : memref<10240x128xf32, #tpu.memory_space<vmem_shared>>) offsets(%dma_start3A_106 : memref<128xi32, #tpu.memory_space<vmem>>) semaphore(%run_scoped3A_103 : memref<!tpu.dma_semaphore, #tpu.memory_space<semaphore_mem>>) {add = true}
      %dma_wait3A_110 = arith.constant 0 : i32
      %dma_wait3A_111 = tpu.memref_slice %arg8[%run_scoped3A_94, %dma_wait3A_110] : memref<80x128xi32, #tpu.memory_space<vmem>> -> memref<1x128xi32, #tpu.memory_space<vmem>>
      %dma_wait3A_112 = tpu.memref_squeeze %dma_wait3A_111 : memref<1x128xi32, #tpu.memory_space<vmem>> -> memref<128xi32, #tpu.memory_space<vmem>>
      %dma_wait3A_113 = arith.constant 0 : i32
      %dma_wait3A_114 = arith.constant 0 : i32
      %dma_wait3A_115 = tpu.memref_slice %arg7[%dma_wait3A_113, %dma_wait3A_114] : memref<10240x128xf32, #tpu.memory_space<vmem_shared>> -> memref<10240x128xf32, #tpu.memory_space<vmem_shared>>
      tpu.wait_indirect_dma semaphore(%run_scoped3A_103 : memref<!tpu.dma_semaphore, #tpu.memory_space<semaphore_mem>>) src(%arg12 : memref<128x128xf32, #tpu.memory_space<vmem>>) dst(%dma_wait3A_115 : memref<10240x128xf32, #tpu.memory_space<vmem_shared>>)
      tpu.yield
    }) : () -> ()
    %barrier3A_95 = arith.constant 0 : index
    tpu.barrier barrier_id(%barrier3A_95)
    %mul3A_96 = arith.constant 10240 : i32
    %mul3A_97 = arith.muli %arg0, %mul3A_96 : i32
    %mul3A_98 = arith.constant 640 : i32
    %mul3A_99 = arith.muli %arg1, %mul3A_98 : i32
    %add3A_100 = arith.addi %mul3A_97, %mul3A_99 : i32
    %mul3A_101 = arith.constant 640 : i32
    %mul3A_102 = arith.muli %arg1, %mul3A_101 : i32
    "tpu.region"() ({
      %run_scoped3A_103 = tpu.sem_alloc : memref<!tpu.dma_semaphore, #tpu.memory_space<semaphore_mem>>
      %dma_start3A_104 = arith.constant 0 : i32
      %dma_start3A_105 = tpu.memref_slice %arg6[%add3A_100, %dma_start3A_104] : memref<20480x128xf32, #tpu.memory_space<hbm>> -> memref<640x128xf32, #tpu.memory_space<hbm>>
      %dma_start3A_106 = arith.constant 0 : i32
      %dma_start3A_107 = tpu.memref_slice %arg7[%mul3A_102, %dma_start3A_106] : memref<10240x128xf32, #tpu.memory_space<vmem_shared>> -> memref<640x128xf32, #tpu.memory_space<vmem_shared>>
      tpu.enqueue_dma source(%dma_start3A_107 : memref<640x128xf32, #tpu.memory_space<vmem_shared>>) target(%dma_start3A_105 : memref<640x128xf32, #tpu.memory_space<hbm>>) target_semaphore(%run_scoped3A_103 : memref<!tpu.dma_semaphore, #tpu.memory_space<semaphore_mem>>)
      %dma_wait3A_108 = arith.constant 0 : i32
      %dma_wait3A_109 = tpu.memref_slice %arg6[%add3A_100, %dma_wait3A_108] : memref<20480x128xf32, #tpu.memory_space<hbm>> -> memref<640x128xf32, #tpu.memory_space<hbm>>
      %dma_wait3A_110 = arith.constant 0 : i32
      %dma_wait3A_111 = tpu.memref_slice %arg7[%mul3A_102, %dma_wait3A_110] : memref<10240x128xf32, #tpu.memory_space<vmem_shared>> -> memref<640x128xf32, #tpu.memory_space<vmem_shared>>
      tpu.wait_dma2 semaphore(%run_scoped3A_103 : memref<!tpu.dma_semaphore, #tpu.memory_space<semaphore_mem>>) src(%dma_wait3A_111 : memref<640x128xf32, #tpu.memory_space<vmem_shared>>) dst(%dma_wait3A_109 : memref<640x128xf32, #tpu.memory_space<hbm>>)
      tpu.yield
    }) : () -> ()
    return
  }
}

module attributes {stable_mosaic.version = 14 : i64} {
  func.func @_mm_body(%arg0: memref<10000x128xf32, #tpu.memory_space<vmem>>, %arg1: memref<128x128xf32, #tpu.memory_space<vmem>>, %arg2: memref<10000x128xf32, #tpu.memory_space<vmem>>) attributes {dimension_semantics = [], scalar_prefetch = 0 : i64, scratch_operands = 0 : i64, tpu.core_type = #tpu.core_type<tc>} {
    %get3A = arith.constant 0 : index
    %get3A_0 = arith.constant 0 : index
    %get3A_1 = vector.load %arg0[%get3A, %get3A_0] : memref<10000x128xf32, #tpu.memory_space<vmem>>, vector<10000x128xf32>
    %get3A_2 = arith.constant 0 : index
    %get3A_3 = arith.constant 0 : index
    %get3A_4 = vector.load %arg1[%get3A_2, %get3A_3] : memref<128x128xf32, #tpu.memory_space<vmem>>, vector<128x128xf32>
    %dot_general3A = arith.constant dense<0.000000e+00> : vector<10000x128xf32>
    %dot_general3A_5 = tpu.matmul %get3A_1, %get3A_4, %dot_general3A {dimension_numbers = #tpu.dot_dimension_numbers<[1], [0], [0], [1], [0, 0, 1, 1], [], []>, transpose_lhs_hint = false} : vector<10000x128xf32>, vector<128x128xf32>, vector<10000x128xf32> -> vector<10000x128xf32>
    %swap3A = arith.constant 0 : index
    %swap3A_6 = arith.constant 0 : index
    %swap3A_7 = vector.load %arg2[%swap3A, %swap3A_6] : memref<10000x128xf32, #tpu.memory_space<vmem>>, vector<10000x128xf32>
    tpu.vector_store %arg2[%swap3A, %swap3A_6], %dot_general3A_5 {strides = array<i32>} : memref<10000x128xf32, #tpu.memory_space<vmem>>, vector<10000x128xf32>,
    return
  }
}

module attributes {stable_mosaic.version = 14 : i64} {
  func.func @_combine_scale_body(%arg0: memref<20480x128xf32, #tpu.memory_space<vmem>>, %arg1: memref<20480x128xf32, #tpu.memory_space<vmem>>, %arg2: memref<10000x128xf32, #tpu.memory_space<vmem>>) attributes {dimension_semantics = [], scalar_prefetch = 0 : i64, scratch_operands = 0 : i64, tpu.core_type = #tpu.core_type<tc>} {
    %get3A = arith.constant 0 : index
    %get3A_0 = arith.constant 0 : index
    %get3A_1 = vector.load %arg0[%get3A, %get3A_0] : memref<20480x128xf32, #tpu.memory_space<vmem>>, vector<10000x128xf32>
    %get3A_2 = arith.constant 10240 : index
    %get3A_3 = arith.constant 0 : index
    %get3A_4 = vector.load %arg0[%get3A_2, %get3A_3] : memref<20480x128xf32, #tpu.memory_space<vmem>>, vector<10000x128xf32>
    %add3A = arith.addf %get3A_1, %get3A_4 : vector<10000x128xf32>
    %get3A_5 = arith.constant 0 : index
    %get3A_6 = arith.constant 0 : index
    %get3A_7 = vector.load %arg1[%get3A_5, %get3A_6] : memref<20480x128xf32, #tpu.memory_space<vmem>>, vector<10000x1xf32>
    %get3A_8 = arith.constant 10240 : index
    %get3A_9 = arith.constant 0 : index
    %get3A_10 = vector.load %arg1[%get3A_8, %get3A_9] : memref<20480x128xf32, #tpu.memory_space<vmem>>, vector<10000x1xf32>
    %add3A_11 = arith.addf %get3A_7, %get3A_10 : vector<10000x1xf32>
    %gt3A = arith.constant 0.000000e+00 : f32
    %gt3A_12 = vector.broadcast %gt3A : f32 to vector<10000x1xf32>
    %gt3A_13 = arith.cmpf ogt, %add3A_11, %gt3A_12 : vector<10000x1xf32>
    %div3A = arith.constant 1.000000e+00 : f32
    %div3A_14 = vector.broadcast %div3A : f32 to vector<10000x1xf32>
    %div3A_15 = arith.divf %div3A_14, %add3A_11 : vector<10000x1xf32>
    %jit3A = arith.constant 0.000000e+00 : f32
    %broadcast_in_dim3A = vector.broadcast %jit3A : f32 to vector<10000x1xf32>
    %select_n3A = arith.select %gt3A_13, %div3A_15, %broadcast_in_dim3A : vector<10000x1xi1>, vector<10000x1xf32>
    %mul3A = vector.broadcast %select_n3A : vector<10000x1xf32> to vector<10000x128xf32>
    %mul3A_16 = arith.mulf %add3A, %mul3A : vector<10000x128xf32>
    %swap3A = arith.constant 0 : index
    %swap3A_17 = arith.constant 0 : index
    %swap3A_18 = vector.load %arg2[%swap3A, %swap3A_17] : memref<10000x128xf32, #tpu.memory_space<vmem>>, vector<10000x128xf32>
    tpu.vector_store %arg2[%swap3A, %swap3A_17], %mul3A_16 {strides = array<i32>} : memref<10000x128xf32, #tpu.memory_space<vmem>>, vector<10000x128xf32>,
    return
  }
}

module attributes {stable_mosaic.version = 14 : i64} {
  func.func @_finish_mm_body(%arg0: memref<20480x128xf32, #tpu.memory_space<vmem>>, %arg1: memref<20480x128xf32, #tpu.memory_space<vmem>>, %arg2: memref<1x128xf32, #tpu.memory_space<vmem>>, %arg3: memref<128x128xf32, #tpu.memory_space<vmem>>, %arg4: memref<10000x128xf32, #tpu.memory_space<vmem>>) attributes {dimension_semantics = [], scalar_prefetch = 0 : i64, scratch_operands = 0 : i64, tpu.core_type = #tpu.core_type<tc>} {
    %get3A = arith.constant 0 : index
    %get3A_0 = arith.constant 0 : index
    %get3A_1 = vector.load %arg0[%get3A, %get3A_0] : memref<20480x128xf32, #tpu.memory_space<vmem>>, vector<10000x128xf32>
    %get3A_2 = arith.constant 10240 : index
    %get3A_3 = arith.constant 0 : index
    %get3A_4 = vector.load %arg0[%get3A_2, %get3A_3] : memref<20480x128xf32, #tpu.memory_space<vmem>>, vector<10000x128xf32>
    %add3A = arith.addf %get3A_1, %get3A_4 : vector<10000x128xf32>
    %get3A_5 = arith.constant 0 : index
    %get3A_6 = arith.constant 0 : index
    %get3A_7 = vector.load %arg1[%get3A_5, %get3A_6] : memref<20480x128xf32, #tpu.memory_space<vmem>>, vector<10000x1xf32>
    %get3A_8 = arith.constant 10240 : index
    %get3A_9 = arith.constant 0 : index
    %get3A_10 = vector.load %arg1[%get3A_8, %get3A_9] : memref<20480x128xf32, #tpu.memory_space<vmem>>, vector<10000x1xf32>
    %add3A_11 = arith.addf %get3A_7, %get3A_10 : vector<10000x1xf32>
    %gt3A = arith.constant 0.000000e+00 : f32
    %gt3A_12 = vector.broadcast %gt3A : f32 to vector<10000x1xf32>
    %gt3A_13 = arith.cmpf ogt, %add3A_11, %gt3A_12 : vector<10000x1xf32>
    %div3A = arith.constant 1.000000e+00 : f32
    %div3A_14 = vector.broadcast %div3A : f32 to vector<10000x1xf32>
    %div3A_15 = arith.divf %div3A_14, %add3A_11 : vector<10000x1xf32>
    %jit3A = arith.constant 0.000000e+00 : f32
    %broadcast_in_dim3A = vector.broadcast %jit3A : f32 to vector<10000x1xf32>
    %select_n3A = arith.select %gt3A_13, %div3A_15, %broadcast_in_dim3A : vector<10000x1xi1>, vector<10000x1xf32>
    %mul3A = vector.broadcast %select_n3A : vector<10000x1xf32> to vector<10000x128xf32>
    %mul3A_16 = arith.mulf %add3A, %mul3A : vector<10000x128xf32>
    %get3A_17 = arith.constant 0 : index
    %get3A_18 = arith.constant 0 : index
    %get3A_19 = vector.load %arg2[%get3A_17, %get3A_18] : memref<1x128xf32, #tpu.memory_space<vmem>>, vector<1x128xf32>
    %add3A_20 = vector.broadcast %get3A_19 : vector<1x128xf32> to vector<10000x128xf32>
    %add3A_21 = arith.addf %mul3A_16, %add3A_20 : vector<10000x128xf32>
    %max3A = arith.constant 0.000000e+00 : f32
    %max3A_22 = vector.broadcast %max3A : f32 to vector<10000x128xf32>
    %max3A_23 = arith.maximumf %add3A_21, %max3A_22 : vector<10000x128xf32>
    %get3A_24 = arith.constant 0 : index
    %get3A_25 = arith.constant 0 : index
    %get3A_26 = vector.load %arg3[%get3A_24, %get3A_25] : memref<128x128xf32, #tpu.memory_space<vmem>>, vector<128x128xf32>
    %dot_general3A = arith.constant dense<0.000000e+00> : vector<10000x128xf32>
    %dot_general3A_27 = tpu.matmul %max3A_23, %get3A_26, %dot_general3A {dimension_numbers = #tpu.dot_dimension_numbers<[1], [0], [0], [1], [0, 0, 1, 1], [], []>, transpose_lhs_hint = false} : vector<10000x128xf32>, vector<128x128xf32>, vector<10000x128xf32> -> vector<10000x128xf32>
    %swap3A = arith.constant 0 : index
    %swap3A_28 = arith.constant 0 : index
    %swap3A_29 = vector.load %arg4[%swap3A, %swap3A_28] : memref<10000x128xf32, #tpu.memory_space<vmem>>, vector<10000x128xf32>
    tpu.vector_store %arg4[%swap3A, %swap3A_28], %dot_general3A_27 {strides = array<i32>} : memref<10000x128xf32, #tpu.memory_space<vmem>>, vector<10000x128xf32>,
    return
  }
}

module attributes {stable_mosaic.version = 14 : i64} {
  func.func @_tail_body(%arg0: memref<20480x128xf32, #tpu.memory_space<vmem>>, %arg1: memref<20480x128xf32, #tpu.memory_space<vmem>>, %arg2: memref<1x128xf32, #tpu.memory_space<vmem>>, %arg3: memref<1x10000xi32, #tpu.memory_space<vmem>>, %arg4: memref<128x128xf32, #tpu.memory_space<vmem>>, %arg5: memref<1x128xf32, #tpu.memory_space<vmem>>, %arg6: memref<128x3xf32, #tpu.memory_space<vmem>>, %arg7: memref<1x3xf32, #tpu.memory_space<vmem>>, %arg8: memref<64x3xf32, #tpu.memory_space<vmem>>) attributes {dimension_semantics = [], scalar_prefetch = 0 : i64, scratch_operands = 0 : i64, tpu.core_type = #tpu.core_type<tc>} {
    %get3A = arith.constant 0 : index
    %get3A_0 = arith.constant 0 : index
    %get3A_1 = vector.load %arg0[%get3A, %get3A_0] : memref<20480x128xf32, #tpu.memory_space<vmem>>, vector<10000x128xf32>
    %get3A_2 = arith.constant 10240 : index
    %get3A_3 = arith.constant 0 : index
    %get3A_4 = vector.load %arg0[%get3A_2, %get3A_3] : memref<20480x128xf32, #tpu.memory_space<vmem>>, vector<10000x128xf32>
    %add3A = arith.addf %get3A_1, %get3A_4 : vector<10000x128xf32>
    %get3A_5 = arith.constant 0 : index
    %get3A_6 = arith.constant 0 : index
    %get3A_7 = vector.load %arg1[%get3A_5, %get3A_6] : memref<20480x128xf32, #tpu.memory_space<vmem>>, vector<10000x1xf32>
    %get3A_8 = arith.constant 10240 : index
    %get3A_9 = arith.constant 0 : index
    %get3A_10 = vector.load %arg1[%get3A_8, %get3A_9] : memref<20480x128xf32, #tpu.memory_space<vmem>>, vector<10000x1xf32>
    %add3A_11 = arith.addf %get3A_7, %get3A_10 : vector<10000x1xf32>
    %gt3A = arith.constant 0.000000e+00 : f32
    %gt3A_12 = vector.broadcast %gt3A : f32 to vector<10000x1xf32>
    %gt3A_13 = arith.cmpf ogt, %add3A_11, %gt3A_12 : vector<10000x1xf32>
    %div3A = arith.constant 1.000000e+00 : f32
    %div3A_14 = vector.broadcast %div3A : f32 to vector<10000x1xf32>
    %div3A_15 = arith.divf %div3A_14, %add3A_11 : vector<10000x1xf32>
    %jit3A = arith.constant 0.000000e+00 : f32
    %broadcast_in_dim3A = vector.broadcast %jit3A : f32 to vector<10000x1xf32>
    %select_n3A = arith.select %gt3A_13, %div3A_15, %broadcast_in_dim3A : vector<10000x1xi1>, vector<10000x1xf32>
    %mul3A = vector.broadcast %select_n3A : vector<10000x1xf32> to vector<10000x128xf32>
    %mul3A_16 = arith.mulf %add3A, %mul3A : vector<10000x128xf32>
    %get3A_17 = arith.constant 0 : index
    %get3A_18 = arith.constant 0 : index
    %get3A_19 = vector.load %arg2[%get3A_17, %get3A_18] : memref<1x128xf32, #tpu.memory_space<vmem>>, vector<1x128xf32>
    %add3A_20 = vector.broadcast %get3A_19 : vector<1x128xf32> to vector<10000x128xf32>
    %add3A_21 = arith.addf %mul3A_16, %add3A_20 : vector<10000x128xf32>
    %max3A = arith.constant 0.000000e+00 : f32
    %max3A_22 = vector.broadcast %max3A : f32 to vector<10000x128xf32>
    %max3A_23 = arith.maximumf %add3A_21, %max3A_22 : vector<10000x128xf32>
    %iota3A = tpu.iota {dimensions = array<i32: 0>} : vector<64x10000xi32>
    %get3A_24 = arith.constant 0 : index
    %get3A_25 = arith.constant 0 : index
    %get3A_26 = vector.load %arg3[%get3A_24, %get3A_25] : memref<1x10000xi32, #tpu.memory_space<vmem>>, vector<1x10000xi32>
    %eq3A = vector.broadcast %get3A_26 : vector<1x10000xi32> to vector<64x10000xi32>
    %eq3A_27 = arith.cmpi eq, %eq3A, %iota3A : vector<64x10000xi32>
    %convert_element_type3A = arith.extui %eq3A_27 : vector<64x10000xi1> to vector<64x10000xi32>
    %convert_element_type3A_28 = arith.sitofp %convert_element_type3A : vector<64x10000xi32> to vector<64x10000xf32>
    %dot_general3A = arith.constant dense<0.000000e+00> : vector<64x128xf32>
    %dot_general3A_29 = tpu.matmul %convert_element_type3A_28, %max3A_23, %dot_general3A {dimension_numbers = #tpu.dot_dimension_numbers<[1], [0], [0], [1], [0, 0, 1, 1], [], []>, transpose_lhs_hint = false} : vector<64x10000xf32>, vector<10000x128xf32>, vector<64x128xf32> -> vector<64x128xf32>
    %reduce_sum3A = arith.constant dense<0.000000e+00> : vector<64xf32>
    %reduce_sum3A_30 = vector.multi_reduction <add>, %convert_element_type3A_28, %reduce_sum3A [1] : vector<64x10000xf32> to vector<64xf32>
    %broadcast_in_dim3A_31 = vector.shape_cast %reduce_sum3A_30 : vector<64xf32> to vector<64x1xf32>
    %max3A_32 = arith.constant 1.000000e+00 : f32
    %max3A_33 = vector.broadcast %max3A_32 : f32 to vector<64x1xf32>
    %max3A_34 = arith.maximumf %broadcast_in_dim3A_31, %max3A_33 : vector<64x1xf32>
    %div3A_35 = vector.broadcast %max3A_34 : vector<64x1xf32> to vector<64x128xf32>
    %div3A_36 = arith.divf %dot_general3A_29, %div3A_35 : vector<64x128xf32>
    %get3A_37 = arith.constant 0 : index
    %get3A_38 = arith.constant 0 : index
    %get3A_39 = vector.load %arg4[%get3A_37, %get3A_38] : memref<128x128xf32, #tpu.memory_space<vmem>>, vector<128x128xf32>
    %dot_general3A_40 = arith.constant dense<0.000000e+00> : vector<64x128xf32>
    %dot_general3A_41 = tpu.matmul %div3A_36, %get3A_39, %dot_general3A_40 {dimension_numbers = #tpu.dot_dimension_numbers<[1], [0], [0], [1], [0, 0, 1, 1], [], []>, transpose_lhs_hint = false} : vector<64x128xf32>, vector<128x128xf32>, vector<64x128xf32> -> vector<64x128xf32>
    %get3A_42 = arith.constant 0 : index
    %get3A_43 = arith.constant 0 : index
    %get3A_44 = vector.load %arg5[%get3A_42, %get3A_43] : memref<1x128xf32, #tpu.memory_space<vmem>>, vector<1x128xf32>
    %add3A_45 = vector.broadcast %get3A_44 : vector<1x128xf32> to vector<64x128xf32>
    %add3A_46 = arith.addf %dot_general3A_41, %add3A_45 : vector<64x128xf32>
    %max3A_47 = arith.constant 0.000000e+00 : f32
    %max3A_48 = vector.broadcast %max3A_47 : f32 to vector<64x128xf32>
    %max3A_49 = arith.maximumf %add3A_46, %max3A_48 : vector<64x128xf32>
    %get3A_50 = arith.constant 0 : index
    %get3A_51 = arith.constant 0 : index
    %get3A_52 = vector.load %arg6[%get3A_50, %get3A_51] : memref<128x3xf32, #tpu.memory_space<vmem>>, vector<128x3xf32>
    %dot_general3A_53 = arith.constant dense<0.000000e+00> : vector<64x3xf32>
    %dot_general3A_54 = tpu.matmul %max3A_49, %get3A_52, %dot_general3A_53 {dimension_numbers = #tpu.dot_dimension_numbers<[1], [0], [0], [1], [0, 0, 1, 1], [], []>, transpose_lhs_hint = false} : vector<64x128xf32>, vector<128x3xf32>, vector<64x3xf32> -> vector<64x3xf32>
    %get3A_55 = arith.constant 0 : index
    %get3A_56 = arith.constant 0 : index
    %get3A_57 = vector.load %arg7[%get3A_55, %get3A_56] : memref<1x3xf32, #tpu.memory_space<vmem>>, vector<1x3xf32>
    %add3A_58 = vector.broadcast %get3A_57 : vector<1x3xf32> to vector<64x3xf32>
    %add3A_59 = arith.addf %dot_general3A_54, %add3A_58 : vector<64x3xf32>
    %swap3A = arith.constant 0 : index
    %swap3A_60 = arith.constant 0 : index
    %swap3A_61 = vector.load %arg8[%swap3A, %swap3A_60] : memref<64x3xf32, #tpu.memory_space<vmem>>, vector<64x3xf32>
    tpu.vector_store %arg8[%swap3A, %swap3A_60], %add3A_59 {strides = array<i32>} : memref<64x3xf32, #tpu.memory_space<vmem>>, vector<64x3xf32>,
    return
  }
}

</mosaic_0001>

<sc_bundles>
// kernel: kernel.12.cloned.1.call-start
scs
__scs_entry_jumppad:
0x0: {  	(pc) =	sbr.rel $0x88, $3  }
0x1: {  	(tag) =	ssettag $0x0;
	lr =	simm.s32 $0x1  }
0x2: {  	[smem:$0x3F96] =	sst lr;
	_ =	strace $0xD0000000  }
0x3: {  	_ = 	snop  }
0x4: {  	_ = 	snop  }
0x5: {  	_ = 	snop  }
0x6: {  	_ = 	snop  }
0x7: {  	_ = 	snop  }
__scs_overlays_trampoline_lowered:
0x8: {  	[smem:$0x3FA5] =	sst s0  }
0x9: {  	[smem:$0x3FA6] =	sst s1  }
0xa: {  	[smem:$0x3FA7] =	sst s2  }
0xb: {  	[smem:$0x3FA8] =	sst s3  }
0xc: {  	[smem:$0x3FA9] =	sst s4  }
0xd: {  	[smem:$0x3FAA] =	sst s5  }
0xe: {  	[smem:$0x3FAB] =	sst s6  }
0xf: {  	[smem:$0x3FAC] =	sst s7  }
0x10: {  	[smem:$0x3FAD] =	sst s8  }
0x11: {  	[smem:$0x3FAE] =	sst s9;
	s0 =	simm.s32 @!p0 $0x0  }
0x12: {  	s1 =	sld [smem:$0x3F94];
	s0 =	simm.s32 @p0 $0x1  }
0x13: {  	[smem:$0x3FAF] =	sst s0;
	s0 =	simm.s32 @!p1 $0x0  }
0x14: {  	s2 =	sld [smem:$0x3F93];
	s0 =	simm.s32 @p1 $0x1  }
0x15: {  	[smem:$0x3FB0] =	sst s0;
	s0 =	simm.s32 @!p2 $0x0  }
0x16: {  	s3 =	sld [smem:$0x3FDB];
	s0 =	simm.s32 @p2 $0x1  }
0x17: {  	s4 =	simm.s32 $0x1BF5;
	[smem:$0x3FB2] =	sst s0  }
0x18: {  	s0 =	sld [smem:$0x3F95];
	_ =	swait.ge [sflag:s4], $0x0  }
0x19: {  	s7 =	sld [smem:$0x3F96]  }
0x1a: {  	s8 =	sadd.s32 $0xFFFFE003, lr  }
0x1b: {  	s9 =	sadd.s32 $0xFFFFFEF7, lr;
	s5 =	simm.s32 $0xFFFFFFFF;
	p2 =	slt.u32 s8, $0xFFFFF086  }
0x1c: {  	p1 =	slt.u32 s9, $0xF7A;
	s5 =	simm.s32 @!p2 $0x0  }
0x1d: {  	s5 =	simm.s32 @p1 $0x1;
	p0 =	seq.s32 s7, s2  }
0x1e: {  	s7 =	smul.u32 @!p0 $0xF7A, s2;
	p2 =	seq.s32 @!p0 s5, $0x0  }
0x1f: {  	s9 =	smul.u32 $0xF7A, s1;
	s8 =	simm.s32 @!p0 $0x1BF5;
	p2 =	por !p2, p0  }
0x20: {  	[sflag:s8] =	ssyncset.s32 @!p0 $0xFFFFF086;
	s6 =	sadd.s32 @!p0 s3, s7;
	s7 =	simm.s32 @!p0 $0x108  }
0x21: {  	s3 =	sadd.s32 s3, s9;
	s6 =	sadd.s32 @!p0 $0x88, s6;
	s7 =	simm.s32 @p2 $0x1082  }
0x22: {  	[simem:s7], [sflag:s8] =	dma.local @!p0 [hbm:s6], $0xF7A  }
0x23: {  	s9 =	sor.u32 $0xD0000000, s2;
	s6 =	simm.s32 $0x108;
	_ =	swait.ge @!p0 [sflag:s8], $0x0  }
0x24: {  	s3 =	sadd.s32 $0x88, s3;
	s6 =	simm.s32 @!p1 $0x1082;
	[sflag:s4] =	ssyncset.s32 $0xFFFFF086  }
0x25: {  	[simem:s6], [sflag:s4] =	dma.local [hbm:s3], $0xF7A  }
0x26: {  	[smem:$0x3F96] =	sst s1;
	(tag) =	ssettag s2;
	_ =	strace s9  }
0x27: {  	s1 =	sld [smem:$0x3FA6]  }
0x28: {  	s2 =	sld [smem:$0x3FA7]  }
0x29: {  	s4 =	sld [smem:$0x3FA9]  }
0x2a: {  	p0 =	seq.s32 s5, $0x0;
	s5 =	sld [smem:$0x3FAA]  }
0x2b: {  	s6 =	sld [smem:$0x3FAB]  }
0x2c: {  	s7 =	sld [smem:$0x3FAC]  }
0x2d: {  	s3 =	simm.s32 $0x108;
	s8 =	sld [smem:$0x3FAD]  }
0x2e: {  	s3 =	simm.s32 @!p0 $0x1082;
	s9 =	sld [smem:$0x3FAE]  }
0x2f: {  	lr =	sadd.s32 s0, s3;
	s0 =	sld [smem:$0x3FA5]  }
0x30: {  	s3 =	sld [smem:$0x3FA8]  }
0x31: {  	[smem:$0x3FB1] =	sst s10  }
0x32: {  	s10 =	sld [smem:$0x3FAF];
	_ =	sdelay $0x3  }
0x33: {  	p0 =	seq.s32 s10, $0x1;
	s10 =	sld [smem:$0x3FB1];
	_ =	sdelay $0x3  }
0x34: {  	[smem:$0x3FB1] =	sst s10  }
0x35: {  	s10 =	sld [smem:$0x3FB0];
	_ =	sdelay $0x3  }
0x36: {  	p1 =	seq.s32 s10, $0x1;
	s10 =	sld [smem:$0x3FB1];
	_ =	sdelay $0x3  }
0x37: {  	[smem:$0x3FB1] =	sst s10  }
0x38: {  	s10 =	sld [smem:$0x3FB2]  }
0x39: {  	_ = 	snop;
	(pc) =	sbr.ind lr, $3  }
0x3a: {  	_ = 	snop  }
0x3b: {  	_ = 	snop  }
0x3c: {  	p2 =	seq.s32 s10, $0x1;
	s10 =	sld [smem:$0x3FB1]  }
0x3d: {  	_ =	shalt  }
0x3e: {  	_ =	shalt  }
0x3f: {  	_ =	shalt  }
0x40: {  	_ =	shalt  }
0x41: {  	_ =	shalt  }
0x42: {  	_ =	shalt  }
0x43: {  	_ =	shalt  }
0x44: {  	_ =	shalt  }
0x45: {  	_ =	shalt  }
0x46: {  	_ =	shalt  }
0x47: {  	_ =	shalt  }
0x48: {  	_ =	shalt  }
0x49: {  	_ =	shalt  }
0x4a: {  	_ =	shalt  }
0x4b: {  	_ =	shalt  }
0x4c: {  	_ =	shalt  }
0x4d: {  	_ =	shalt  }
0x4e: {  	_ =	shalt  }
0x4f: {  	_ =	shalt  }
0x50: {  	_ =	shalt  }
0x51: {  	_ =	shalt  }
0x52: {  	_ =	shalt  }
0x53: {  	_ =	shalt  }
0x54: {  	_ =	shalt  }
0x55: {  	_ =	shalt  }
0x56: {  	_ =	shalt  }
0x57: {  	_ =	shalt  }
0x58: {  	_ =	shalt  }
0x59: {  	_ =	shalt  }
0x5a: {  	_ =	shalt  }
0x5b: {  	_ =	shalt  }
0x5c: {  	_ =	shalt  }
0x5d: {  	_ =	shalt  }
0x5e: {  	_ =	shalt  }
0x5f: {  	_ =	shalt  }
0x60: {  	_ =	shalt  }
0x61: {  	_ =	shalt  }
0x62: {  	_ =	shalt  }
0x63: {  	_ =	shalt  }
0x64: {  	_ =	shalt  }
0x65: {  	_ =	shalt  }
0x66: {  	_ =	shalt  }
0x67: {  	_ =	shalt  }
0x68: {  	_ =	shalt  }
0x69: {  	_ =	shalt  }
0x6a: {  	_ =	shalt  }
0x6b: {  	_ =	shalt  }
0x6c: {  	_ =	shalt  }
0x6d: {  	_ =	shalt  }
0x6e: {  	_ =	shalt  }
0x6f: {  	_ =	shalt  }
0x70: {  	_ =	shalt  }
0x71: {  	_ =	shalt  }
0x72: {  	_ =	shalt  }
0x73: {  	_ =	shalt  }
0x74: {  	_ =	shalt  }
0x75: {  	_ =	shalt  }
0x76: {  	_ =	shalt  }
0x77: {  	_ =	shalt  }
0x78: {  	_ =	shalt  }
0x79: {  	_ =	shalt  }
0x7a: {  	_ =	shalt  }
0x7b: {  	_ =	shalt  }
0x7c: {  	_ =	shalt  }
0x7d: {  	_ =	shalt  }
0x7e: {  	_ =	shalt  }
0x7f: {  	_ =	shalt  }
0x80: {  	_ =	shalt  }
0x81: {  	_ =	shalt  }
0x82: {  	_ =	shalt  }
0x83: {  	_ =	shalt  }
0x84: {  	_ =	shalt  }
0x85: {  	_ =	shalt  }
0x86: {  	_ =	shalt  }
0x87: {  	_ =	shalt  }
.Lfunc_end0:
.L_simem_size_0:
called_computation_lowered:
.L_overlay_start_0:
0x88: {  	s2 =	sld [smem:$0x3FD9]  }
0x89: {  	s3 =	sld [smem:$0x3FFE];
	_ =	sdelay $0x1  }
0x8a: {  	s1 =	srdreg.scid  }
0x8b: {  	s0 =	sand.u32 $0x1, s1  }
0x8c: {  	s17 =	sshll.u32 s0, $0xA;
	s2 =	sadd.s32 s3, s2  }
0x8d: {  	s2 =	sadd.s32 s2, s17  }
0x8e: {  	[smem:$0x3FBD] =	sst s2  }
0x8f: {  	_ = 	snop  }
0x90: {  	(tm) =	ssettm $0x1  }
0x91: {  	s18 =	sld [smem:$0x3FFB];
	_ =	sdelay $0x3  }
0x92: {  	_ =	strace s18  }
0x93: {  	s2 =	sld [smem:$0x3FFC];
	_ =	sdelay $0x3  }
0x94: {  	_ =	strace s2  }
0x95: {  	s2 =	sld [smem:$0x3FFD];
	_ =	sdelay $0x3  }
0x96: {  	_ =	strace s2  }
0x97: {  	_ =	strace $0x8FFFFFFF  }
0x98: {  	s19 =	sld [smem:$0x3FDB];
	_ =	sdelay $0x1  }
0x99: {  	s20 =	simm.s32 $_scs_section_size  }
0x9a: {  	s4 =	simm.s32 $_size__tile_overlayer_lowered;
	s5 =	simm.s32 $_tile_overlayer_lowered  }
0x9b: {  	s6 =	simm.s32 $0x1BFF;
	s21 =	sshll.u32 s5, $0x1;
	s3 =	sadd.s32 s20, s19  }
0x9c: {  	s22 =	simm.s32 $0x0;
	s4 =	sshll.u32 s4, $0x1;
	s5 =	sadd.s32 s21, s3  }
0x9d: {  	[timem:s22], [sflag:s6] =	dma.local [hbm:s5], s4  }
0x9e: {  	_ =	swait.ge [sflag:s6], s4  }
0x9f: {  	s4 =	ssub.s32 $0x0, s4;
	[sflag:s6] =	ssyncset.done $0x0  }
0xa0: {  	[sflag:s6] =	ssyncadd.s32 s4;
	_ =	sdelay $0x1  }
0xa1: {  	s23 =	simm.s32 $0x1B8B  }
0xa2: {  	_ =	swait.ge [sflag:s23], $0x1  }
0xa3: {  	[sflag:s23] =	ssyncset.done $0x0  }
0xa4: {  	[sflag:s23] =	ssyncadd.s32 $0xFFFFFFFF  }
0xa5: {  	s4 =	sld [smem:$0x0]  }
0xa6: {  	s5 =	sand.u32 $0xFFFFFFFE, s1  }
0xa7: {  	p0 =	sne.s32 s1, s5  }
0xa8: {  	s5 =	sshll.u32 @p0 s5, $0xE  }
0xa9: {  	s5 =	sadd.s32 @p0 $0x11B8D, s5;
	s6 =	sshll.u32 @p0 s4, $0x11  }
0xaa: {  	s5 =	sor.u32 @p0 s6, s5  }
0xab: {  	[sflag:s5] =	ssyncadd.remote.s32 @p0 $0x1;
	_ =	sdelay $0x1  }
0xac: {  	s5 =	simm.s32 @p0 $0x1B8D  }
0xad: {  	_ =	swait.eq @p0 [sflag:s5], $0x1  }
0xae: {  	[sflag:s5] =	ssyncadd.s32 @p0 $0xFFFFFFFF  }
0xaf: {  	s6 =	sshll.u32 @!p0 s1, $0xE  }
0xb0: {  	s6 =	sor.u32 @!p0 $0x4000, s6;
	s5 =	simm.s32 @!p0 $0x1B8D  }
0xb1: {  	s4 =	sshll.u32 @!p0 s4, $0x11;
	s6 =	sadd.s32 @!p0 $0x11B8D, s6;
	_ =	swait.eq @!p0 [sflag:s5], $0x1  }
0xb2: {  	s4 =	sor.u32 @!p0 s4, s6;
	[sflag:s5] =	ssyncadd.s32 @!p0 $0xFFFFFFFF  }
0xb3: {  	s25 =	simm.s32 $0x1B8E;
	s24 =	sld [smem:$0x3FFE];
	[sflag:s4] =	ssyncadd.remote.s32 @!p0 $0x1  }
0xb4: {  	s26 =	simm.s32 $execute0_lowered;
	[smem:$0x3FD2] =	sst s25  }
0xb5: {  	s5 =	sshll.u32 s26, $0x1;
	_ =	strace $0x80000049;
	[dreg:$0x1] =	wrdreg $0xFFFFFFFF  }
0xb6: {  	s28 =	simm.s32 $_size_execute0_lowered;
	s3 =	sadd.s32 s3, s5;
	[dreg:$0x0] =	wrdreg $0x0  }
0xb7: {  	s5 =	sshll.u32 s28, $0x1;
	[dreg:$0x2] =	wrdreg s3  }
0xb8: {  	[dreg:$0x3] =	wrdreg s5  }
0xb9: {  	[dreg:$0x4] =	wrdreg $0xC0  }
0xba: {  	_ =	task [dreg:s22], $0x5FFFF  }
0xbb: {  	[dreg:$0x1] =	wrdreg $0xFFFFFFFF  }
0xbc: {  	[dreg:$0x0] =	wrdreg $0x60  }
0xbd: {  	[dreg:$0x2] =	wrdreg s24  }
0xbe: {  	[dreg:$0x3] =	wrdreg $0x0  }
0xbf: {  	[dreg:$0x4] =	wrdreg $0x9  }
0xc0: {  	_ =	task.clear_ibuf [dreg:s22], $0x5FFFF;
	_ =	strace $0x90000049  }
0xc1: {  	s29 =	simm.s32 $0x9;
	_ =	strace $0x8000004B  }
0xc2: {  	_ =	swait.ge [sflag:s29], $0x1  }
0xc3: {  	[sflag:s29] =	ssyncadd.s32 $0xFFFFFFFF  }
0xc4: {  	_ =	strace $0x9000004B  }
0xc5: {  	_ =	sfence  }
0xc6: {  	s30 =	sld [smem:$0x0];
	_ =	sdelay $0x2  }
0xc7: {  	s31 =	sshll.u32 s1, $0xD;
	s1 =	sshrl.u32 s1, $0x2  }
0xc8: {  	s4 =	sand.u32 $0x4000, s31;
	s1 =	sadd.s32 s1, s30  }
0xc9: {  	s0 =	sor.u32 s4, s0;
	s1 =	sshll.u32 s1, $0x11  }
0xca: {  	s0 =	sor.u32 s1, s0  }
0xcb: {  	s0 =	sadd.s32 $0x8F2B, s0  }
0xcc: {  	[sflag:s0] =	ssyncadd.remote.s32 $0x1  }
0xcd: {  	_ =	sfence.sel $0xFFFF  }
0xce: {  	[dreg:$0x0] =	wrdreg $0xFFFFFFFF;
	(pc) =	sbr.abs _section_cstart, $3  }
0xcf: {  	[dreg:$0x1] =	wrdreg $0xFFFFFFFF  }
0xd0: {  	_ =	task.clear_ibuf [dreg:s22], $0x2FFFF;
	_ =	strace $0x9FFFFFFF  }
0xd1: {  	(tm) =	ssettm $0x7FFFFFFF  }
tec
execute0_lowered:
.L_overlay_start_1:
0x0: {  	(tag) =	ssettag $0x1  }
0x1: {  	s7 =	rddreg [dreg:$0x0]  }
0x2: {  	s0 =	srdreg.scid;
	s2 =	rddreg [dreg:$0x1]  }
0x3: {  	s3 =	simm.s32 $0x0;
	s12 =	simm.s32 $0x1;
	s6 =	sand.u32 $0x1, s0  }
0x4: {  	s15 =	simm.s32 $0x14000;
	s0 =	stileid.u32;
	s5 =	smul.u32 $0x2800, s6  }
0x5: {  	s16 =	simm.s32 $0x80;
	s17 =	simm.s32 $0x0;
	s8 =	smul.u32 $0x280, s0  }
0x6: {  	[smem:$0x7FF] =	sst s3;
	s1 =	sshll.u32 s6, $0x4;
	s10 =	smul.u32 $0x50000, s0  }
0x7: {  	s6 =	ssub.s32 $0x2, s6;
	s13 =	sshll.u32 s0, $0x6;
	s1 =	sor.u32 s0, s1  }
0x8: {  	s29 =	sshrl.u32 s6, $0x1;
	s13 =	sor.u32 $0x1C01, s13;
	s4 =	smul.u32 $0x500, s1  }
0x9: {  	s1 =	rddreg [dreg:$0x2];
	_ =	strace $0x8000004A;
	s8 =	sadd.s32 s8, s5  }
0xa: {  	s5 =	sadd.s32 $0x53400, s7;
	s30 =	sshrl.u32 s10, $0x2;
	s31 =	ssub.s32 s6, s29  }
0xb: {  	s8 =	sshll.u32 s8, $0x4;
	s14 =	sadd.s32 s30, s2;
	s10 =	smax.u32 s31, $0x1  }
0xc: {  	s9 =	sadd.s32 s4, s7;
	s4 =	sadd.s32 $0xA5C00, s7;
	s11 =	sadd.s32 s8, s7  }
0xd: {  	s14 =	sshrl.u32 s14, $0x3;
	s6 =	sadd.s32 $0x3F400, s9;
	s7 =	sadd.s32 $0xF6400, s11  }
0xe: {  	s8 =	sadd.s32 $0x35400, s9;
	s9 =	sadd.s32 $0xA6400, s11;
	s11 =	simm.s32 $0x16800  }
.LBB2_1:
0xf: {  	[tilespmem:s11], [sflag:$0x1] =	stream.linear.gather [hbm4b:s4+s3], $0x4000, $0x38;
	[tilespmem:$0x1A800] =	vst v63  }
0x10: {  	_ =	swait.ge [sflag:s12], $0x4000  }
0x11: {  	[sflag:s12] =	ssyncset.done $0x0  }
0x12: {  	[sflag:s12] =	ssyncadd.s32 $0xFFFFC000  }
0x13: {  	[spmem:s14], [sflag:s13] =	dma.local [hbm:s5], $0x2800  }
0x14: {  	_ =	swait.ge [sflag:s12], $0x2800  }
0x15: {  	[sflag:s12] =	ssyncset.done $0x0  }
0x16: {  	[sflag:s12] =	ssyncadd.s32 $0xFFFFD800  }
0x17: {  	[tilespmem:s15], [sflag:$0x1] =	stream.linear.gather [hbm4b:s6+s3], $0x2800, $0x38;
	[tilespmem:$0x1A800] =	vst v63  }
0x18: {  	_ =	swait.ge [sflag:s12], $0x2800  }
0x19: {  	[sflag:s12] =	ssyncset.done $0x0  }
0x1a: {  	[sflag:s12] =	ssyncadd.s32 $0xFFFFD800  }
0x1b: {  	s18 =	simm.s32 $0x14000;
	[bflag:$0x0] =	sbarrier.arrive $0xFFFF  }
0x1c: {  	[spmem:s2] =	stream.indirect.scatter.add.f32 [tilespmem:s11], [sflag:$0x1], $0x80, s18, s16, $0xb8;
	[tilespmem:$0x1A800] =	vst v63  }
0x1d: {  	s18 =	simm.s32 $0x200;
	_ =	swait.ge [sflag:s12], $0x4000  }
.LBB2_2:
0x1e: {  	s19 =	sshra.s32 s18, $0x2;
	[sflag:s12] =	ssyncset.done $0x0;
	p0 =	sne.s32 s18, $0x9E00  }
.Ltmp0:
0x1f: {  	s19 =	sadd.s32 $0x14000, s19;
	[sflag:s12] =	ssyncadd.s32 $0xFFFFC000;
	(pc) =	sbr.rel @p0 .LBB2_2-.Ltmp0, $3  }
0x20: {  	[spmem:s2] =	stream.indirect.scatter.add.f32 [tilespmem:s11], [sflag:$0x1], $0x80, s19, s16, $0xb8;
	[tilespmem:$0x1A800] =	vst v63  }
0x21: {  	s18 =	sadd.s32 $0x200, s18;
	_ =	sdelay $0x1  }
0x22: {  	_ =	swait.ge [sflag:s12], $0x4000  }
0x23: {  	[sflag:s12] =	ssyncset.done $0x0  }
0x24: {  	[sflag:s12] =	ssyncadd.s32 $0xFFFFC000  }
0x25: {  	[bflag:$0x0] =	sbarrier.arrive $0xFFFF  }
0x26: {  	[hbm:s7], [sflag:s13] =	dma.local [spmem:s14], $0x2800  }
0x27: {  	_ =	swait.ge [sflag:s12], $0x2800  }
0x28: {  	[sflag:s12] =	ssyncset.done $0x0  }
0x29: {  	[sflag:s12] =	ssyncadd.s32 $0xFFFFD800  }
0x2a: {  	[bflag:$0x0] =	sbarrier.arrive $0xFFFF  }
0x2b: {  	[spmem:s14], [sflag:s13] =	dma.local [hbm:s5], $0x2800  }
0x2c: {  	_ =	swait.ge [sflag:s12], $0x2800  }
0x2d: {  	[sflag:s12] =	ssyncset.done $0x0  }
0x2e: {  	s18 =	simm.s32 $0x0;
	[sflag:s12] =	ssyncadd.s32 $0xFFFFD800  }
0x2f: {  	[tilespmem:s15], [sflag:$0x1] =	stream.linear.gather [hbm4b:s8+s18], $0x2800, $0x38;
	[tilespmem:$0x1A800] =	vst v63  }
0x30: {  	_ =	swait.ge [sflag:s12], $0x2800  }
0x31: {  	[sflag:s12] =	ssyncset.done $0x0  }
0x32: {  	[sflag:s12] =	ssyncadd.s32 $0xFFFFD800  }
0x33: {  	s31 =	simm.s32 $0x14000;
	[bflag:$0x0] =	sbarrier.arrive $0xFFFF  }
0x34: {  	[spmem:s2] =	stream.indirect.scatter.add.f32 [tilespmem:s11], [sflag:$0x1], $0x80, s31, s16, $0xb8;
	[tilespmem:$0x1A800] =	vst v63  }
0x35: {  	s18 =	simm.s32 $0x200;
	_ =	swait.ge [sflag:s12], $0x4000  }
.LBB2_4:
0x36: {  	s19 =	sshra.s32 s18, $0x2;
	[sflag:s12] =	ssyncset.done $0x0;
	p0 =	sne.s32 s18, $0x9E00  }
.Ltmp1:
0x37: {  	s19 =	sadd.s32 $0x14000, s19;
	[sflag:s12] =	ssyncadd.s32 $0xFFFFC000;
	(pc) =	sbr.rel @p0 .LBB2_4-.Ltmp1, $3  }
0x38: {  	[spmem:s2] =	stream.indirect.scatter.add.f32 [tilespmem:s11], [sflag:$0x1], $0x80, s19, s16, $0xb8;
	[tilespmem:$0x1A800] =	vst v63  }
0x39: {  	s18 =	sadd.s32 $0x200, s18;
	_ =	sdelay $0x1  }
0x3a: {  	_ =	swait.ge [sflag:s12], $0x4000  }
0x3b: {  	[sflag:s12] =	ssyncset.done $0x0;
	s17 =	sadd.s32 $0x1, s17  }
0x3c: {  	[sflag:s12] =	ssyncadd.s32 $0xFFFFC000;
	p0 =	sne.s32 s17, s10  }
.Ltmp2:
0x3d: {  	[bflag:$0x0] =	sbarrier.arrive $0xFFFF;
	(pc) =	sbr.rel @p0 .LBB2_1-.Ltmp2, $4  }
0x3e: {  	[hbm:s9], [sflag:s13] =	dma.local [spmem:s14], $0x2800  }
0x3f: {  	_ =	swait.ge [sflag:s12], $0x2800  }
0x40: {  	[sflag:s12] =	ssyncset.done $0x0  }
0x41: {  	[sflag:s12] =	ssyncadd.s32 $0xFFFFD800  }
0x42: {  	_ =	sfence.sel $0x180000  }
0x43: {  	[bflag:$0x0] =	sbarrier.arrive $0xFFFF  }
0x44: {  	p0 =	sne.s32 s0, $0x0;
	_ =	strace $0x9000004A  }
0x45: {  	s0 =	sadd.s32 @!p0 $0x100000, s1;
	[bflag:$0x2] =	sbarrier.arrive $0xFFFF  }
0x46: {  	[sflag:s0] =	ssyncadd.tile.s32 @!p0 $0x1;
	_ =	shalt  }
.Lfunc_end2:
_tile_overlayer_lowered:
.L_overlay_start_2:
0x47: {  	(tag) =	ssettag $0x2  }
0x48: {  	s0 =	rddreg [dreg:$0x0];
	s2 =	stileid.u32  }
0x49: {  	s1 =	rddreg [dreg:$0x1];
	p0 =	sne.s32 s2, $0x0  }
0x4a: {  	s3 =	rddreg [dreg:$0x2];
	[bflag:$0x3] =	sbarrier.arrive $0xFFFF;
	s2 =	simm.s32 @!p0 $0x1C01  }
0x4b: {  	[timem:s3], [sflag:s2] =	dma.local @!p0 [hbm:s0], s1  }
0x4c: {  	s0 =	simm.s32 @!p0 $0x1  }
0x4d: {  	_ =	swait.ge @!p0 [sflag:s0], s1  }
0x4e: {  	s1 =	ssub.s32 @!p0 $0x0, s1;
	[sflag:s0] =	ssyncset.done @!p0 $0x0  }
0x4f: {  	[sflag:s0] =	ssyncadd.s32 @!p0 s1  }
0x50: {  	[bflag:$0x3] =	sbarrier.arrive $0xFFFF  }
0x51: {  	_ =	shalt  }

// kernel: kernel.15.cloned.1.call-start
scs
__scs_entry_jumppad:
0x0: {  	(pc) =	sbr.rel $0x88, $3  }
0x1: {  	(tag) =	ssettag $0x0;
	lr =	simm.s32 $0x1  }
0x2: {  	[smem:$0x3F96] =	sst lr;
	_ =	strace $0xD0000000  }
0x3: {  	_ = 	snop  }
0x4: {  	_ = 	snop  }
0x5: {  	_ = 	snop  }
0x6: {  	_ = 	snop  }
0x7: {  	_ = 	snop  }
__scs_overlays_trampoline_lowered:
0x8: {  	[smem:$0x3FA5] =	sst s0  }
0x9: {  	[smem:$0x3FA6] =	sst s1  }
0xa: {  	[smem:$0x3FA7] =	sst s2  }
0xb: {  	[smem:$0x3FA8] =	sst s3  }
0xc: {  	[smem:$0x3FA9] =	sst s4  }
0xd: {  	[smem:$0x3FAA] =	sst s5  }
0xe: {  	[smem:$0x3FAB] =	sst s6  }
0xf: {  	[smem:$0x3FAC] =	sst s7  }
0x10: {  	[smem:$0x3FAD] =	sst s8  }
0x11: {  	[smem:$0x3FAE] =	sst s9;
	s0 =	simm.s32 @!p0 $0x0  }
0x12: {  	s1 =	sld [smem:$0x3F94];
	s0 =	simm.s32 @p0 $0x1  }
0x13: {  	[smem:$0x3FAF] =	sst s0;
	s0 =	simm.s32 @!p1 $0x0  }
0x14: {  	s2 =	sld [smem:$0x3F93];
	s0 =	simm.s32 @p1 $0x1  }
0x15: {  	[smem:$0x3FB0] =	sst s0;
	s0 =	simm.s32 @!p2 $0x0  }
0x16: {  	s3 =	sld [smem:$0x3FDB];
	s0 =	simm.s32 @p2 $0x1  }
0x17: {  	s4 =	simm.s32 $0x1BF5;
	[smem:$0x3FB2] =	sst s0  }
0x18: {  	s0 =	sld [smem:$0x3F95];
	_ =	swait.ge [sflag:s4], $0x0  }
0x19: {  	s7 =	sld [smem:$0x3F96]  }
0x1a: {  	s8 =	sadd.s32 $0xFFFFE003, lr  }
0x1b: {  	s9 =	sadd.s32 $0xFFFFFEF7, lr;
	s5 =	simm.s32 $0xFFFFFFFF;
	p2 =	slt.u32 s8, $0xFFFFF086  }
0x1c: {  	p1 =	slt.u32 s9, $0xF7A;
	s5 =	simm.s32 @!p2 $0x0  }
0x1d: {  	s5 =	simm.s32 @p1 $0x1;
	p0 =	seq.s32 s7, s2  }
0x1e: {  	s7 =	smul.u32 @!p0 $0xF7A, s2;
	p2 =	seq.s32 @!p0 s5, $0x0  }
0x1f: {  	s9 =	smul.u32 $0xF7A, s1;
	s8 =	simm.s32 @!p0 $0x1BF5;
	p2 =	por !p2, p0  }
0x20: {  	[sflag:s8] =	ssyncset.s32 @!p0 $0xFFFFF086;
	s6 =	sadd.s32 @!p0 s3, s7;
	s7 =	simm.s32 @!p0 $0x108  }
0x21: {  	s3 =	sadd.s32 s3, s9;
	s6 =	sadd.s32 @!p0 $0x88, s6;
	s7 =	simm.s32 @p2 $0x1082  }
0x22: {  	[simem:s7], [sflag:s8] =	dma.local @!p0 [hbm:s6], $0xF7A  }
0x23: {  	s9 =	sor.u32 $0xD0000000, s2;
	s6 =	simm.s32 $0x108;
	_ =	swait.ge @!p0 [sflag:s8], $0x0  }
0x24: {  	s3 =	sadd.s32 $0x88, s3;
	s6 =	simm.s32 @!p1 $0x1082;
	[sflag:s4] =	ssyncset.s32 $0xFFFFF086  }
0x25: {  	[simem:s6], [sflag:s4] =	dma.local [hbm:s3], $0xF7A  }
0x26: {  	[smem:$0x3F96] =	sst s1;
	(tag) =	ssettag s2;
	_ =	strace s9  }
0x27: {  	s1 =	sld [smem:$0x3FA6]  }
0x28: {  	s2 =	sld [smem:$0x3FA7]  }
0x29: {  	s4 =	sld [smem:$0x3FA9]  }
0x2a: {  	p0 =	seq.s32 s5, $0x0;
	s5 =	sld [smem:$0x3FAA]  }
0x2b: {  	s6 =	sld [smem:$0x3FAB]  }
0x2c: {  	s7 =	sld [smem:$0x3FAC]  }
0x2d: {  	s3 =	simm.s32 $0x108;
	s8 =	sld [smem:$0x3FAD]  }
0x2e: {  	s3 =	simm.s32 @!p0 $0x1082;
	s9 =	sld [smem:$0x3FAE]  }
0x2f: {  	lr =	sadd.s32 s0, s3;
	s0 =	sld [smem:$0x3FA5]  }
0x30: {  	s3 =	sld [smem:$0x3FA8]  }
0x31: {  	[smem:$0x3FB1] =	sst s10  }
0x32: {  	s10 =	sld [smem:$0x3FAF];
	_ =	sdelay $0x3  }
0x33: {  	p0 =	seq.s32 s10, $0x1;
	s10 =	sld [smem:$0x3FB1];
	_ =	sdelay $0x3  }
0x34: {  	[smem:$0x3FB1] =	sst s10  }
0x35: {  	s10 =	sld [smem:$0x3FB0];
	_ =	sdelay $0x3  }
0x36: {  	p1 =	seq.s32 s10, $0x1;
	s10 =	sld [smem:$0x3FB1];
	_ =	sdelay $0x3  }
0x37: {  	[smem:$0x3FB1] =	sst s10  }
0x38: {  	s10 =	sld [smem:$0x3FB2]  }
0x39: {  	_ = 	snop;
	(pc) =	sbr.ind lr, $3  }
0x3a: {  	_ = 	snop  }
0x3b: {  	_ = 	snop  }
0x3c: {  	p2 =	seq.s32 s10, $0x1;
	s10 =	sld [smem:$0x3FB1]  }
0x3d: {  	_ =	shalt  }
0x3e: {  	_ =	shalt  }
0x3f: {  	_ =	shalt  }
0x40: {  	_ =	shalt  }
0x41: {  	_ =	shalt  }
0x42: {  	_ =	shalt  }
0x43: {  	_ =	shalt  }
0x44: {  	_ =	shalt  }
0x45: {  	_ =	shalt  }
0x46: {  	_ =	shalt  }
0x47: {  	_ =	shalt  }
0x48: {  	_ =	shalt  }
0x49: {  	_ =	shalt  }
0x4a: {  	_ =	shalt  }
0x4b: {  	_ =	shalt  }
0x4c: {  	_ =	shalt  }
0x4d: {  	_ =	shalt  }
0x4e: {  	_ =	shalt  }
0x4f: {  	_ =	shalt  }
0x50: {  	_ =	shalt  }
0x51: {  	_ =	shalt  }
0x52: {  	_ =	shalt  }
0x53: {  	_ =	shalt  }
0x54: {  	_ =	shalt  }
0x55: {  	_ =	shalt  }
0x56: {  	_ =	shalt  }
0x57: {  	_ =	shalt  }
0x58: {  	_ =	shalt  }
0x59: {  	_ =	shalt  }
0x5a: {  	_ =	shalt  }
0x5b: {  	_ =	shalt  }
0x5c: {  	_ =	shalt  }
0x5d: {  	_ =	shalt  }
0x5e: {  	_ =	shalt  }
0x5f: {  	_ =	shalt  }
0x60: {  	_ =	shalt  }
0x61: {  	_ =	shalt  }
0x62: {  	_ =	shalt  }
0x63: {  	_ =	shalt  }
0x64: {  	_ =	shalt  }
0x65: {  	_ =	shalt  }
0x66: {  	_ =	shalt  }
0x67: {  	_ =	shalt  }
0x68: {  	_ =	shalt  }
0x69: {  	_ =	shalt  }
0x6a: {  	_ =	shalt  }
0x6b: {  	_ =	shalt  }
0x6c: {  	_ =	shalt  }
0x6d: {  	_ =	shalt  }
0x6e: {  	_ =	shalt  }
0x6f: {  	_ =	shalt  }
0x70: {  	_ =	shalt  }
0x71: {  	_ =	shalt  }
0x72: {  	_ =	shalt  }
0x73: {  	_ =	shalt  }
0x74: {  	_ =	shalt  }
0x75: {  	_ =	shalt  }
0x76: {  	_ =	shalt  }
0x77: {  	_ =	shalt  }
0x78: {  	_ =	shalt  }
0x79: {  	_ =	shalt  }
0x7a: {  	_ =	shalt  }
0x7b: {  	_ =	shalt  }
0x7c: {  	_ =	shalt  }
0x7d: {  	_ =	shalt  }
0x7e: {  	_ =	shalt  }
0x7f: {  	_ =	shalt  }
0x80: {  	_ =	shalt  }
0x81: {  	_ =	shalt  }
0x82: {  	_ =	shalt  }
0x83: {  	_ =	shalt  }
0x84: {  	_ =	shalt  }
0x85: {  	_ =	shalt  }
0x86: {  	_ =	shalt  }
0x87: {  	_ =	shalt  }
.Lfunc_end0:
.L_simem_size_0:
called_computation.1_lowered:
.L_overlay_start_0:
0x88: {  	s2 =	sld [smem:$0x3FD9]  }
0x89: {  	s3 =	sld [smem:$0x3FFE];
	_ =	sdelay $0x1  }
0x8a: {  	s1 =	srdreg.scid  }
0x8b: {  	s0 =	sand.u32 $0x1, s1  }
0x8c: {  	s16 =	sshll.u32 s0, $0xA;
	s2 =	sadd.s32 s3, s2  }
0x8d: {  	s2 =	sadd.s32 s2, s16  }
0x8e: {  	[smem:$0x3FBD] =	sst s2  }
0x8f: {  	_ = 	snop  }
0x90: {  	(tm) =	ssettm $0x1  }
0x91: {  	s17 =	sld [smem:$0x3FFB];
	_ =	sdelay $0x3  }
0x92: {  	_ =	strace s17  }
0x93: {  	s2 =	sld [smem:$0x3FFC];
	_ =	sdelay $0x3  }
0x94: {  	_ =	strace s2  }
0x95: {  	s2 =	sld [smem:$0x3FFD];
	_ =	sdelay $0x3  }
0x96: {  	_ =	strace s2  }
0x97: {  	_ =	strace $0x8FFFFFFF  }
0x98: {  	s18 =	sld [smem:$0x3FDB];
	_ =	sdelay $0x1  }
0x99: {  	s19 =	simm.s32 $_scs_section_size  }
0x9a: {  	s4 =	simm.s32 $_size__tile_overlayer_lowered;
	s5 =	simm.s32 $_tile_overlayer_lowered  }
0x9b: {  	s22 =	simm.s32 $0x1BFF;
	s21 =	sshll.u32 s5, $0x1;
	s2 =	sadd.s32 s19, s18  }
0x9c: {  	s6 =	simm.s32 $0x0;
	s20 =	sshll.u32 s4, $0x1;
	s4 =	sadd.s32 s21, s2  }
0x9d: {  	[timem:s6], [sflag:s22] =	dma.local [hbm:s4], s20  }
0x9e: {  	_ =	swait.ge [sflag:s22], s20  }
0x9f: {  	s3 =	ssub.s32 $0x0, s20;
	[sflag:s22] =	ssyncset.done $0x0  }
0xa0: {  	[sflag:s22] =	ssyncadd.s32 s3;
	_ =	sdelay $0x1  }
0xa1: {  	s23 =	simm.s32 $0x1B8B  }
0xa2: {  	_ =	swait.ge [sflag:s23], $0x1  }
0xa3: {  	[sflag:s23] =	ssyncset.done $0x0  }
0xa4: {  	s25 =	simm.s32 $0x1B8E;
	s24 =	sld [smem:$0x3FFE];
	[sflag:s23] =	ssyncadd.s32 $0xFFFFFFFF  }
0xa5: {  	s26 =	simm.s32 $execute0_lowered;
	[smem:$0x3FD2] =	sst s25  }
0xa6: {  	s4 =	sshll.u32 s26, $0x1;
	_ =	strace $0x80000046;
	[dreg:$0x1] =	wrdreg $0xFFFFFFFF  }
0xa7: {  	s28 =	simm.s32 $_size_execute0_lowered;
	s2 =	sadd.s32 s2, s4;
	[dreg:$0x0] =	wrdreg $0x0  }
0xa8: {  	s4 =	sshll.u32 s28, $0x1;
	[dreg:$0x2] =	wrdreg s2  }
0xa9: {  	[dreg:$0x3] =	wrdreg s4  }
0xaa: {  	[dreg:$0x4] =	wrdreg $0xC0  }
0xab: {  	_ =	task [dreg:s6], $0x5FFFF  }
0xac: {  	[dreg:$0x1] =	wrdreg $0xFFFFFFFF  }
0xad: {  	[dreg:$0x0] =	wrdreg $0x60  }
0xae: {  	[dreg:$0x2] =	wrdreg s24  }
0xaf: {  	[dreg:$0x3] =	wrdreg $0x0  }
0xb0: {  	[dreg:$0x4] =	wrdreg $0xA  }
0xb1: {  	_ =	task.clear_ibuf [dreg:s6], $0x5FFFF;
	_ =	strace $0x90000046  }
0xb2: {  	s29 =	simm.s32 $0xA;
	_ =	strace $0x80000048  }
0xb3: {  	_ =	swait.ge [sflag:s29], $0x1  }
0xb4: {  	[sflag:s29] =	ssyncadd.s32 $0xFFFFFFFF  }
0xb5: {  	_ =	strace $0x90000048  }
0xb6: {  	_ =	sfence  }
0xb7: {  	s30 =	sld [smem:$0x0];
	_ =	sdelay $0x2  }
0xb8: {  	s31 =	sshll.u32 s1, $0xD;
	s1 =	sshrl.u32 s1, $0x2  }
0xb9: {  	s3 =	sand.u32 $0x4000, s31;
	s1 =	sadd.s32 s1, s30  }
0xba: {  	s0 =	sor.u32 s3, s0;
	s1 =	sshll.u32 s1, $0x11  }
0xbb: {  	s0 =	sor.u32 s1, s0  }
0xbc: {  	s0 =	sadd.s32 $0x8F2B, s0  }
0xbd: {  	[sflag:s0] =	ssyncadd.remote.s32 $0x1  }
0xbe: {  	_ =	sfence.sel $0xFFFF  }
0xbf: {  	[dreg:$0x0] =	wrdreg $0xFFFFFFFF;
	(pc) =	sbr.abs _section_cstart, $3  }
0xc0: {  	[dreg:$0x1] =	wrdreg $0xFFFFFFFF  }
0xc1: {  	_ =	task.clear_ibuf [dreg:s6], $0x2FFFF;
	_ =	strace $0x9FFFFFFF  }
0xc2: {  	(tm) =	ssettm $0x7FFFFFFF  }
0xc3: {  	_ =	shalt  }
tec
execute0_lowered:
.L_overlay_start_1:
0x0: {  	(tag) =	ssettag $0x1  }
0x1: {  	s6 =	rddreg [dreg:$0x0]  }
0x2: {  	s0 =	srdreg.scid;
	s2 =	rddreg [dreg:$0x1]  }
0x3: {  	s1 =	stileid.u32;
	s3 =	simm.s32 $0x0;
	s16 =	simm.s32 $0x14000  }
0x4: {  	s17 =	simm.s32 $0x16800;
	s18 =	simm.s32 $0x16C00;
	s19 =	simm.s32 $0x1  }
0x5: {  	s20 =	simm.s32 $0x80;
	s21 =	simm.s32 $0x17000;
	s22 =	simm.s32 $0x2  }
0x6: {  	s23 =	simm.s32 $0x3;
	s28 =	simm.s32 $0x16780;
	s29 =	simm.s32 $0x0  }
0x7: {  	s0 =	sand.u32 $0x1, s0;
	[smem:$0x7FF] =	sst s3;
	s7 =	smul.u32 $0x2800, s1  }
0x8: {  	s11 =	sadd.s32 $0x2B400, s6;
	s5 =	sadd.s32 $0x53400, s6;
	s12 =	smul.u32 $0x50000, s1  }
0x9: {  	s26 =	smul.u32 $0x50, s1;
	s31 =	sshll.u32 s1, $0x6;
	s4 =	sshll.u32 s0, $0x4  }
0xa: {  	_ =	strace $0x80000047;
	s9 =	smul.u32 $0x28000, s0;
	s24 =	ssub.s32 $0x2, s0  }
0xb: {  	s0 =	smul.u32 $0x500, s0;
	s4 =	sor.u32 s1, s4;
	s25 =	sshrl.u32 s24, $0x1  }
0xc: {  	s30 =	sshrl.u32 s12, $0x2;
	s8 =	smul.u32 $0x500, s4;
	s4 =	sadd.s32 $0x4200, s6  }
0xd: {  	s7 =	sadd.s32 s7, s9;
	s14 =	ssub.s32 s24, s25;
	s15 =	sadd.s32 s30, s2  }
0xe: {  	s0 =	sadd.s32 s26, s0;
	s24 =	simm.s32 $0x1B000;
	s25 =	simm.s32 $0x4  }
0xf: {  	s26 =	simm.s32 $0x16700;
	s13 =	sadd.s32 s7, s6;
	s0 =	sshll.u32 s0, $0x4  }
0x10: {  	s10 =	sadd.s32 s8, s6;
	s6 =	sor.u32 $0x1C05, s31;
	s8 =	sadd.s32 s11, s8  }
0x11: {  	s0 =	sadd.s32 s0, s11;
	s11 =	smax.u32 s14, $0x1;
	s14 =	sshrl.u32 s15, $0x3  }
0x12: {  	s15 =	simm.s32 $0x5;
	s7 =	sadd.s32 $0x35400, s10;
	s9 =	sadd.s32 $0x10, s8  }
0x13: {  	s10 =	sadd.s32 $0x55C00, s13;
	s12 =	sadd.s32 $0x30, s0;
	s13 =	sadd.s32 $0x20, s0  }
.LBB2_1:
0x14: {  	[spmem:s14], [sflag:s6] =	dma.local [hbm:s5], $0x2800  }
0x15: {  	_ =	swait.ge [sflag:s15], $0x2800  }
0x16: {  	[sflag:s15] =	ssyncset.done $0x0  }
0x17: {  	[sflag:s15] =	ssyncadd.s32 $0xFFFFD800  }
0x18: {  	[tilespmem:s16], [sflag:$0x5] =	stream.linear.gather [hbm4b:s7+s3], $0x2800, $0x38;
	[tilespmem:$0x1F000] =	vst v63  }
0x19: {  	_ =	swait.ge [sflag:s15], $0x2800  }
0x1a: {  	[sflag:s15] =	ssyncset.done $0x0  }
0x1b: {  	[sflag:s15] =	ssyncadd.s32 $0xFFFFD800  }
0x1c: {  	[bflag:$0x0] =	sbarrier.arrive $0xFFFF  }
0x1d: {  	[tilespmem:s17], [sflag:$0x1] =	stream.linear.gather [hbm4b:s8+s3], $0x80, $0x38;
	[tilespmem:$0x1F000] =	vst v63  }
0x1e: {  	_ = 	snop  }
0x1f: {  	[tilespmem:s18], [sflag:$0x2] =	stream.linear.gather [hbm4b:s9+s3], $0x80, $0x38;
	[tilespmem:$0x1F000] =	vst v63  }
0x20: {  	_ =	swait.ge [sflag:s19], $0x80  }
0x21: {  	[sflag:s19] =	ssyncset.done $0x0  }
0x22: {  	[sflag:s19] =	ssyncadd.s32 $0xFFFFFF80  }
0x23: {  	[tilespmem:s21], [sflag:$0x3] =	stream.indirect.gather [hbm4b:s4+s20], $0x80, s17, s20, $0xb8;
	[tilespmem:$0x1F000] =	vst v63  }
0x24: {  	_ =	swait.ge [sflag:s22], $0x80  }
0x25: {  	[sflag:s22] =	ssyncset.done $0x0  }
0x26: {  	[sflag:s22] =	ssyncadd.s32 $0xFFFFFF80  }
0x27: {  	_ =	swait.ge [sflag:s23], $0x4000  }
0x28: {  	[sflag:s23] =	ssyncset.done $0x0  }
0x29: {  	[sflag:s23] =	ssyncadd.s32 $0xFFFFC000  }
0x2a: {  	[tilespmem:s24], [sflag:$0x4] =	stream.indirect.gather [hbm4b:s4+s20], $0x80, s18, s20, $0xb8;
	[tilespmem:$0x1F000] =	vst v63  }
0x2b: {  	s0 =	simm.s32 $0x14000  }
0x2c: {  	[spmem:s2] =	stream.indirect.scatter.add.f32 [tilespmem:s21], [sflag:$0x5], $0x80, s0, s20, $0xb8;
	[tilespmem:$0x1F000] =	vst v63  }
0x2d: {  	_ =	swait.ge [sflag:s15], $0x4000  }
0x2e: {  	[sflag:s15] =	ssyncset.done $0x0  }
0x2f: {  	s1 =	sadd.s32 $0x0, s13;
	[sflag:s15] =	ssyncadd.s32 $0xFFFFC000  }
0x30: {  	[tilespmem:s17], [sflag:$0x1] =	stream.linear.gather [hbm4b:s1+s3], $0x80, $0x38;
	[tilespmem:$0x1F000] =	vst v63  }
0x31: {  	_ =	swait.ge [sflag:s19], $0x80  }
0x32: {  	[sflag:s19] =	ssyncset.done $0x0  }
0x33: {  	[sflag:s19] =	ssyncadd.s32 $0xFFFFFF80  }
0x34: {  	_ =	swait.ge [sflag:s25], $0x4000  }
0x35: {  	[sflag:s25] =	ssyncset.done $0x0  }
0x36: {  	[sflag:s25] =	ssyncadd.s32 $0xFFFFC000  }
0x37: {  	[tilespmem:s21], [sflag:$0x3] =	stream.indirect.gather [hbm4b:s4+s20], $0x80, s17, s20, $0xb8;
	[tilespmem:$0x1F000] =	vst v63  }
0x38: {  	s1 =	simm.s32 $0x14080  }
0x39: {  	[spmem:s2] =	stream.indirect.scatter.add.f32 [tilespmem:s24], [sflag:$0x5], $0x80, s1, s20, $0xb8;
	[tilespmem:$0x1F000] =	vst v63  }
0x3a: {  	_ =	swait.ge [sflag:s15], $0x4000  }
0x3b: {  	s30 =	simm.s32 $0x20;
	[sflag:s15] =	ssyncset.done $0x0  }
0x3c: {  	s31 =	simm.s32 $0x14180;
	s0 =	sadd.s32 $0x0, s12;
	[sflag:s15] =	ssyncadd.s32 $0xFFFFC000  }
.LBB2_2:
0x3d: {  	[tilespmem:s18], [sflag:$0x2] =	stream.linear.gather [hbm4b:s0+s3], $0x80, $0x38;
	[tilespmem:$0x1F000] =	vst v63  }
0x3e: {  	s0 =	smov.u32 s30  }
0x3f: {  	p0 =	sne.s32 s30, $0x4C0;
	s30 =	sadd.s32 $0x20, s30;
	_ =	swait.ge [sflag:s22], $0x80  }
0x40: {  	[sflag:s22] =	ssyncset.done $0x0  }
0x41: {  	[sflag:s22] =	ssyncadd.s32 $0xFFFFFF80  }
0x42: {  	_ =	swait.ge [sflag:s23], $0x4000  }
0x43: {  	[sflag:s23] =	ssyncset.done $0x0  }
0x44: {  	[sflag:s23] =	ssyncadd.s32 $0xFFFFC000  }
0x45: {  	[tilespmem:s24], [sflag:$0x4] =	stream.indirect.gather [hbm4b:s4+s20], $0x80, s18, s20, $0xb8;
	[tilespmem:$0x1F000] =	vst v63  }
0x46: {  	s1 =	sadd.s32 $0xFFFFFF80, s31  }
0x47: {  	[spmem:s2] =	stream.indirect.scatter.add.f32 [tilespmem:s21], [sflag:$0x5], $0x80, s1, s20, $0xb8;
	[tilespmem:$0x1F000] =	vst v63  }
0x48: {  	_ =	swait.ge [sflag:s15], $0x4000  }
0x49: {  	[sflag:s15] =	ssyncset.done $0x0  }
0x4a: {  	s1 =	sadd.s32 s0, s13;
	[sflag:s15] =	ssyncadd.s32 $0xFFFFC000  }
0x4b: {  	[tilespmem:s17], [sflag:$0x1] =	stream.linear.gather [hbm4b:s1+s3], $0x80, $0x38;
	[tilespmem:$0x1F000] =	vst v63  }
0x4c: {  	_ =	swait.ge [sflag:s19], $0x80  }
0x4d: {  	[sflag:s19] =	ssyncset.done $0x0  }
0x4e: {  	[sflag:s19] =	ssyncadd.s32 $0xFFFFFF80  }
0x4f: {  	_ =	swait.ge [sflag:s25], $0x4000  }
0x50: {  	[sflag:s25] =	ssyncset.done $0x0  }
0x51: {  	[sflag:s25] =	ssyncadd.s32 $0xFFFFC000  }
0x52: {  	[tilespmem:s21], [sflag:$0x3] =	stream.indirect.gather [hbm4b:s4+s20], $0x80, s17, s20, $0xb8;
	[tilespmem:$0x1F000] =	vst v63  }
.Ltmp0:
0x53: {  	(pc) =	sbr.rel @p0 .LBB2_2-.Ltmp0, $4  }
0x54: {  	[spmem:s2] =	stream.indirect.scatter.add.f32 [tilespmem:s24], [sflag:$0x5], $0x80, s31, s20, $0xb8;
	[tilespmem:$0x1F000] =	vst v63  }
0x55: {  	_ =	swait.ge [sflag:s15], $0x4000  }
0x56: {  	[sflag:s15] =	ssyncset.done $0x0  }
0x57: {  	s0 =	sadd.s32 s0, s12;
	s31 =	sadd.s32 $0x100, s31;
	[sflag:s15] =	ssyncadd.s32 $0xFFFFC000  }
0x58: {  	[tilespmem:s18], [sflag:$0x2] =	stream.linear.gather [hbm4b:s0+s3], $0x80, $0x38;
	[tilespmem:$0x1F000] =	vst v63  }
0x59: {  	_ =	swait.ge [sflag:s22], $0x80  }
0x5a: {  	[sflag:s22] =	ssyncset.done $0x0  }
0x5b: {  	[sflag:s22] =	ssyncadd.s32 $0xFFFFFF80  }
0x5c: {  	_ =	swait.ge [sflag:s23], $0x4000  }
0x5d: {  	[sflag:s23] =	ssyncset.done $0x0  }
0x5e: {  	[sflag:s23] =	ssyncadd.s32 $0xFFFFC000  }
0x5f: {  	[tilespmem:s24], [sflag:$0x4] =	stream.indirect.gather [hbm4b:s4+s20], $0x80, s18, s20, $0xb8;
	[tilespmem:$0x1F000] =	vst v63  }
0x60: {  	_ = 	snop  }
0x61: {  	[spmem:s2] =	stream.indirect.scatter.add.f32 [tilespmem:s21], [sflag:$0x5], $0x80, s26, s20, $0xb8;
	[tilespmem:$0x1F000] =	vst v63  }
0x62: {  	_ =	swait.ge [sflag:s15], $0x4000  }
0x63: {  	[sflag:s15] =	ssyncset.done $0x0  }
0x64: {  	[sflag:s15] =	ssyncadd.s32 $0xFFFFC000  }
0x65: {  	_ =	swait.ge [sflag:s25], $0x4000  }
0x66: {  	[sflag:s25] =	ssyncset.done $0x0  }
0x67: {  	[sflag:s25] =	ssyncadd.s32 $0xFFFFC000  }
0x68: {  	[spmem:s2] =	stream.indirect.scatter.add.f32 [tilespmem:s24], [sflag:$0x5], $0x80, s28, s20, $0xb8;
	[tilespmem:$0x1F000] =	vst v63  }
0x69: {  	_ =	swait.ge [sflag:s15], $0x4000  }
0x6a: {  	s29 =	sadd.s32 $0x1, s29;
	[sflag:s15] =	ssyncset.done $0x0  }
0x6b: {  	p0 =	sne.s32 s29, s11;
	[sflag:s15] =	ssyncadd.s32 $0xFFFFC000  }
.Ltmp1:
0x6c: {  	[bflag:$0x0] =	sbarrier.arrive $0xFFFF;
	(pc) =	sbr.rel @p0 .LBB2_1-.Ltmp1, $4  }
0x6d: {  	[hbm:s10], [sflag:s6] =	dma.local [spmem:s14], $0x2800  }
0x6e: {  	_ =	swait.ge [sflag:s15], $0x2800  }
0x6f: {  	[sflag:s15] =	ssyncset.done $0x0  }
0x70: {  	[sflag:s15] =	ssyncadd.s32 $0xFFFFD800  }
0x71: {  	_ =	sfence.sel $0x180000  }
0x72: {  	[bflag:$0x0] =	sbarrier.arrive $0xFFFF  }
0x73: {  	_ =	strace $0x90000047  }
0x74: {  	s0 =	stileid.u32;
	[bflag:$0x2] =	sbarrier.arrive $0xFFFF  }
0x75: {  	p0 =	sne.s32 s0, $0x0;
	s0 =	rddreg [dreg:$0x2]  }
0x76: {  	s0 =	sadd.s32 @!p0 $0x100000, s0  }
0x77: {  	[sflag:s0] =	ssyncadd.tile.s32 @!p0 $0x1;
	_ =	shalt  }
.Lfunc_end2:
_tile_overlayer_lowered:
.L_overlay_start_2:
0x78: {  	(tag) =	ssettag $0x2  }
0x79: {  	s0 =	rddreg [dreg:$0x0];
	s2 =	stileid.u32  }
0x7a: {  	s1 =	rddreg [dreg:$0x1];
	p0 =	sne.s32 s2, $0x0  }
0x7b: {  	s3 =	rddreg [dreg:$0x2];
	[bflag:$0x3] =	sbarrier.arrive $0xFFFF;
	s2 =	simm.s32 @!p0 $0x1C05  }
0x7c: {  	[timem:s3], [sflag:s2] =	dma.local @!p0 [hbm:s0], s1  }
0x7d: {  	s0 =	simm.s32 @!p0 $0x5  }
0x7e: {  	_ =	swait.ge @!p0 [sflag:s0], s1  }
0x7f: {  	s1 =	ssub.s32 @!p0 $0x0, s1;
	[sflag:s0] =	ssyncset.done @!p0 $0x0  }
0x80: {  	[sflag:s0] =	ssyncadd.s32 @!p0 s1  }
0x81: {  	[bflag:$0x3] =	sbarrier.arrive $0xFFFF  }
0x82: {  	_ =	shalt  }

// kernel: kernel.18.cloned.1.call-start
scs
__scs_entry_jumppad:
0x0: {  	(pc) =	sbr.rel $0x88, $3  }
0x1: {  	(tag) =	ssettag $0x0;
	lr =	simm.s32 $0x1  }
0x2: {  	[smem:$0x3F96] =	sst lr;
	_ =	strace $0xD0000000  }
0x3: {  	_ = 	snop  }
0x4: {  	_ = 	snop  }
0x5: {  	_ = 	snop  }
0x6: {  	_ = 	snop  }
0x7: {  	_ = 	snop  }
__scs_overlays_trampoline_lowered:
0x8: {  	[smem:$0x3FA5] =	sst s0  }
0x9: {  	[smem:$0x3FA6] =	sst s1  }
0xa: {  	[smem:$0x3FA7] =	sst s2  }
0xb: {  	[smem:$0x3FA8] =	sst s3  }
0xc: {  	[smem:$0x3FA9] =	sst s4  }
0xd: {  	[smem:$0x3FAA] =	sst s5  }
0xe: {  	[smem:$0x3FAB] =	sst s6  }
0xf: {  	[smem:$0x3FAC] =	sst s7  }
0x10: {  	[smem:$0x3FAD] =	sst s8  }
0x11: {  	[smem:$0x3FAE] =	sst s9;
	s0 =	simm.s32 @!p0 $0x0  }
0x12: {  	s1 =	sld [smem:$0x3F94];
	s0 =	simm.s32 @p0 $0x1  }
0x13: {  	[smem:$0x3FAF] =	sst s0;
	s0 =	simm.s32 @!p1 $0x0  }
0x14: {  	s2 =	sld [smem:$0x3F93];
	s0 =	simm.s32 @p1 $0x1  }
0x15: {  	[smem:$0x3FB0] =	sst s0;
	s0 =	simm.s32 @!p2 $0x0  }
0x16: {  	s3 =	sld [smem:$0x3FDB];
	s0 =	simm.s32 @p2 $0x1  }
0x17: {  	s4 =	simm.s32 $0x1BF5;
	[smem:$0x3FB2] =	sst s0  }
0x18: {  	s0 =	sld [smem:$0x3F95];
	_ =	swait.ge [sflag:s4], $0x0  }
0x19: {  	s7 =	sld [smem:$0x3F96]  }
0x1a: {  	s8 =	sadd.s32 $0xFFFFE003, lr  }
0x1b: {  	s9 =	sadd.s32 $0xFFFFFEF7, lr;
	s5 =	simm.s32 $0xFFFFFFFF;
	p2 =	slt.u32 s8, $0xFFFFF086  }
0x1c: {  	p1 =	slt.u32 s9, $0xF7A;
	s5 =	simm.s32 @!p2 $0x0  }
0x1d: {  	s5 =	simm.s32 @p1 $0x1;
	p0 =	seq.s32 s7, s2  }
0x1e: {  	s7 =	smul.u32 @!p0 $0xF7A, s2;
	p2 =	seq.s32 @!p0 s5, $0x0  }
0x1f: {  	s9 =	smul.u32 $0xF7A, s1;
	s8 =	simm.s32 @!p0 $0x1BF5;
	p2 =	por !p2, p0  }
0x20: {  	[sflag:s8] =	ssyncset.s32 @!p0 $0xFFFFF086;
	s6 =	sadd.s32 @!p0 s3, s7;
	s7 =	simm.s32 @!p0 $0x108  }
0x21: {  	s3 =	sadd.s32 s3, s9;
	s6 =	sadd.s32 @!p0 $0x88, s6;
	s7 =	simm.s32 @p2 $0x1082  }
0x22: {  	[simem:s7], [sflag:s8] =	dma.local @!p0 [hbm:s6], $0xF7A  }
0x23: {  	s9 =	sor.u32 $0xD0000000, s2;
	s6 =	simm.s32 $0x108;
	_ =	swait.ge @!p0 [sflag:s8], $0x0  }
0x24: {  	s3 =	sadd.s32 $0x88, s3;
	s6 =	simm.s32 @!p1 $0x1082;
	[sflag:s4] =	ssyncset.s32 $0xFFFFF086  }
0x25: {  	[simem:s6], [sflag:s4] =	dma.local [hbm:s3], $0xF7A  }
0x26: {  	[smem:$0x3F96] =	sst s1;
	(tag) =	ssettag s2;
	_ =	strace s9  }
0x27: {  	s1 =	sld [smem:$0x3FA6]  }
0x28: {  	s2 =	sld [smem:$0x3FA7]  }
0x29: {  	s4 =	sld [smem:$0x3FA9]  }
0x2a: {  	p0 =	seq.s32 s5, $0x0;
	s5 =	sld [smem:$0x3FAA]  }
0x2b: {  	s6 =	sld [smem:$0x3FAB]  }
0x2c: {  	s7 =	sld [smem:$0x3FAC]  }
0x2d: {  	s3 =	simm.s32 $0x108;
	s8 =	sld [smem:$0x3FAD]  }
0x2e: {  	s3 =	simm.s32 @!p0 $0x1082;
	s9 =	sld [smem:$0x3FAE]  }
0x2f: {  	lr =	sadd.s32 s0, s3;
	s0 =	sld [smem:$0x3FA5]  }
0x30: {  	s3 =	sld [smem:$0x3FA8]  }
0x31: {  	[smem:$0x3FB1] =	sst s10  }
0x32: {  	s10 =	sld [smem:$0x3FAF];
	_ =	sdelay $0x3  }
0x33: {  	p0 =	seq.s32 s10, $0x1;
	s10 =	sld [smem:$0x3FB1];
	_ =	sdelay $0x3  }
0x34: {  	[smem:$0x3FB1] =	sst s10  }
0x35: {  	s10 =	sld [smem:$0x3FB0];
	_ =	sdelay $0x3  }
0x36: {  	p1 =	seq.s32 s10, $0x1;
	s10 =	sld [smem:$0x3FB1];
	_ =	sdelay $0x3  }
0x37: {  	[smem:$0x3FB1] =	sst s10  }
0x38: {  	s10 =	sld [smem:$0x3FB2]  }
0x39: {  	_ = 	snop;
	(pc) =	sbr.ind lr, $3  }
0x3a: {  	_ = 	snop  }
0x3b: {  	_ = 	snop  }
0x3c: {  	p2 =	seq.s32 s10, $0x1;
	s10 =	sld [smem:$0x3FB1]  }
0x3d: {  	_ =	shalt  }
0x3e: {  	_ =	shalt  }
0x3f: {  	_ =	shalt  }
0x40: {  	_ =	shalt  }
0x41: {  	_ =	shalt  }
0x42: {  	_ =	shalt  }
0x43: {  	_ =	shalt  }
0x44: {  	_ =	shalt  }
0x45: {  	_ =	shalt  }
0x46: {  	_ =	shalt  }
0x47: {  	_ =	shalt  }
0x48: {  	_ =	shalt  }
0x49: {  	_ =	shalt  }
0x4a: {  	_ =	shalt  }
0x4b: {  	_ =	shalt  }
0x4c: {  	_ =	shalt  }
0x4d: {  	_ =	shalt  }
0x4e: {  	_ =	shalt  }
0x4f: {  	_ =	shalt  }
0x50: {  	_ =	shalt  }
0x51: {  	_ =	shalt  }
0x52: {  	_ =	shalt  }
0x53: {  	_ =	shalt  }
0x54: {  	_ =	shalt  }
0x55: {  	_ =	shalt  }
0x56: {  	_ =	shalt  }
0x57: {  	_ =	shalt  }
0x58: {  	_ =	shalt  }
0x59: {  	_ =	shalt  }
0x5a: {  	_ =	shalt  }
0x5b: {  	_ =	shalt  }
0x5c: {  	_ =	shalt  }
0x5d: {  	_ =	shalt  }
0x5e: {  	_ =	shalt  }
0x5f: {  	_ =	shalt  }
0x60: {  	_ =	shalt  }
0x61: {  	_ =	shalt  }
0x62: {  	_ =	shalt  }
0x63: {  	_ =	shalt  }
0x64: {  	_ =	shalt  }
0x65: {  	_ =	shalt  }
0x66: {  	_ =	shalt  }
0x67: {  	_ =	shalt  }
0x68: {  	_ =	shalt  }
0x69: {  	_ =	shalt  }
0x6a: {  	_ =	shalt  }
0x6b: {  	_ =	shalt  }
0x6c: {  	_ =	shalt  }
0x6d: {  	_ =	shalt  }
0x6e: {  	_ =	shalt  }
0x6f: {  	_ =	shalt  }
0x70: {  	_ =	shalt  }
0x71: {  	_ =	shalt  }
0x72: {  	_ =	shalt  }
0x73: {  	_ =	shalt  }
0x74: {  	_ =	shalt  }
0x75: {  	_ =	shalt  }
0x76: {  	_ =	shalt  }
0x77: {  	_ =	shalt  }
0x78: {  	_ =	shalt  }
0x79: {  	_ =	shalt  }
0x7a: {  	_ =	shalt  }
0x7b: {  	_ =	shalt  }
0x7c: {  	_ =	shalt  }
0x7d: {  	_ =	shalt  }
0x7e: {  	_ =	shalt  }
0x7f: {  	_ =	shalt  }
0x80: {  	_ =	shalt  }
0x81: {  	_ =	shalt  }
0x82: {  	_ =	shalt  }
0x83: {  	_ =	shalt  }
0x84: {  	_ =	shalt  }
0x85: {  	_ =	shalt  }
0x86: {  	_ =	shalt  }
0x87: {  	_ =	shalt  }
.Lfunc_end0:
.L_simem_size_0:
called_computation.2_lowered:
.L_overlay_start_0:
0x88: {  	s2 =	sld [smem:$0x3FD9]  }
0x89: {  	s3 =	sld [smem:$0x3FFE];
	_ =	sdelay $0x1  }
0x8a: {  	s1 =	srdreg.scid  }
0x8b: {  	s0 =	sand.u32 $0x1, s1  }
0x8c: {  	s16 =	sshll.u32 s0, $0xA;
	s2 =	sadd.s32 s3, s2  }
0x8d: {  	s2 =	sadd.s32 s2, s16  }
0x8e: {  	[smem:$0x3FBD] =	sst s2  }
0x8f: {  	_ = 	snop  }
0x90: {  	(tm) =	ssettm $0x1  }
0x91: {  	s17 =	sld [smem:$0x3FFB];
	_ =	sdelay $0x3  }
0x92: {  	_ =	strace s17  }
0x93: {  	s2 =	sld [smem:$0x3FFC];
	_ =	sdelay $0x3  }
0x94: {  	_ =	strace s2  }
0x95: {  	s2 =	sld [smem:$0x3FFD];
	_ =	sdelay $0x3  }
0x96: {  	_ =	strace s2  }
0x97: {  	_ =	strace $0x8FFFFFFF  }
0x98: {  	s18 =	sld [smem:$0x3FDB];
	_ =	sdelay $0x1  }
0x99: {  	s19 =	simm.s32 $_scs_section_size  }
0x9a: {  	s4 =	simm.s32 $_size__tile_overlayer_lowered;
	s5 =	simm.s32 $_tile_overlayer_lowered  }
0x9b: {  	s22 =	simm.s32 $0x1BFF;
	s21 =	sshll.u32 s5, $0x1;
	s2 =	sadd.s32 s19, s18  }
0x9c: {  	s6 =	simm.s32 $0x0;
	s20 =	sshll.u32 s4, $0x1;
	s4 =	sadd.s32 s21, s2  }
0x9d: {  	[timem:s6], [sflag:s22] =	dma.local [hbm:s4], s20  }
0x9e: {  	_ =	swait.ge [sflag:s22], s20  }
0x9f: {  	s3 =	ssub.s32 $0x0, s20;
	[sflag:s22] =	ssyncset.done $0x0  }
0xa0: {  	[sflag:s22] =	ssyncadd.s32 s3;
	_ =	sdelay $0x1  }
0xa1: {  	s23 =	simm.s32 $0x1B8B  }
0xa2: {  	_ =	swait.ge [sflag:s23], $0x1  }
0xa3: {  	[sflag:s23] =	ssyncset.done $0x0  }
0xa4: {  	s25 =	simm.s32 $0x1B8E;
	s24 =	sld [smem:$0x3FFE];
	[sflag:s23] =	ssyncadd.s32 $0xFFFFFFFF  }
0xa5: {  	s26 =	simm.s32 $execute0_lowered;
	[smem:$0x3FD2] =	sst s25  }
0xa6: {  	s4 =	sshll.u32 s26, $0x1;
	_ =	strace $0x8000004C;
	[dreg:$0x1] =	wrdreg $0xFFFFFFFF  }
0xa7: {  	s28 =	simm.s32 $_size_execute0_lowered;
	s2 =	sadd.s32 s2, s4;
	[dreg:$0x0] =	wrdreg $0x0  }
0xa8: {  	s4 =	sshll.u32 s28, $0x1;
	[dreg:$0x2] =	wrdreg s2  }
0xa9: {  	[dreg:$0x3] =	wrdreg s4  }
0xaa: {  	[dreg:$0x4] =	wrdreg $0xC0  }
0xab: {  	_ =	task [dreg:s6], $0x5FFFF  }
0xac: {  	[dreg:$0x1] =	wrdreg $0xFFFFFFFF  }
0xad: {  	[dreg:$0x0] =	wrdreg $0x60  }
0xae: {  	[dreg:$0x2] =	wrdreg s24  }
0xaf: {  	[dreg:$0x3] =	wrdreg $0x0  }
0xb0: {  	[dreg:$0x4] =	wrdreg $0x9  }
0xb1: {  	_ =	task.clear_ibuf [dreg:s6], $0x5FFFF;
	_ =	strace $0x9000004C  }
0xb2: {  	s29 =	simm.s32 $0x9;
	_ =	strace $0x8000004E  }
0xb3: {  	_ =	swait.ge [sflag:s29], $0x1  }
0xb4: {  	[sflag:s29] =	ssyncadd.s32 $0xFFFFFFFF  }
0xb5: {  	_ =	strace $0x9000004E  }
0xb6: {  	_ =	sfence  }
0xb7: {  	s30 =	sld [smem:$0x0];
	_ =	sdelay $0x2  }
0xb8: {  	s31 =	sshll.u32 s1, $0xD;
	s1 =	sshrl.u32 s1, $0x2  }
0xb9: {  	s3 =	sand.u32 $0x4000, s31;
	s1 =	sadd.s32 s1, s30  }
0xba: {  	s0 =	sor.u32 s3, s0;
	s1 =	sshll.u32 s1, $0x11  }
0xbb: {  	s0 =	sor.u32 s1, s0  }
0xbc: {  	s0 =	sadd.s32 $0x8F2B, s0  }
0xbd: {  	[sflag:s0] =	ssyncadd.remote.s32 $0x1  }
0xbe: {  	_ =	sfence.sel $0xFFFF  }
0xbf: {  	[dreg:$0x0] =	wrdreg $0xFFFFFFFF;
	(pc) =	sbr.abs _section_cstart, $3  }
0xc0: {  	[dreg:$0x1] =	wrdreg $0xFFFFFFFF  }
0xc1: {  	_ =	task.clear_ibuf [dreg:s6], $0x2FFFF;
	_ =	strace $0x9FFFFFFF  }
0xc2: {  	(tm) =	ssettm $0x7FFFFFFF  }
0xc3: {  	_ =	shalt  }
tec
execute0_lowered:
.L_overlay_start_1:
0x0: {  	(tag) =	ssettag $0x1  }
0x1: {  	s6 =	rddreg [dreg:$0x0]  }
0x2: {  	s0 =	srdreg.scid;
	s2 =	rddreg [dreg:$0x1]  }
0x3: {  	s1 =	stileid.u32;
	s3 =	simm.s32 $0x0;
	s16 =	simm.s32 $0x14000  }
0x4: {  	s17 =	simm.s32 $0x16800;
	s18 =	simm.s32 $0x16C00;
	s19 =	simm.s32 $0x1  }
0x5: {  	s20 =	simm.s32 $0x80;
	s21 =	simm.s32 $0x17000;
	s22 =	simm.s32 $0x2  }
0x6: {  	s23 =	simm.s32 $0x3;
	s28 =	simm.s32 $0x16780;
	s29 =	simm.s32 $0x0  }
0x7: {  	s0 =	sand.u32 $0x1, s0;
	[smem:$0x7FF] =	sst s3;
	s7 =	smul.u32 $0x2800, s1  }
0x8: {  	s11 =	sadd.s32 $0x49400, s6;
	s5 =	sadd.s32 $0x53400, s6;
	s12 =	smul.u32 $0x50000, s1  }
0x9: {  	s26 =	smul.u32 $0x50, s1;
	s31 =	sshll.u32 s1, $0x6;
	s4 =	sshll.u32 s0, $0x4  }
0xa: {  	_ =	strace $0x8000004D;
	s9 =	smul.u32 $0x28000, s0;
	s24 =	ssub.s32 $0x2, s0  }
0xb: {  	s0 =	smul.u32 $0x500, s0;
	s4 =	sor.u32 s1, s4;
	s25 =	sshrl.u32 s24, $0x1  }
0xc: {  	s30 =	sshrl.u32 s12, $0x2;
	s8 =	smul.u32 $0x500, s4;
	s4 =	sadd.s32 $0x4200, s6  }
0xd: {  	s7 =	sadd.s32 s7, s9;
	s14 =	ssub.s32 s24, s25;
	s15 =	sadd.s32 s30, s2  }
0xe: {  	s0 =	sadd.s32 s26, s0;
	s24 =	simm.s32 $0x1B000;
	s25 =	simm.s32 $0x4  }
0xf: {  	s26 =	simm.s32 $0x16700;
	s13 =	sadd.s32 s7, s6;
	s0 =	sshll.u32 s0, $0x4  }
0x10: {  	s10 =	sadd.s32 s8, s6;
	s6 =	sor.u32 $0x1C05, s31;
	s8 =	sadd.s32 s11, s8  }
0x11: {  	s0 =	sadd.s32 s0, s11;
	s11 =	smax.u32 s14, $0x1;
	s14 =	sshrl.u32 s15, $0x3  }
0x12: {  	s15 =	simm.s32 $0x5;
	s7 =	sadd.s32 $0x3F400, s10;
	s9 =	sadd.s32 $0x10, s8  }
0x13: {  	s10 =	sadd.s32 $0x55C00, s13;
	s12 =	sadd.s32 $0x30, s0;
	s13 =	sadd.s32 $0x20, s0  }
.LBB2_1:
0x14: {  	[spmem:s14], [sflag:s6] =	dma.local [hbm:s5], $0x2800  }
0x15: {  	_ =	swait.ge [sflag:s15], $0x2800  }
0x16: {  	[sflag:s15] =	ssyncset.done $0x0  }
0x17: {  	[sflag:s15] =	ssyncadd.s32 $0xFFFFD800  }
0x18: {  	[tilespmem:s16], [sflag:$0x5] =	stream.linear.gather [hbm4b:s7+s3], $0x2800, $0x38;
	[tilespmem:$0x1F000] =	vst v63  }
0x19: {  	_ =	swait.ge [sflag:s15], $0x2800  }
0x1a: {  	[sflag:s15] =	ssyncset.done $0x0  }
0x1b: {  	[sflag:s15] =	ssyncadd.s32 $0xFFFFD800  }
0x1c: {  	[bflag:$0x0] =	sbarrier.arrive $0xFFFF  }
0x1d: {  	[tilespmem:s17], [sflag:$0x1] =	stream.linear.gather [hbm4b:s8+s3], $0x80, $0x38;
	[tilespmem:$0x1F000] =	vst v63  }
0x1e: {  	_ = 	snop  }
0x1f: {  	[tilespmem:s18], [sflag:$0x2] =	stream.linear.gather [hbm4b:s9+s3], $0x80, $0x38;
	[tilespmem:$0x1F000] =	vst v63  }
0x20: {  	_ =	swait.ge [sflag:s19], $0x80  }
0x21: {  	[sflag:s19] =	ssyncset.done $0x0  }
0x22: {  	[sflag:s19] =	ssyncadd.s32 $0xFFFFFF80  }
0x23: {  	[tilespmem:s21], [sflag:$0x3] =	stream.indirect.gather [hbm4b:s4+s20], $0x80, s17, s20, $0xb8;
	[tilespmem:$0x1F000] =	vst v63  }
0x24: {  	_ =	swait.ge [sflag:s22], $0x80  }
0x25: {  	[sflag:s22] =	ssyncset.done $0x0  }
0x26: {  	[sflag:s22] =	ssyncadd.s32 $0xFFFFFF80  }
0x27: {  	_ =	swait.ge [sflag:s23], $0x4000  }
0x28: {  	[sflag:s23] =	ssyncset.done $0x0  }
0x29: {  	[sflag:s23] =	ssyncadd.s32 $0xFFFFC000  }
0x2a: {  	[tilespmem:s24], [sflag:$0x4] =	stream.indirect.gather [hbm4b:s4+s20], $0x80, s18, s20, $0xb8;
	[tilespmem:$0x1F000] =	vst v63  }
0x2b: {  	s0 =	simm.s32 $0x14000  }
0x2c: {  	[spmem:s2] =	stream.indirect.scatter.add.f32 [tilespmem:s21], [sflag:$0x5], $0x80, s0, s20, $0xb8;
	[tilespmem:$0x1F000] =	vst v63  }
0x2d: {  	_ =	swait.ge [sflag:s15], $0x4000  }
0x2e: {  	[sflag:s15] =	ssyncset.done $0x0  }
0x2f: {  	s1 =	sadd.s32 $0x0, s13;
	[sflag:s15] =	ssyncadd.s32 $0xFFFFC000  }
0x30: {  	[tilespmem:s17], [sflag:$0x1] =	stream.linear.gather [hbm4b:s1+s3], $0x80, $0x38;
	[tilespmem:$0x1F000] =	vst v63  }
0x31: {  	_ =	swait.ge [sflag:s19], $0x80  }
0x32: {  	[sflag:s19] =	ssyncset.done $0x0  }
0x33: {  	[sflag:s19] =	ssyncadd.s32 $0xFFFFFF80  }
0x34: {  	_ =	swait.ge [sflag:s25], $0x4000  }
0x35: {  	[sflag:s25] =	ssyncset.done $0x0  }
0x36: {  	[sflag:s25] =	ssyncadd.s32 $0xFFFFC000  }
0x37: {  	[tilespmem:s21], [sflag:$0x3] =	stream.indirect.gather [hbm4b:s4+s20], $0x80, s17, s20, $0xb8;
	[tilespmem:$0x1F000] =	vst v63  }
0x38: {  	s1 =	simm.s32 $0x14080  }
0x39: {  	[spmem:s2] =	stream.indirect.scatter.add.f32 [tilespmem:s24], [sflag:$0x5], $0x80, s1, s20, $0xb8;
	[tilespmem:$0x1F000] =	vst v63  }
0x3a: {  	_ =	swait.ge [sflag:s15], $0x4000  }
0x3b: {  	s30 =	simm.s32 $0x20;
	[sflag:s15] =	ssyncset.done $0x0  }
0x3c: {  	s31 =	simm.s32 $0x14180;
	s0 =	sadd.s32 $0x0, s12;
	[sflag:s15] =	ssyncadd.s32 $0xFFFFC000  }
.LBB2_2:
0x3d: {  	[tilespmem:s18], [sflag:$0x2] =	stream.linear.gather [hbm4b:s0+s3], $0x80, $0x38;
	[tilespmem:$0x1F000] =	vst v63  }
0x3e: {  	s0 =	smov.u32 s30  }
0x3f: {  	p0 =	sne.s32 s30, $0x4C0;
	s30 =	sadd.s32 $0x20, s30;
	_ =	swait.ge [sflag:s22], $0x80  }
0x40: {  	[sflag:s22] =	ssyncset.done $0x0  }
0x41: {  	[sflag:s22] =	ssyncadd.s32 $0xFFFFFF80  }
0x42: {  	_ =	swait.ge [sflag:s23], $0x4000  }
0x43: {  	[sflag:s23] =	ssyncset.done $0x0  }
0x44: {  	[sflag:s23] =	ssyncadd.s32 $0xFFFFC000  }
0x45: {  	[tilespmem:s24], [sflag:$0x4] =	stream.indirect.gather [hbm4b:s4+s20], $0x80, s18, s20, $0xb8;
	[tilespmem:$0x1F000] =	vst v63  }
0x46: {  	s1 =	sadd.s32 $0xFFFFFF80, s31  }
0x47: {  	[spmem:s2] =	stream.indirect.scatter.add.f32 [tilespmem:s21], [sflag:$0x5], $0x80, s1, s20, $0xb8;
	[tilespmem:$0x1F000] =	vst v63  }
0x48: {  	_ =	swait.ge [sflag:s15], $0x4000  }
0x49: {  	[sflag:s15] =	ssyncset.done $0x0  }
0x4a: {  	s1 =	sadd.s32 s0, s13;
	[sflag:s15] =	ssyncadd.s32 $0xFFFFC000  }
0x4b: {  	[tilespmem:s17], [sflag:$0x1] =	stream.linear.gather [hbm4b:s1+s3], $0x80, $0x38;
	[tilespmem:$0x1F000] =	vst v63  }
0x4c: {  	_ =	swait.ge [sflag:s19], $0x80  }
0x4d: {  	[sflag:s19] =	ssyncset.done $0x0  }
0x4e: {  	[sflag:s19] =	ssyncadd.s32 $0xFFFFFF80  }
0x4f: {  	_ =	swait.ge [sflag:s25], $0x4000  }
0x50: {  	[sflag:s25] =	ssyncset.done $0x0  }
0x51: {  	[sflag:s25] =	ssyncadd.s32 $0xFFFFC000  }
0x52: {  	[tilespmem:s21], [sflag:$0x3] =	stream.indirect.gather [hbm4b:s4+s20], $0x80, s17, s20, $0xb8;
	[tilespmem:$0x1F000] =	vst v63  }
.Ltmp0:
0x53: {  	(pc) =	sbr.rel @p0 .LBB2_2-.Ltmp0, $4  }
0x54: {  	[spmem:s2] =	stream.indirect.scatter.add.f32 [tilespmem:s24], [sflag:$0x5], $0x80, s31, s20, $0xb8;
	[tilespmem:$0x1F000] =	vst v63  }
0x55: {  	_ =	swait.ge [sflag:s15], $0x4000  }
0x56: {  	[sflag:s15] =	ssyncset.done $0x0  }
0x57: {  	s0 =	sadd.s32 s0, s12;
	s31 =	sadd.s32 $0x100, s31;
	[sflag:s15] =	ssyncadd.s32 $0xFFFFC000  }
0x58: {  	[tilespmem:s18], [sflag:$0x2] =	stream.linear.gather [hbm4b:s0+s3], $0x80, $0x38;
	[tilespmem:$0x1F000] =	vst v63  }
0x59: {  	_ =	swait.ge [sflag:s22], $0x80  }
0x5a: {  	[sflag:s22] =	ssyncset.done $0x0  }
0x5b: {  	[sflag:s22] =	ssyncadd.s32 $0xFFFFFF80  }
0x5c: {  	_ =	swait.ge [sflag:s23], $0x4000  }
0x5d: {  	[sflag:s23] =	ssyncset.done $0x0  }
0x5e: {  	[sflag:s23] =	ssyncadd.s32 $0xFFFFC000  }
0x5f: {  	[tilespmem:s24], [sflag:$0x4] =	stream.indirect.gather [hbm4b:s4+s20], $0x80, s18, s20, $0xb8;
	[tilespmem:$0x1F000] =	vst v63  }
0x60: {  	_ = 	snop  }
0x61: {  	[spmem:s2] =	stream.indirect.scatter.add.f32 [tilespmem:s21], [sflag:$0x5], $0x80, s26, s20, $0xb8;
	[tilespmem:$0x1F000] =	vst v63  }
0x62: {  	_ =	swait.ge [sflag:s15], $0x4000  }
0x63: {  	[sflag:s15] =	ssyncset.done $0x0  }
0x64: {  	[sflag:s15] =	ssyncadd.s32 $0xFFFFC000  }
0x65: {  	_ =	swait.ge [sflag:s25], $0x4000  }
0x66: {  	[sflag:s25] =	ssyncset.done $0x0  }
0x67: {  	[sflag:s25] =	ssyncadd.s32 $0xFFFFC000  }
0x68: {  	[spmem:s2] =	stream.indirect.scatter.add.f32 [tilespmem:s24], [sflag:$0x5], $0x80, s28, s20, $0xb8;
	[tilespmem:$0x1F000] =	vst v63  }
0x69: {  	_ =	swait.ge [sflag:s15], $0x4000  }
0x6a: {  	s29 =	sadd.s32 $0x1, s29;
	[sflag:s15] =	ssyncset.done $0x0  }
0x6b: {  	p0 =	sne.s32 s29, s11;
	[sflag:s15] =	ssyncadd.s32 $0xFFFFC000  }
.Ltmp1:
0x6c: {  	[bflag:$0x0] =	sbarrier.arrive $0xFFFF;
	(pc) =	sbr.rel @p0 .LBB2_1-.Ltmp1, $4  }
0x6d: {  	[hbm:s10], [sflag:s6] =	dma.local [spmem:s14], $0x2800  }
0x6e: {  	_ =	swait.ge [sflag:s15], $0x2800  }
0x6f: {  	[sflag:s15] =	ssyncset.done $0x0  }
0x70: {  	[sflag:s15] =	ssyncadd.s32 $0xFFFFD800  }
0x71: {  	_ =	sfence.sel $0x180000  }
0x72: {  	[bflag:$0x0] =	sbarrier.arrive $0xFFFF  }
0x73: {  	_ =	strace $0x9000004D  }
0x74: {  	s0 =	stileid.u32;
	[bflag:$0x2] =	sbarrier.arrive $0xFFFF  }
0x75: {  	p0 =	sne.s32 s0, $0x0;
	s0 =	rddreg [dreg:$0x2]  }
0x76: {  	s0 =	sadd.s32 @!p0 $0x100000, s0  }
0x77: {  	[sflag:s0] =	ssyncadd.tile.s32 @!p0 $0x1;
	_ =	shalt  }
.Lfunc_end2:
_tile_overlayer_lowered:
.L_overlay_start_2:
0x78: {  	(tag) =	ssettag $0x2  }
0x79: {  	s0 =	rddreg [dreg:$0x0];
	s2 =	stileid.u32  }
0x7a: {  	s1 =	rddreg [dreg:$0x1];
	p0 =	sne.s32 s2, $0x0  }
0x7b: {  	s3 =	rddreg [dreg:$0x2];
	[bflag:$0x3] =	sbarrier.arrive $0xFFFF;
	s2 =	simm.s32 @!p0 $0x1C05  }
0x7c: {  	[timem:s3], [sflag:s2] =	dma.local @!p0 [hbm:s0], s1  }
0x7d: {  	s0 =	simm.s32 @!p0 $0x5  }
0x7e: {  	_ =	swait.ge @!p0 [sflag:s0], s1  }
0x7f: {  	s1 =	ssub.s32 @!p0 $0x0, s1;
	[sflag:s0] =	ssyncset.done @!p0 $0x0  }
0x80: {  	[sflag:s0] =	ssyncadd.s32 @!p0 s1  }
0x81: {  	[bflag:$0x3] =	sbarrier.arrive $0xFFFF  }
0x82: {  	_ =	shalt  }

// kernel: kernel.21.cloned.1.call-start
scs
__scs_entry_jumppad:
0x0: {  	(pc) =	sbr.rel $0x88, $3  }
0x1: {  	(tag) =	ssettag $0x0;
	lr =	simm.s32 $0x1  }
0x2: {  	[smem:$0x3F96] =	sst lr;
	_ =	strace $0xD0000000  }
0x3: {  	_ = 	snop  }
0x4: {  	_ = 	snop  }
0x5: {  	_ = 	snop  }
0x6: {  	_ = 	snop  }
0x7: {  	_ = 	snop  }
__scs_overlays_trampoline_lowered:
0x8: {  	[smem:$0x3FA5] =	sst s0  }
0x9: {  	[smem:$0x3FA6] =	sst s1  }
0xa: {  	[smem:$0x3FA7] =	sst s2  }
0xb: {  	[smem:$0x3FA8] =	sst s3  }
0xc: {  	[smem:$0x3FA9] =	sst s4  }
0xd: {  	[smem:$0x3FAA] =	sst s5  }
0xe: {  	[smem:$0x3FAB] =	sst s6  }
0xf: {  	[smem:$0x3FAC] =	sst s7  }
0x10: {  	[smem:$0x3FAD] =	sst s8  }
0x11: {  	[smem:$0x3FAE] =	sst s9;
	s0 =	simm.s32 @!p0 $0x0  }
0x12: {  	s1 =	sld [smem:$0x3F94];
	s0 =	simm.s32 @p0 $0x1  }
0x13: {  	[smem:$0x3FAF] =	sst s0;
	s0 =	simm.s32 @!p1 $0x0  }
0x14: {  	s2 =	sld [smem:$0x3F93];
	s0 =	simm.s32 @p1 $0x1  }
0x15: {  	[smem:$0x3FB0] =	sst s0;
	s0 =	simm.s32 @!p2 $0x0  }
0x16: {  	s3 =	sld [smem:$0x3FDB];
	s0 =	simm.s32 @p2 $0x1  }
0x17: {  	s4 =	simm.s32 $0x1BF5;
	[smem:$0x3FB2] =	sst s0  }
0x18: {  	s0 =	sld [smem:$0x3F95];
	_ =	swait.ge [sflag:s4], $0x0  }
0x19: {  	s7 =	sld [smem:$0x3F96]  }
0x1a: {  	s8 =	sadd.s32 $0xFFFFE003, lr  }
0x1b: {  	s9 =	sadd.s32 $0xFFFFFEF7, lr;
	s5 =	simm.s32 $0xFFFFFFFF;
	p2 =	slt.u32 s8, $0xFFFFF086  }
0x1c: {  	p1 =	slt.u32 s9, $0xF7A;
	s5 =	simm.s32 @!p2 $0x0  }
0x1d: {  	s5 =	simm.s32 @p1 $0x1;
	p0 =	seq.s32 s7, s2  }
0x1e: {  	s7 =	smul.u32 @!p0 $0xF7A, s2;
	p2 =	seq.s32 @!p0 s5, $0x0  }
0x1f: {  	s9 =	smul.u32 $0xF7A, s1;
	s8 =	simm.s32 @!p0 $0x1BF5;
	p2 =	por !p2, p0  }
0x20: {  	[sflag:s8] =	ssyncset.s32 @!p0 $0xFFFFF086;
	s6 =	sadd.s32 @!p0 s3, s7;
	s7 =	simm.s32 @!p0 $0x108  }
0x21: {  	s3 =	sadd.s32 s3, s9;
	s6 =	sadd.s32 @!p0 $0x88, s6;
	s7 =	simm.s32 @p2 $0x1082  }
0x22: {  	[simem:s7], [sflag:s8] =	dma.local @!p0 [hbm:s6], $0xF7A  }
0x23: {  	s9 =	sor.u32 $0xD0000000, s2;
	s6 =	simm.s32 $0x108;
	_ =	swait.ge @!p0 [sflag:s8], $0x0  }
0x24: {  	s3 =	sadd.s32 $0x88, s3;
	s6 =	simm.s32 @!p1 $0x1082;
	[sflag:s4] =	ssyncset.s32 $0xFFFFF086  }
0x25: {  	[simem:s6], [sflag:s4] =	dma.local [hbm:s3], $0xF7A  }
0x26: {  	[smem:$0x3F96] =	sst s1;
	(tag) =	ssettag s2;
	_ =	strace s9  }
0x27: {  	s1 =	sld [smem:$0x3FA6]  }
0x28: {  	s2 =	sld [smem:$0x3FA7]  }
0x29: {  	s4 =	sld [smem:$0x3FA9]  }
0x2a: {  	p0 =	seq.s32 s5, $0x0;
	s5 =	sld [smem:$0x3FAA]  }
0x2b: {  	s6 =	sld [smem:$0x3FAB]  }
0x2c: {  	s7 =	sld [smem:$0x3FAC]  }
0x2d: {  	s3 =	simm.s32 $0x108;
	s8 =	sld [smem:$0x3FAD]  }
0x2e: {  	s3 =	simm.s32 @!p0 $0x1082;
	s9 =	sld [smem:$0x3FAE]  }
0x2f: {  	lr =	sadd.s32 s0, s3;
	s0 =	sld [smem:$0x3FA5]  }
0x30: {  	s3 =	sld [smem:$0x3FA8]  }
0x31: {  	[smem:$0x3FB1] =	sst s10  }
0x32: {  	s10 =	sld [smem:$0x3FAF];
	_ =	sdelay $0x3  }
0x33: {  	p0 =	seq.s32 s10, $0x1;
	s10 =	sld [smem:$0x3FB1];
	_ =	sdelay $0x3  }
0x34: {  	[smem:$0x3FB1] =	sst s10  }
0x35: {  	s10 =	sld [smem:$0x3FB0];
	_ =	sdelay $0x3  }
0x36: {  	p1 =	seq.s32 s10, $0x1;
	s10 =	sld [smem:$0x3FB1];
	_ =	sdelay $0x3  }
0x37: {  	[smem:$0x3FB1] =	sst s10  }
0x38: {  	s10 =	sld [smem:$0x3FB2]  }
0x39: {  	_ = 	snop;
	(pc) =	sbr.ind lr, $3  }
0x3a: {  	_ = 	snop  }
0x3b: {  	_ = 	snop  }
0x3c: {  	p2 =	seq.s32 s10, $0x1;
	s10 =	sld [smem:$0x3FB1]  }
0x3d: {  	_ =	shalt  }
0x3e: {  	_ =	shalt  }
0x3f: {  	_ =	shalt  }
0x40: {  	_ =	shalt  }
0x41: {  	_ =	shalt  }
0x42: {  	_ =	shalt  }
0x43: {  	_ =	shalt  }
0x44: {  	_ =	shalt  }
0x45: {  	_ =	shalt  }
0x46: {  	_ =	shalt  }
0x47: {  	_ =	shalt  }
0x48: {  	_ =	shalt  }
0x49: {  	_ =	shalt  }
0x4a: {  	_ =	shalt  }
0x4b: {  	_ =	shalt  }
0x4c: {  	_ =	shalt  }
0x4d: {  	_ =	shalt  }
0x4e: {  	_ =	shalt  }
0x4f: {  	_ =	shalt  }
0x50: {  	_ =	shalt  }
0x51: {  	_ =	shalt  }
0x52: {  	_ =	shalt  }
0x53: {  	_ =	shalt  }
0x54: {  	_ =	shalt  }
0x55: {  	_ =	shalt  }
0x56: {  	_ =	shalt  }
0x57: {  	_ =	shalt  }
0x58: {  	_ =	shalt  }
0x59: {  	_ =	shalt  }
0x5a: {  	_ =	shalt  }
0x5b: {  	_ =	shalt  }
0x5c: {  	_ =	shalt  }
0x5d: {  	_ =	shalt  }
0x5e: {  	_ =	shalt  }
0x5f: {  	_ =	shalt  }
0x60: {  	_ =	shalt  }
0x61: {  	_ =	shalt  }
0x62: {  	_ =	shalt  }
0x63: {  	_ =	shalt  }
0x64: {  	_ =	shalt  }
0x65: {  	_ =	shalt  }
0x66: {  	_ =	shalt  }
0x67: {  	_ =	shalt  }
0x68: {  	_ =	shalt  }
0x69: {  	_ =	shalt  }
0x6a: {  	_ =	shalt  }
0x6b: {  	_ =	shalt  }
0x6c: {  	_ =	shalt  }
0x6d: {  	_ =	shalt  }
0x6e: {  	_ =	shalt  }
0x6f: {  	_ =	shalt  }
0x70: {  	_ =	shalt  }
0x71: {  	_ =	shalt  }
0x72: {  	_ =	shalt  }
0x73: {  	_ =	shalt  }
0x74: {  	_ =	shalt  }
0x75: {  	_ =	shalt  }
0x76: {  	_ =	shalt  }
0x77: {  	_ =	shalt  }
0x78: {  	_ =	shalt  }
0x79: {  	_ =	shalt  }
0x7a: {  	_ =	shalt  }
0x7b: {  	_ =	shalt  }
0x7c: {  	_ =	shalt  }
0x7d: {  	_ =	shalt  }
0x7e: {  	_ =	shalt  }
0x7f: {  	_ =	shalt  }
0x80: {  	_ =	shalt  }
0x81: {  	_ =	shalt  }
0x82: {  	_ =	shalt  }
0x83: {  	_ =	shalt  }
0x84: {  	_ =	shalt  }
0x85: {  	_ =	shalt  }
0x86: {  	_ =	shalt  }
0x87: {  	_ =	shalt  }
.Lfunc_end0:
.L_simem_size_0:
called_computation.3_lowered:
.L_overlay_start_0:
0x88: {  	s2 =	sld [smem:$0x3FD9]  }
0x89: {  	s3 =	sld [smem:$0x3FFE];
	_ =	sdelay $0x1  }
0x8a: {  	s1 =	srdreg.scid  }
0x8b: {  	s0 =	sand.u32 $0x1, s1  }
0x8c: {  	s16 =	sshll.u32 s0, $0xA;
	s2 =	sadd.s32 s3, s2  }
0x8d: {  	s2 =	sadd.s32 s2, s16  }
0x8e: {  	[smem:$0x3FBD] =	sst s2  }
0x8f: {  	_ = 	snop  }
0x90: {  	(tm) =	ssettm $0x1  }
0x91: {  	s17 =	sld [smem:$0x3FFB];
	_ =	sdelay $0x3  }
0x92: {  	_ =	strace s17  }
0x93: {  	s2 =	sld [smem:$0x3FFC];
	_ =	sdelay $0x3  }
0x94: {  	_ =	strace s2  }
0x95: {  	s2 =	sld [smem:$0x3FFD];
	_ =	sdelay $0x3  }
0x96: {  	_ =	strace s2  }
0x97: {  	_ =	strace $0x8FFFFFFF  }
0x98: {  	s18 =	sld [smem:$0x3FDB];
	_ =	sdelay $0x1  }
0x99: {  	s19 =	simm.s32 $_scs_section_size  }
0x9a: {  	s4 =	simm.s32 $_size__tile_overlayer_lowered;
	s5 =	simm.s32 $_tile_overlayer_lowered  }
0x9b: {  	s22 =	simm.s32 $0x1BFF;
	s21 =	sshll.u32 s5, $0x1;
	s2 =	sadd.s32 s19, s18  }
0x9c: {  	s6 =	simm.s32 $0x0;
	s20 =	sshll.u32 s4, $0x1;
	s4 =	sadd.s32 s21, s2  }
0x9d: {  	[timem:s6], [sflag:s22] =	dma.local [hbm:s4], s20  }
0x9e: {  	_ =	swait.ge [sflag:s22], s20  }
0x9f: {  	s3 =	ssub.s32 $0x0, s20;
	[sflag:s22] =	ssyncset.done $0x0  }
0xa0: {  	[sflag:s22] =	ssyncadd.s32 s3;
	_ =	sdelay $0x1  }
0xa1: {  	s23 =	simm.s32 $0x1B8B  }
0xa2: {  	_ =	swait.ge [sflag:s23], $0x1  }
0xa3: {  	[sflag:s23] =	ssyncset.done $0x0  }
0xa4: {  	s25 =	simm.s32 $0x1B8E;
	s24 =	sld [smem:$0x3FFE];
	[sflag:s23] =	ssyncadd.s32 $0xFFFFFFFF  }
0xa5: {  	s26 =	simm.s32 $execute0_lowered;
	[smem:$0x3FD2] =	sst s25  }
0xa6: {  	s4 =	sshll.u32 s26, $0x1;
	_ =	strace $0x8000004F;
	[dreg:$0x1] =	wrdreg $0xFFFFFFFF  }
0xa7: {  	s28 =	simm.s32 $_size_execute0_lowered;
	s2 =	sadd.s32 s2, s4;
	[dreg:$0x0] =	wrdreg $0x0  }
0xa8: {  	s4 =	sshll.u32 s28, $0x1;
	[dreg:$0x2] =	wrdreg s2  }
0xa9: {  	[dreg:$0x3] =	wrdreg s4  }
0xaa: {  	[dreg:$0x4] =	wrdreg $0xC0  }
0xab: {  	_ =	task [dreg:s6], $0x5FFFF  }
0xac: {  	[dreg:$0x1] =	wrdreg $0xFFFFFFFF  }
0xad: {  	[dreg:$0x0] =	wrdreg $0x60  }
0xae: {  	[dreg:$0x2] =	wrdreg s24  }
0xaf: {  	[dreg:$0x3] =	wrdreg $0x0  }
0xb0: {  	[dreg:$0x4] =	wrdreg $0x9  }
0xb1: {  	_ =	task.clear_ibuf [dreg:s6], $0x5FFFF;
	_ =	strace $0x9000004F  }
0xb2: {  	s29 =	simm.s32 $0x9;
	_ =	strace $0x80000051  }
0xb3: {  	_ =	swait.ge [sflag:s29], $0x1  }
0xb4: {  	[sflag:s29] =	ssyncadd.s32 $0xFFFFFFFF  }
0xb5: {  	_ =	strace $0x90000051  }
0xb6: {  	_ =	sfence  }
0xb7: {  	s30 =	sld [smem:$0x0];
	_ =	sdelay $0x2  }
0xb8: {  	s31 =	sshll.u32 s1, $0xD;
	s1 =	sshrl.u32 s1, $0x2  }
0xb9: {  	s3 =	sand.u32 $0x4000, s31;
	s1 =	sadd.s32 s1, s30  }
0xba: {  	s0 =	sor.u32 s3, s0;
	s1 =	sshll.u32 s1, $0x11  }
0xbb: {  	s0 =	sor.u32 s1, s0  }
0xbc: {  	s0 =	sadd.s32 $0x8F2B, s0  }
0xbd: {  	[sflag:s0] =	ssyncadd.remote.s32 $0x1  }
0xbe: {  	_ =	sfence.sel $0xFFFF  }
0xbf: {  	[dreg:$0x0] =	wrdreg $0xFFFFFFFF;
	(pc) =	sbr.abs _section_cstart, $3  }
0xc0: {  	[dreg:$0x1] =	wrdreg $0xFFFFFFFF  }
0xc1: {  	_ =	task.clear_ibuf [dreg:s6], $0x2FFFF;
	_ =	strace $0x9FFFFFFF  }
0xc2: {  	(tm) =	ssettm $0x7FFFFFFF  }
0xc3: {  	_ =	shalt  }
tec
execute0_lowered:
.L_overlay_start_1:
0x0: {  	(tag) =	ssettag $0x1  }
0x1: {  	s6 =	rddreg [dreg:$0x0]  }
0x2: {  	s0 =	srdreg.scid;
	s2 =	rddreg [dreg:$0x1]  }
0x3: {  	s1 =	stileid.u32;
	s3 =	simm.s32 $0x0;
	s16 =	simm.s32 $0x14000  }
0x4: {  	s17 =	simm.s32 $0x16800;
	s18 =	simm.s32 $0x16C00;
	s19 =	simm.s32 $0x1  }
0x5: {  	s20 =	simm.s32 $0x80;
	s21 =	simm.s32 $0x17000;
	s22 =	simm.s32 $0x2  }
0x6: {  	s23 =	simm.s32 $0x3;
	s28 =	simm.s32 $0x16780;
	s29 =	simm.s32 $0x0  }
0x7: {  	s0 =	sand.u32 $0x1, s0;
	[smem:$0x7FF] =	sst s3;
	s7 =	smul.u32 $0x2800, s1  }
0x8: {  	s11 =	sadd.s32 $0x2B400, s6;
	s5 =	sadd.s32 $0x53400, s6;
	s12 =	smul.u32 $0x50000, s1  }
0x9: {  	s26 =	smul.u32 $0x50, s1;
	s31 =	sshll.u32 s1, $0x6;
	s4 =	sshll.u32 s0, $0x4  }
0xa: {  	_ =	strace $0x80000050;
	s9 =	smul.u32 $0x28000, s0;
	s24 =	ssub.s32 $0x2, s0  }
0xb: {  	s0 =	smul.u32 $0x500, s0;
	s4 =	sor.u32 s1, s4;
	s25 =	sshrl.u32 s24, $0x1  }
0xc: {  	s30 =	sshrl.u32 s12, $0x2;
	s8 =	smul.u32 $0x500, s4;
	s4 =	sadd.s32 $0x4200, s6  }
0xd: {  	s7 =	sadd.s32 s7, s9;
	s14 =	ssub.s32 s24, s25;
	s15 =	sadd.s32 s30, s2  }
0xe: {  	s0 =	sadd.s32 s26, s0;
	s24 =	simm.s32 $0x1B000;
	s25 =	simm.s32 $0x4  }
0xf: {  	s26 =	simm.s32 $0x16700;
	s13 =	sadd.s32 s7, s6;
	s0 =	sshll.u32 s0, $0x4  }
0x10: {  	s10 =	sadd.s32 s8, s6;
	s6 =	sor.u32 $0x1C05, s31;
	s8 =	sadd.s32 s11, s8  }
0x11: {  	s0 =	sadd.s32 s0, s11;
	s11 =	smax.u32 s14, $0x1;
	s14 =	sshrl.u32 s15, $0x3  }
0x12: {  	s15 =	simm.s32 $0x5;
	s7 =	sadd.s32 $0x35400, s10;
	s9 =	sadd.s32 $0x10, s8  }
0x13: {  	s10 =	sadd.s32 $0x55C00, s13;
	s12 =	sadd.s32 $0x30, s0;
	s13 =	sadd.s32 $0x20, s0  }
.LBB2_1:
0x14: {  	[spmem:s14], [sflag:s6] =	dma.local [hbm:s5], $0x2800  }
0x15: {  	_ =	swait.ge [sflag:s15], $0x2800  }
0x16: {  	[sflag:s15] =	ssyncset.done $0x0  }
0x17: {  	[sflag:s15] =	ssyncadd.s32 $0xFFFFD800  }
0x18: {  	[tilespmem:s16], [sflag:$0x5] =	stream.linear.gather [hbm4b:s7+s3], $0x2800, $0x38;
	[tilespmem:$0x1F000] =	vst v63  }
0x19: {  	_ =	swait.ge [sflag:s15], $0x2800  }
0x1a: {  	[sflag:s15] =	ssyncset.done $0x0  }
0x1b: {  	[sflag:s15] =	ssyncadd.s32 $0xFFFFD800  }
0x1c: {  	[bflag:$0x0] =	sbarrier.arrive $0xFFFF  }
0x1d: {  	[tilespmem:s17], [sflag:$0x1] =	stream.linear.gather [hbm4b:s8+s3], $0x80, $0x38;
	[tilespmem:$0x1F000] =	vst v63  }
0x1e: {  	_ = 	snop  }
0x1f: {  	[tilespmem:s18], [sflag:$0x2] =	stream.linear.gather [hbm4b:s9+s3], $0x80, $0x38;
	[tilespmem:$0x1F000] =	vst v63  }
0x20: {  	_ =	swait.ge [sflag:s19], $0x80  }
0x21: {  	[sflag:s19] =	ssyncset.done $0x0  }
0x22: {  	[sflag:s19] =	ssyncadd.s32 $0xFFFFFF80  }
0x23: {  	[tilespmem:s21], [sflag:$0x3] =	stream.indirect.gather [hbm4b:s4+s20], $0x80, s17, s20, $0xb8;
	[tilespmem:$0x1F000] =	vst v63  }
0x24: {  	_ =	swait.ge [sflag:s22], $0x80  }
0x25: {  	[sflag:s22] =	ssyncset.done $0x0  }
0x26: {  	[sflag:s22] =	ssyncadd.s32 $0xFFFFFF80  }
0x27: {  	_ =	swait.ge [sflag:s23], $0x4000  }
0x28: {  	[sflag:s23] =	ssyncset.done $0x0  }
0x29: {  	[sflag:s23] =	ssyncadd.s32 $0xFFFFC000  }
0x2a: {  	[tilespmem:s24], [sflag:$0x4] =	stream.indirect.gather [hbm4b:s4+s20], $0x80, s18, s20, $0xb8;
	[tilespmem:$0x1F000] =	vst v63  }
0x2b: {  	s0 =	simm.s32 $0x14000  }
0x2c: {  	[spmem:s2] =	stream.indirect.scatter.add.f32 [tilespmem:s21], [sflag:$0x5], $0x80, s0, s20, $0xb8;
	[tilespmem:$0x1F000] =	vst v63  }
0x2d: {  	_ =	swait.ge [sflag:s15], $0x4000  }
0x2e: {  	[sflag:s15] =	ssyncset.done $0x0  }
0x2f: {  	s1 =	sadd.s32 $0x0, s13;
	[sflag:s15] =	ssyncadd.s32 $0xFFFFC000  }
0x30: {  	[tilespmem:s17], [sflag:$0x1] =	stream.linear.gather [hbm4b:s1+s3], $0x80, $0x38;
	[tilespmem:$0x1F000] =	vst v63  }
0x31: {  	_ =	swait.ge [sflag:s19], $0x80  }
0x32: {  	[sflag:s19] =	ssyncset.done $0x0  }
0x33: {  	[sflag:s19] =	ssyncadd.s32 $0xFFFFFF80  }
0x34: {  	_ =	swait.ge [sflag:s25], $0x4000  }
0x35: {  	[sflag:s25] =	ssyncset.done $0x0  }
0x36: {  	[sflag:s25] =	ssyncadd.s32 $0xFFFFC000  }
0x37: {  	[tilespmem:s21], [sflag:$0x3] =	stream.indirect.gather [hbm4b:s4+s20], $0x80, s17, s20, $0xb8;
	[tilespmem:$0x1F000] =	vst v63  }
0x38: {  	s1 =	simm.s32 $0x14080  }
0x39: {  	[spmem:s2] =	stream.indirect.scatter.add.f32 [tilespmem:s24], [sflag:$0x5], $0x80, s1, s20, $0xb8;
	[tilespmem:$0x1F000] =	vst v63  }
0x3a: {  	_ =	swait.ge [sflag:s15], $0x4000  }
0x3b: {  	s30 =	simm.s32 $0x20;
	[sflag:s15] =	ssyncset.done $0x0  }
0x3c: {  	s31 =	simm.s32 $0x14180;
	s0 =	sadd.s32 $0x0, s12;
	[sflag:s15] =	ssyncadd.s32 $0xFFFFC000  }
.LBB2_2:
0x3d: {  	[tilespmem:s18], [sflag:$0x2] =	stream.linear.gather [hbm4b:s0+s3], $0x80, $0x38;
	[tilespmem:$0x1F000] =	vst v63  }
0x3e: {  	s0 =	smov.u32 s30  }
0x3f: {  	p0 =	sne.s32 s30, $0x4C0;
	s30 =	sadd.s32 $0x20, s30;
	_ =	swait.ge [sflag:s22], $0x80  }
0x40: {  	[sflag:s22] =	ssyncset.done $0x0  }
0x41: {  	[sflag:s22] =	ssyncadd.s32 $0xFFFFFF80  }
0x42: {  	_ =	swait.ge [sflag:s23], $0x4000  }
0x43: {  	[sflag:s23] =	ssyncset.done $0x0  }
0x44: {  	[sflag:s23] =	ssyncadd.s32 $0xFFFFC000  }
0x45: {  	[tilespmem:s24], [sflag:$0x4] =	stream.indirect.gather [hbm4b:s4+s20], $0x80, s18, s20, $0xb8;
	[tilespmem:$0x1F000] =	vst v63  }
0x46: {  	s1 =	sadd.s32 $0xFFFFFF80, s31  }
0x47: {  	[spmem:s2] =	stream.indirect.scatter.add.f32 [tilespmem:s21], [sflag:$0x5], $0x80, s1, s20, $0xb8;
	[tilespmem:$0x1F000] =	vst v63  }
0x48: {  	_ =	swait.ge [sflag:s15], $0x4000  }
0x49: {  	[sflag:s15] =	ssyncset.done $0x0  }
0x4a: {  	s1 =	sadd.s32 s0, s13;
	[sflag:s15] =	ssyncadd.s32 $0xFFFFC000  }
0x4b: {  	[tilespmem:s17], [sflag:$0x1] =	stream.linear.gather [hbm4b:s1+s3], $0x80, $0x38;
	[tilespmem:$0x1F000] =	vst v63  }
0x4c: {  	_ =	swait.ge [sflag:s19], $0x80  }
0x4d: {  	[sflag:s19] =	ssyncset.done $0x0  }
0x4e: {  	[sflag:s19] =	ssyncadd.s32 $0xFFFFFF80  }
0x4f: {  	_ =	swait.ge [sflag:s25], $0x4000  }
0x50: {  	[sflag:s25] =	ssyncset.done $0x0  }
0x51: {  	[sflag:s25] =	ssyncadd.s32 $0xFFFFC000  }
0x52: {  	[tilespmem:s21], [sflag:$0x3] =	stream.indirect.gather [hbm4b:s4+s20], $0x80, s17, s20, $0xb8;
	[tilespmem:$0x1F000] =	vst v63  }
.Ltmp0:
0x53: {  	(pc) =	sbr.rel @p0 .LBB2_2-.Ltmp0, $4  }
0x54: {  	[spmem:s2] =	stream.indirect.scatter.add.f32 [tilespmem:s24], [sflag:$0x5], $0x80, s31, s20, $0xb8;
	[tilespmem:$0x1F000] =	vst v63  }
0x55: {  	_ =	swait.ge [sflag:s15], $0x4000  }
0x56: {  	[sflag:s15] =	ssyncset.done $0x0  }
0x57: {  	s0 =	sadd.s32 s0, s12;
	s31 =	sadd.s32 $0x100, s31;
	[sflag:s15] =	ssyncadd.s32 $0xFFFFC000  }
0x58: {  	[tilespmem:s18], [sflag:$0x2] =	stream.linear.gather [hbm4b:s0+s3], $0x80, $0x38;
	[tilespmem:$0x1F000] =	vst v63  }
0x59: {  	_ =	swait.ge [sflag:s22], $0x80  }
0x5a: {  	[sflag:s22] =	ssyncset.done $0x0  }
0x5b: {  	[sflag:s22] =	ssyncadd.s32 $0xFFFFFF80  }
0x5c: {  	_ =	swait.ge [sflag:s23], $0x4000  }
0x5d: {  	[sflag:s23] =	ssyncset.done $0x0  }
0x5e: {  	[sflag:s23] =	ssyncadd.s32 $0xFFFFC000  }
0x5f: {  	[tilespmem:s24], [sflag:$0x4] =	stream.indirect.gather [hbm4b:s4+s20], $0x80, s18, s20, $0xb8;
	[tilespmem:$0x1F000] =	vst v63  }
0x60: {  	_ = 	snop  }
0x61: {  	[spmem:s2] =	stream.indirect.scatter.add.f32 [tilespmem:s21], [sflag:$0x5], $0x80, s26, s20, $0xb8;
	[tilespmem:$0x1F000] =	vst v63  }
0x62: {  	_ =	swait.ge [sflag:s15], $0x4000  }
0x63: {  	[sflag:s15] =	ssyncset.done $0x0  }
0x64: {  	[sflag:s15] =	ssyncadd.s32 $0xFFFFC000  }
0x65: {  	_ =	swait.ge [sflag:s25], $0x4000  }
0x66: {  	[sflag:s25] =	ssyncset.done $0x0  }
0x67: {  	[sflag:s25] =	ssyncadd.s32 $0xFFFFC000  }
0x68: {  	[spmem:s2] =	stream.indirect.scatter.add.f32 [tilespmem:s24], [sflag:$0x5], $0x80, s28, s20, $0xb8;
	[tilespmem:$0x1F000] =	vst v63  }
0x69: {  	_ =	swait.ge [sflag:s15], $0x4000  }
0x6a: {  	s29 =	sadd.s32 $0x1, s29;
	[sflag:s15] =	ssyncset.done $0x0  }
0x6b: {  	p0 =	sne.s32 s29, s11;
	[sflag:s15] =	ssyncadd.s32 $0xFFFFC000  }
.Ltmp1:
0x6c: {  	[bflag:$0x0] =	sbarrier.arrive $0xFFFF;
	(pc) =	sbr.rel @p0 .LBB2_1-.Ltmp1, $4  }
0x6d: {  	[hbm:s10], [sflag:s6] =	dma.local [spmem:s14], $0x2800  }
0x6e: {  	_ =	swait.ge [sflag:s15], $0x2800  }
0x6f: {  	[sflag:s15] =	ssyncset.done $0x0  }
0x70: {  	[sflag:s15] =	ssyncadd.s32 $0xFFFFD800  }
0x71: {  	_ =	sfence.sel $0x180000  }
0x72: {  	[bflag:$0x0] =	sbarrier.arrive $0xFFFF  }
0x73: {  	_ =	strace $0x90000050  }
0x74: {  	s0 =	stileid.u32;
	[bflag:$0x2] =	sbarrier.arrive $0xFFFF  }
0x75: {  	p0 =	sne.s32 s0, $0x0;
	s0 =	rddreg [dreg:$0x2]  }
0x76: {  	s0 =	sadd.s32 @!p0 $0x100000, s0  }
0x77: {  	[sflag:s0] =	ssyncadd.tile.s32 @!p0 $0x1;
	_ =	shalt  }
.Lfunc_end2:
_tile_overlayer_lowered:
.L_overlay_start_2:
0x78: {  	(tag) =	ssettag $0x2  }
0x79: {  	s0 =	rddreg [dreg:$0x0];
	s2 =	stileid.u32  }
0x7a: {  	s1 =	rddreg [dreg:$0x1];
	p0 =	sne.s32 s2, $0x0  }
0x7b: {  	s3 =	rddreg [dreg:$0x2];
	[bflag:$0x3] =	sbarrier.arrive $0xFFFF;
	s2 =	simm.s32 @!p0 $0x1C05  }
0x7c: {  	[timem:s3], [sflag:s2] =	dma.local @!p0 [hbm:s0], s1  }
0x7d: {  	s0 =	simm.s32 @!p0 $0x5  }
0x7e: {  	_ =	swait.ge @!p0 [sflag:s0], s1  }
0x7f: {  	s1 =	ssub.s32 @!p0 $0x0, s1;
	[sflag:s0] =	ssyncset.done @!p0 $0x0  }
0x80: {  	[sflag:s0] =	ssyncadd.s32 @!p0 s1  }
0x81: {  	[bflag:$0x3] =	sbarrier.arrive $0xFFFF  }
0x82: {  	_ =	shalt  }

// kernel: kernel.24.cloned.1.call-start
scs
__scs_entry_jumppad:
0x0: {  	(pc) =	sbr.rel $0x88, $3  }
0x1: {  	(tag) =	ssettag $0x0;
	lr =	simm.s32 $0x1  }
0x2: {  	[smem:$0x3F96] =	sst lr;
	_ =	strace $0xD0000000  }
0x3: {  	_ = 	snop  }
0x4: {  	_ = 	snop  }
0x5: {  	_ = 	snop  }
0x6: {  	_ = 	snop  }
0x7: {  	_ = 	snop  }
__scs_overlays_trampoline_lowered:
0x8: {  	[smem:$0x3FA5] =	sst s0  }
0x9: {  	[smem:$0x3FA6] =	sst s1  }
0xa: {  	[smem:$0x3FA7] =	sst s2  }
0xb: {  	[smem:$0x3FA8] =	sst s3  }
0xc: {  	[smem:$0x3FA9] =	sst s4  }
0xd: {  	[smem:$0x3FAA] =	sst s5  }
0xe: {  	[smem:$0x3FAB] =	sst s6  }
0xf: {  	[smem:$0x3FAC] =	sst s7  }
0x10: {  	[smem:$0x3FAD] =	sst s8  }
0x11: {  	[smem:$0x3FAE] =	sst s9;
	s0 =	simm.s32 @!p0 $0x0  }
0x12: {  	s1 =	sld [smem:$0x3F94];
	s0 =	simm.s32 @p0 $0x1  }
0x13: {  	[smem:$0x3FAF] =	sst s0;
	s0 =	simm.s32 @!p1 $0x0  }
0x14: {  	s2 =	sld [smem:$0x3F93];
	s0 =	simm.s32 @p1 $0x1  }
0x15: {  	[smem:$0x3FB0] =	sst s0;
	s0 =	simm.s32 @!p2 $0x0  }
0x16: {  	s3 =	sld [smem:$0x3FDB];
	s0 =	simm.s32 @p2 $0x1  }
0x17: {  	s4 =	simm.s32 $0x1BF5;
	[smem:$0x3FB2] =	sst s0  }
0x18: {  	s0 =	sld [smem:$0x3F95];
	_ =	swait.ge [sflag:s4], $0x0  }
0x19: {  	s7 =	sld [smem:$0x3F96]  }
0x1a: {  	s8 =	sadd.s32 $0xFFFFE003, lr  }
0x1b: {  	s9 =	sadd.s32 $0xFFFFFEF7, lr;
	s5 =	simm.s32 $0xFFFFFFFF;
	p2 =	slt.u32 s8, $0xFFFFF086  }
0x1c: {  	p1 =	slt.u32 s9, $0xF7A;
	s5 =	simm.s32 @!p2 $0x0  }
0x1d: {  	s5 =	simm.s32 @p1 $0x1;
	p0 =	seq.s32 s7, s2  }
0x1e: {  	s7 =	smul.u32 @!p0 $0xF7A, s2;
	p2 =	seq.s32 @!p0 s5, $0x0  }
0x1f: {  	s9 =	smul.u32 $0xF7A, s1;
	s8 =	simm.s32 @!p0 $0x1BF5;
	p2 =	por !p2, p0  }
0x20: {  	[sflag:s8] =	ssyncset.s32 @!p0 $0xFFFFF086;
	s6 =	sadd.s32 @!p0 s3, s7;
	s7 =	simm.s32 @!p0 $0x108  }
0x21: {  	s3 =	sadd.s32 s3, s9;
	s6 =	sadd.s32 @!p0 $0x88, s6;
	s7 =	simm.s32 @p2 $0x1082  }
0x22: {  	[simem:s7], [sflag:s8] =	dma.local @!p0 [hbm:s6], $0xF7A  }
0x23: {  	s9 =	sor.u32 $0xD0000000, s2;
	s6 =	simm.s32 $0x108;
	_ =	swait.ge @!p0 [sflag:s8], $0x0  }
0x24: {  	s3 =	sadd.s32 $0x88, s3;
	s6 =	simm.s32 @!p1 $0x1082;
	[sflag:s4] =	ssyncset.s32 $0xFFFFF086  }
0x25: {  	[simem:s6], [sflag:s4] =	dma.local [hbm:s3], $0xF7A  }
0x26: {  	[smem:$0x3F96] =	sst s1;
	(tag) =	ssettag s2;
	_ =	strace s9  }
0x27: {  	s1 =	sld [smem:$0x3FA6]  }
0x28: {  	s2 =	sld [smem:$0x3FA7]  }
0x29: {  	s4 =	sld [smem:$0x3FA9]  }
0x2a: {  	p0 =	seq.s32 s5, $0x0;
	s5 =	sld [smem:$0x3FAA]  }
0x2b: {  	s6 =	sld [smem:$0x3FAB]  }
0x2c: {  	s7 =	sld [smem:$0x3FAC]  }
0x2d: {  	s3 =	simm.s32 $0x108;
	s8 =	sld [smem:$0x3FAD]  }
0x2e: {  	s3 =	simm.s32 @!p0 $0x1082;
	s9 =	sld [smem:$0x3FAE]  }
0x2f: {  	lr =	sadd.s32 s0, s3;
	s0 =	sld [smem:$0x3FA5]  }
0x30: {  	s3 =	sld [smem:$0x3FA8]  }
0x31: {  	[smem:$0x3FB1] =	sst s10  }
0x32: {  	s10 =	sld [smem:$0x3FAF];
	_ =	sdelay $0x3  }
0x33: {  	p0 =	seq.s32 s10, $0x1;
	s10 =	sld [smem:$0x3FB1];
	_ =	sdelay $0x3  }
0x34: {  	[smem:$0x3FB1] =	sst s10  }
0x35: {  	s10 =	sld [smem:$0x3FB0];
	_ =	sdelay $0x3  }
0x36: {  	p1 =	seq.s32 s10, $0x1;
	s10 =	sld [smem:$0x3FB1];
	_ =	sdelay $0x3  }
0x37: {  	[smem:$0x3FB1] =	sst s10  }
0x38: {  	s10 =	sld [smem:$0x3FB2]  }
0x39: {  	_ = 	snop;
	(pc) =	sbr.ind lr, $3  }
0x3a: {  	_ = 	snop  }
0x3b: {  	_ = 	snop  }
0x3c: {  	p2 =	seq.s32 s10, $0x1;
	s10 =	sld [smem:$0x3FB1]  }
0x3d: {  	_ =	shalt  }
0x3e: {  	_ =	shalt  }
0x3f: {  	_ =	shalt  }
0x40: {  	_ =	shalt  }
0x41: {  	_ =	shalt  }
0x42: {  	_ =	shalt  }
0x43: {  	_ =	shalt  }
0x44: {  	_ =	shalt  }
0x45: {  	_ =	shalt  }
0x46: {  	_ =	shalt  }
0x47: {  	_ =	shalt  }
0x48: {  	_ =	shalt  }
0x49: {  	_ =	shalt  }
0x4a: {  	_ =	shalt  }
0x4b: {  	_ =	shalt  }
0x4c: {  	_ =	shalt  }
0x4d: {  	_ =	shalt  }
0x4e: {  	_ =	shalt  }
0x4f: {  	_ =	shalt  }
0x50: {  	_ =	shalt  }
0x51: {  	_ =	shalt  }
0x52: {  	_ =	shalt  }
0x53: {  	_ =	shalt  }
0x54: {  	_ =	shalt  }
0x55: {  	_ =	shalt  }
0x56: {  	_ =	shalt  }
0x57: {  	_ =	shalt  }
0x58: {  	_ =	shalt  }
0x59: {  	_ =	shalt  }
0x5a: {  	_ =	shalt  }
0x5b: {  	_ =	shalt  }
0x5c: {  	_ =	shalt  }
0x5d: {  	_ =	shalt  }
0x5e: {  	_ =	shalt  }
0x5f: {  	_ =	shalt  }
0x60: {  	_ =	shalt  }
0x61: {  	_ =	shalt  }
0x62: {  	_ =	shalt  }
0x63: {  	_ =	shalt  }
0x64: {  	_ =	shalt  }
0x65: {  	_ =	shalt  }
0x66: {  	_ =	shalt  }
0x67: {  	_ =	shalt  }
0x68: {  	_ =	shalt  }
0x69: {  	_ =	shalt  }
0x6a: {  	_ =	shalt  }
0x6b: {  	_ =	shalt  }
0x6c: {  	_ =	shalt  }
0x6d: {  	_ =	shalt  }
0x6e: {  	_ =	shalt  }
0x6f: {  	_ =	shalt  }
0x70: {  	_ =	shalt  }
0x71: {  	_ =	shalt  }
0x72: {  	_ =	shalt  }
0x73: {  	_ =	shalt  }
0x74: {  	_ =	shalt  }
0x75: {  	_ =	shalt  }
0x76: {  	_ =	shalt  }
0x77: {  	_ =	shalt  }
0x78: {  	_ =	shalt  }
0x79: {  	_ =	shalt  }
0x7a: {  	_ =	shalt  }
0x7b: {  	_ =	shalt  }
0x7c: {  	_ =	shalt  }
0x7d: {  	_ =	shalt  }
0x7e: {  	_ =	shalt  }
0x7f: {  	_ =	shalt  }
0x80: {  	_ =	shalt  }
0x81: {  	_ =	shalt  }
0x82: {  	_ =	shalt  }
0x83: {  	_ =	shalt  }
0x84: {  	_ =	shalt  }
0x85: {  	_ =	shalt  }
0x86: {  	_ =	shalt  }
0x87: {  	_ =	shalt  }
.Lfunc_end0:
.L_simem_size_0:
called_computation.4_lowered:
.L_overlay_start_0:
0x88: {  	s2 =	sld [smem:$0x3FD9]  }
0x89: {  	s3 =	sld [smem:$0x3FFE];
	_ =	sdelay $0x1  }
0x8a: {  	s1 =	srdreg.scid  }
0x8b: {  	s0 =	sand.u32 $0x1, s1  }
0x8c: {  	s16 =	sshll.u32 s0, $0xA;
	s2 =	sadd.s32 s3, s2  }
0x8d: {  	s2 =	sadd.s32 s2, s16  }
0x8e: {  	[smem:$0x3FBD] =	sst s2  }
0x8f: {  	_ = 	snop  }
0x90: {  	(tm) =	ssettm $0x1  }
0x91: {  	s17 =	sld [smem:$0x3FFB];
	_ =	sdelay $0x3  }
0x92: {  	_ =	strace s17  }
0x93: {  	s2 =	sld [smem:$0x3FFC];
	_ =	sdelay $0x3  }
0x94: {  	_ =	strace s2  }
0x95: {  	s2 =	sld [smem:$0x3FFD];
	_ =	sdelay $0x3  }
0x96: {  	_ =	strace s2  }
0x97: {  	_ =	strace $0x8FFFFFFF  }
0x98: {  	s18 =	sld [smem:$0x3FDB];
	_ =	sdelay $0x1  }
0x99: {  	s19 =	simm.s32 $_scs_section_size  }
0x9a: {  	s4 =	simm.s32 $_size__tile_overlayer_lowered;
	s5 =	simm.s32 $_tile_overlayer_lowered  }
0x9b: {  	s22 =	simm.s32 $0x1BFF;
	s21 =	sshll.u32 s5, $0x1;
	s2 =	sadd.s32 s19, s18  }
0x9c: {  	s6 =	simm.s32 $0x0;
	s20 =	sshll.u32 s4, $0x1;
	s4 =	sadd.s32 s21, s2  }
0x9d: {  	[timem:s6], [sflag:s22] =	dma.local [hbm:s4], s20  }
0x9e: {  	_ =	swait.ge [sflag:s22], s20  }
0x9f: {  	s3 =	ssub.s32 $0x0, s20;
	[sflag:s22] =	ssyncset.done $0x0  }
0xa0: {  	[sflag:s22] =	ssyncadd.s32 s3;
	_ =	sdelay $0x1  }
0xa1: {  	s23 =	simm.s32 $0x1B8B  }
0xa2: {  	_ =	swait.ge [sflag:s23], $0x1  }
0xa3: {  	[sflag:s23] =	ssyncset.done $0x0  }
0xa4: {  	s25 =	simm.s32 $0x1B8E;
	s24 =	sld [smem:$0x3FFE];
	[sflag:s23] =	ssyncadd.s32 $0xFFFFFFFF  }
0xa5: {  	s26 =	simm.s32 $execute0_lowered;
	[smem:$0x3FD2] =	sst s25  }
0xa6: {  	s4 =	sshll.u32 s26, $0x1;
	_ =	strace $0x80000052;
	[dreg:$0x1] =	wrdreg $0xFFFFFFFF  }
0xa7: {  	s28 =	simm.s32 $_size_execute0_lowered;
	s2 =	sadd.s32 s2, s4;
	[dreg:$0x0] =	wrdreg $0x0  }
0xa8: {  	s4 =	sshll.u32 s28, $0x1;
	[dreg:$0x2] =	wrdreg s2  }
0xa9: {  	[dreg:$0x3] =	wrdreg s4  }
0xaa: {  	[dreg:$0x4] =	wrdreg $0xC0  }
0xab: {  	_ =	task [dreg:s6], $0x5FFFF  }
0xac: {  	[dreg:$0x1] =	wrdreg $0xFFFFFFFF  }
0xad: {  	[dreg:$0x0] =	wrdreg $0x60  }
0xae: {  	[dreg:$0x2] =	wrdreg s24  }
0xaf: {  	[dreg:$0x3] =	wrdreg $0x0  }
0xb0: {  	[dreg:$0x4] =	wrdreg $0x9  }
0xb1: {  	_ =	task.clear_ibuf [dreg:s6], $0x5FFFF;
	_ =	strace $0x90000052  }
0xb2: {  	s29 =	simm.s32 $0x9;
	_ =	strace $0x80000054  }
0xb3: {  	_ =	swait.ge [sflag:s29], $0x1  }
0xb4: {  	[sflag:s29] =	ssyncadd.s32 $0xFFFFFFFF  }
0xb5: {  	_ =	strace $0x90000054  }
0xb6: {  	_ =	sfence  }
0xb7: {  	s30 =	sld [smem:$0x0];
	_ =	sdelay $0x2  }
0xb8: {  	s31 =	sshll.u32 s1, $0xD;
	s1 =	sshrl.u32 s1, $0x2  }
0xb9: {  	s3 =	sand.u32 $0x4000, s31;
	s1 =	sadd.s32 s1, s30  }
0xba: {  	s0 =	sor.u32 s3, s0;
	s1 =	sshll.u32 s1, $0x11  }
0xbb: {  	s0 =	sor.u32 s1, s0  }
0xbc: {  	s0 =	sadd.s32 $0x8F2B, s0  }
0xbd: {  	[sflag:s0] =	ssyncadd.remote.s32 $0x1  }
0xbe: {  	_ =	sfence.sel $0xFFFF  }
0xbf: {  	[dreg:$0x0] =	wrdreg $0xFFFFFFFF;
	(pc) =	sbr.abs _section_cstart, $3  }
0xc0: {  	[dreg:$0x1] =	wrdreg $0xFFFFFFFF  }
0xc1: {  	_ =	task.clear_ibuf [dreg:s6], $0x2FFFF;
	_ =	strace $0x9FFFFFFF  }
0xc2: {  	(tm) =	ssettm $0x7FFFFFFF  }
0xc3: {  	_ =	shalt  }
tec
execute0_lowered:
.L_overlay_start_1:
0x0: {  	(tag) =	ssettag $0x1  }
0x1: {  	s6 =	rddreg [dreg:$0x0]  }
0x2: {  	s0 =	srdreg.scid;
	s2 =	rddreg [dreg:$0x1]  }
0x3: {  	s1 =	stileid.u32;
	s3 =	simm.s32 $0x0;
	s16 =	simm.s32 $0x14000  }
0x4: {  	s17 =	simm.s32 $0x16800;
	s18 =	simm.s32 $0x16C00;
	s19 =	simm.s32 $0x1  }
0x5: {  	s20 =	simm.s32 $0x80;
	s21 =	simm.s32 $0x17000;
	s22 =	simm.s32 $0x2  }
0x6: {  	s23 =	simm.s32 $0x3;
	s28 =	simm.s32 $0x16780;
	s29 =	simm.s32 $0x0  }
0x7: {  	s0 =	sand.u32 $0x1, s0;
	[smem:$0x7FF] =	sst s3;
	s7 =	smul.u32 $0x2800, s1  }
0x8: {  	s11 =	sadd.s32 $0x49400, s6;
	s5 =	sadd.s32 $0x53400, s6;
	s12 =	smul.u32 $0x50000, s1  }
0x9: {  	s26 =	smul.u32 $0x50, s1;
	s31 =	sshll.u32 s1, $0x6;
	s4 =	sshll.u32 s0, $0x4  }
0xa: {  	_ =	strace $0x80000053;
	s9 =	smul.u32 $0x28000, s0;
	s24 =	ssub.s32 $0x2, s0  }
0xb: {  	s0 =	smul.u32 $0x500, s0;
	s4 =	sor.u32 s1, s4;
	s25 =	sshrl.u32 s24, $0x1  }
0xc: {  	s30 =	sshrl.u32 s12, $0x2;
	s8 =	smul.u32 $0x500, s4;
	s4 =	sadd.s32 $0x4200, s6  }
0xd: {  	s7 =	sadd.s32 s7, s9;
	s14 =	ssub.s32 s24, s25;
	s15 =	sadd.s32 s30, s2  }
0xe: {  	s0 =	sadd.s32 s26, s0;
	s24 =	simm.s32 $0x1B000;
	s25 =	simm.s32 $0x4  }
0xf: {  	s26 =	simm.s32 $0x16700;
	s13 =	sadd.s32 s7, s6;
	s0 =	sshll.u32 s0, $0x4  }
0x10: {  	s10 =	sadd.s32 s8, s6;
	s6 =	sor.u32 $0x1C05, s31;
	s8 =	sadd.s32 s11, s8  }
0x11: {  	s0 =	sadd.s32 s0, s11;
	s11 =	smax.u32 s14, $0x1;
	s14 =	sshrl.u32 s15, $0x3  }
0x12: {  	s15 =	simm.s32 $0x5;
	s7 =	sadd.s32 $0x3F400, s10;
	s9 =	sadd.s32 $0x10, s8  }
0x13: {  	s10 =	sadd.s32 $0x55C00, s13;
	s12 =	sadd.s32 $0x30, s0;
	s13 =	sadd.s32 $0x20, s0  }
.LBB2_1:
0x14: {  	[spmem:s14], [sflag:s6] =	dma.local [hbm:s5], $0x2800  }
0x15: {  	_ =	swait.ge [sflag:s15], $0x2800  }
0x16: {  	[sflag:s15] =	ssyncset.done $0x0  }
0x17: {  	[sflag:s15] =	ssyncadd.s32 $0xFFFFD800  }
0x18: {  	[tilespmem:s16], [sflag:$0x5] =	stream.linear.gather [hbm4b:s7+s3], $0x2800, $0x38;
	[tilespmem:$0x1F000] =	vst v63  }
0x19: {  	_ =	swait.ge [sflag:s15], $0x2800  }
0x1a: {  	[sflag:s15] =	ssyncset.done $0x0  }
0x1b: {  	[sflag:s15] =	ssyncadd.s32 $0xFFFFD800  }
0x1c: {  	[bflag:$0x0] =	sbarrier.arrive $0xFFFF  }
0x1d: {  	[tilespmem:s17], [sflag:$0x1] =	stream.linear.gather [hbm4b:s8+s3], $0x80, $0x38;
	[tilespmem:$0x1F000] =	vst v63  }
0x1e: {  	_ = 	snop  }
0x1f: {  	[tilespmem:s18], [sflag:$0x2] =	stream.linear.gather [hbm4b:s9+s3], $0x80, $0x38;
	[tilespmem:$0x1F000] =	vst v63  }
0x20: {  	_ =	swait.ge [sflag:s19], $0x80  }
0x21: {  	[sflag:s19] =	ssyncset.done $0x0  }
0x22: {  	[sflag:s19] =	ssyncadd.s32 $0xFFFFFF80  }
0x23: {  	[tilespmem:s21], [sflag:$0x3] =	stream.indirect.gather [hbm4b:s4+s20], $0x80, s17, s20, $0xb8;
	[tilespmem:$0x1F000] =	vst v63  }
0x24: {  	_ =	swait.ge [sflag:s22], $0x80  }
0x25: {  	[sflag:s22] =	ssyncset.done $0x0  }
0x26: {  	[sflag:s22] =	ssyncadd.s32 $0xFFFFFF80  }
0x27: {  	_ =	swait.ge [sflag:s23], $0x4000  }
0x28: {  	[sflag:s23] =	ssyncset.done $0x0  }
0x29: {  	[sflag:s23] =	ssyncadd.s32 $0xFFFFC000  }
0x2a: {  	[tilespmem:s24], [sflag:$0x4] =	stream.indirect.gather [hbm4b:s4+s20], $0x80, s18, s20, $0xb8;
	[tilespmem:$0x1F000] =	vst v63  }
0x2b: {  	s0 =	simm.s32 $0x14000  }
0x2c: {  	[spmem:s2] =	stream.indirect.scatter.add.f32 [tilespmem:s21], [sflag:$0x5], $0x80, s0, s20, $0xb8;
	[tilespmem:$0x1F000] =	vst v63  }
0x2d: {  	_ =	swait.ge [sflag:s15], $0x4000  }
0x2e: {  	[sflag:s15] =	ssyncset.done $0x0  }
0x2f: {  	s1 =	sadd.s32 $0x0, s13;
	[sflag:s15] =	ssyncadd.s32 $0xFFFFC000  }
0x30: {  	[tilespmem:s17], [sflag:$0x1] =	stream.linear.gather [hbm4b:s1+s3], $0x80, $0x38;
	[tilespmem:$0x1F000] =	vst v63  }
0x31: {  	_ =	swait.ge [sflag:s19], $0x80  }
0x32: {  	[sflag:s19] =	ssyncset.done $0x0  }
0x33: {  	[sflag:s19] =	ssyncadd.s32 $0xFFFFFF80  }
0x34: {  	_ =	swait.ge [sflag:s25], $0x4000  }
0x35: {  	[sflag:s25] =	ssyncset.done $0x0  }
0x36: {  	[sflag:s25] =	ssyncadd.s32 $0xFFFFC000  }
0x37: {  	[tilespmem:s21], [sflag:$0x3] =	stream.indirect.gather [hbm4b:s4+s20], $0x80, s17, s20, $0xb8;
	[tilespmem:$0x1F000] =	vst v63  }
0x38: {  	s1 =	simm.s32 $0x14080  }
0x39: {  	[spmem:s2] =	stream.indirect.scatter.add.f32 [tilespmem:s24], [sflag:$0x5], $0x80, s1, s20, $0xb8;
	[tilespmem:$0x1F000] =	vst v63  }
0x3a: {  	_ =	swait.ge [sflag:s15], $0x4000  }
0x3b: {  	s30 =	simm.s32 $0x20;
	[sflag:s15] =	ssyncset.done $0x0  }
0x3c: {  	s31 =	simm.s32 $0x14180;
	s0 =	sadd.s32 $0x0, s12;
	[sflag:s15] =	ssyncadd.s32 $0xFFFFC000  }
.LBB2_2:
0x3d: {  	[tilespmem:s18], [sflag:$0x2] =	stream.linear.gather [hbm4b:s0+s3], $0x80, $0x38;
	[tilespmem:$0x1F000] =	vst v63  }
0x3e: {  	s0 =	smov.u32 s30  }
0x3f: {  	p0 =	sne.s32 s30, $0x4C0;
	s30 =	sadd.s32 $0x20, s30;
	_ =	swait.ge [sflag:s22], $0x80  }
0x40: {  	[sflag:s22] =	ssyncset.done $0x0  }
0x41: {  	[sflag:s22] =	ssyncadd.s32 $0xFFFFFF80  }
0x42: {  	_ =	swait.ge [sflag:s23], $0x4000  }
0x43: {  	[sflag:s23] =	ssyncset.done $0x0  }
0x44: {  	[sflag:s23] =	ssyncadd.s32 $0xFFFFC000  }
0x45: {  	[tilespmem:s24], [sflag:$0x4] =	stream.indirect.gather [hbm4b:s4+s20], $0x80, s18, s20, $0xb8;
	[tilespmem:$0x1F000] =	vst v63  }
0x46: {  	s1 =	sadd.s32 $0xFFFFFF80, s31  }
0x47: {  	[spmem:s2] =	stream.indirect.scatter.add.f32 [tilespmem:s21], [sflag:$0x5], $0x80, s1, s20, $0xb8;
	[tilespmem:$0x1F000] =	vst v63  }
0x48: {  	_ =	swait.ge [sflag:s15], $0x4000  }
0x49: {  	[sflag:s15] =	ssyncset.done $0x0  }
0x4a: {  	s1 =	sadd.s32 s0, s13;
	[sflag:s15] =	ssyncadd.s32 $0xFFFFC000  }
0x4b: {  	[tilespmem:s17], [sflag:$0x1] =	stream.linear.gather [hbm4b:s1+s3], $0x80, $0x38;
	[tilespmem:$0x1F000] =	vst v63  }
0x4c: {  	_ =	swait.ge [sflag:s19], $0x80  }
0x4d: {  	[sflag:s19] =	ssyncset.done $0x0  }
0x4e: {  	[sflag:s19] =	ssyncadd.s32 $0xFFFFFF80  }
0x4f: {  	_ =	swait.ge [sflag:s25], $0x4000  }
0x50: {  	[sflag:s25] =	ssyncset.done $0x0  }
0x51: {  	[sflag:s25] =	ssyncadd.s32 $0xFFFFC000  }
0x52: {  	[tilespmem:s21], [sflag:$0x3] =	stream.indirect.gather [hbm4b:s4+s20], $0x80, s17, s20, $0xb8;
	[tilespmem:$0x1F000] =	vst v63  }
.Ltmp0:
0x53: {  	(pc) =	sbr.rel @p0 .LBB2_2-.Ltmp0, $4  }
0x54: {  	[spmem:s2] =	stream.indirect.scatter.add.f32 [tilespmem:s24], [sflag:$0x5], $0x80, s31, s20, $0xb8;
	[tilespmem:$0x1F000] =	vst v63  }
0x55: {  	_ =	swait.ge [sflag:s15], $0x4000  }
0x56: {  	[sflag:s15] =	ssyncset.done $0x0  }
0x57: {  	s0 =	sadd.s32 s0, s12;
	s31 =	sadd.s32 $0x100, s31;
	[sflag:s15] =	ssyncadd.s32 $0xFFFFC000  }
0x58: {  	[tilespmem:s18], [sflag:$0x2] =	stream.linear.gather [hbm4b:s0+s3], $0x80, $0x38;
	[tilespmem:$0x1F000] =	vst v63  }
0x59: {  	_ =	swait.ge [sflag:s22], $0x80  }
0x5a: {  	[sflag:s22] =	ssyncset.done $0x0  }
0x5b: {  	[sflag:s22] =	ssyncadd.s32 $0xFFFFFF80  }
0x5c: {  	_ =	swait.ge [sflag:s23], $0x4000  }
0x5d: {  	[sflag:s23] =	ssyncset.done $0x0  }
0x5e: {  	[sflag:s23] =	ssyncadd.s32 $0xFFFFC000  }
0x5f: {  	[tilespmem:s24], [sflag:$0x4] =	stream.indirect.gather [hbm4b:s4+s20], $0x80, s18, s20, $0xb8;
	[tilespmem:$0x1F000] =	vst v63  }
0x60: {  	_ = 	snop  }
0x61: {  	[spmem:s2] =	stream.indirect.scatter.add.f32 [tilespmem:s21], [sflag:$0x5], $0x80, s26, s20, $0xb8;
	[tilespmem:$0x1F000] =	vst v63  }
0x62: {  	_ =	swait.ge [sflag:s15], $0x4000  }
0x63: {  	[sflag:s15] =	ssyncset.done $0x0  }
0x64: {  	[sflag:s15] =	ssyncadd.s32 $0xFFFFC000  }
0x65: {  	_ =	swait.ge [sflag:s25], $0x4000  }
0x66: {  	[sflag:s25] =	ssyncset.done $0x0  }
0x67: {  	[sflag:s25] =	ssyncadd.s32 $0xFFFFC000  }
0x68: {  	[spmem:s2] =	stream.indirect.scatter.add.f32 [tilespmem:s24], [sflag:$0x5], $0x80, s28, s20, $0xb8;
	[tilespmem:$0x1F000] =	vst v63  }
0x69: {  	_ =	swait.ge [sflag:s15], $0x4000  }
0x6a: {  	s29 =	sadd.s32 $0x1, s29;
	[sflag:s15] =	ssyncset.done $0x0  }
0x6b: {  	p0 =	sne.s32 s29, s11;
	[sflag:s15] =	ssyncadd.s32 $0xFFFFC000  }
.Ltmp1:
0x6c: {  	[bflag:$0x0] =	sbarrier.arrive $0xFFFF;
	(pc) =	sbr.rel @p0 .LBB2_1-.Ltmp1, $4  }
0x6d: {  	[hbm:s10], [sflag:s6] =	dma.local [spmem:s14], $0x2800  }
0x6e: {  	_ =	swait.ge [sflag:s15], $0x2800  }
0x6f: {  	[sflag:s15] =	ssyncset.done $0x0  }
0x70: {  	[sflag:s15] =	ssyncadd.s32 $0xFFFFD800  }
0x71: {  	_ =	sfence.sel $0x180000  }
0x72: {  	[bflag:$0x0] =	sbarrier.arrive $0xFFFF  }
0x73: {  	_ =	strace $0x90000053  }
0x74: {  	s0 =	stileid.u32;
	[bflag:$0x2] =	sbarrier.arrive $0xFFFF  }
0x75: {  	p0 =	sne.s32 s0, $0x0;
	s0 =	rddreg [dreg:$0x2]  }
0x76: {  	s0 =	sadd.s32 @!p0 $0x100000, s0  }
0x77: {  	[sflag:s0] =	ssyncadd.tile.s32 @!p0 $0x1;
	_ =	shalt  }
.Lfunc_end2:
_tile_overlayer_lowered:
.L_overlay_start_2:
0x78: {  	(tag) =	ssettag $0x2  }
0x79: {  	s0 =	rddreg [dreg:$0x0];
	s2 =	stileid.u32  }
0x7a: {  	s1 =	rddreg [dreg:$0x1];
	p0 =	sne.s32 s2, $0x0  }
0x7b: {  	s3 =	rddreg [dreg:$0x2];
	[bflag:$0x3] =	sbarrier.arrive $0xFFFF;
	s2 =	simm.s32 @!p0 $0x1C05  }
0x7c: {  	[timem:s3], [sflag:s2] =	dma.local @!p0 [hbm:s0], s1  }
0x7d: {  	s0 =	simm.s32 @!p0 $0x5  }
0x7e: {  	_ =	swait.ge @!p0 [sflag:s0], s1  }
0x7f: {  	s1 =	ssub.s32 @!p0 $0x0, s1;
	[sflag:s0] =	ssyncset.done @!p0 $0x0  }
0x80: {  	[sflag:s0] =	ssyncadd.s32 @!p0 s1  }
0x81: {  	[bflag:$0x3] =	sbarrier.arrive $0xFFFF  }
0x82: {  	_ =	shalt  }

</sc_bundles>
